<compile_context>
chip_gen: v7x
topology: tpu7x:2x2x1
jax: 0.10.2.dev20260603
libtpu: 0.0.44.dev20260713+nightly
codegen_flags: <defaults>
</compile_context>

<pallas_src>
import functools

import jax
import jax.numpy as jnp
from jax import lax
from jax.experimental import pallas as pl
from jax.experimental.pallas import tpu as pltpu
from jax.experimental.pallas import tpu_sc as plsc

_SEQ = 50
_BT = 8
_DT = 125
_NW = 32
_NTASK = _SEQ * _BT
_TPW = (_NTASK + _NW - 1) // _NW
_QW = 256
_CDT = 8


def _make_gather():
  mesh = plsc.VectorSubcoreMesh(core_axis_name="c", subcore_axis_name="s")

  @functools.partial(
      pl.kernel,
      out_type=jax.ShapeDtypeStruct((_SEQ, _DT, _BT, 8, 128), jnp.float32),
      mesh=mesh,
      compiler_params=pltpu.CompilerParams(use_tc_tiling_on_sc=True,
                                           needs_layout_passes=False),
      scratch_types=[
          pltpu.VMEM((128,), jnp.int32),
          pltpu.VMEM((2, 128, _QW + 8), jnp.float32),
          pltpu.VMEM((_CDT, 8, 128), jnp.float32),
          pltpu.SemaphoreType.DMA,
          pltpu.SemaphoreType.DMA,
      ],
  )
  def gather_kernel(idx_hbm, table_hbm, out_hbm, idx_v, rows_v, z_v,
                    sg0, sg1):
    wid = lax.axis_index("s") * 2 + lax.axis_index("c")
    sems_g = (sg0, sg1)
    bvecs = [lax.iota(jnp.int32, 16) + bq * 16 for bq in range(8)]

    def rows_src(q):
      return table_hbm.at[idx_v, pl.ds(q * _QW, _QW)]

    def rows_dst(qb):
      return rows_v.at[qb, :, pl.ds(0, _QW)]

    @pl.loop(0, _TPW)
    def _(j):
      t = wid + _NW * j

      @pl.when(t < _NTASK)
      def _():
        s = t // _BT
        bt = t % _BT
        pltpu.sync_copy(idx_hbm.at[s, pl.ds(bt * 128, 128)], idx_v)
        pltpu.async_copy(rows_src(0), rows_dst(0), sems_g[0])

        def do_chunk(q, qb, c, nk):
          @plsc.parallel_loop(0, nk * 8)
          def _(i):
            k = i // 8
            ds = i - k * 8
            dcol = jnp.broadcast_to(c * (_CDT * 8) + i, (16,))
            for bq in range(8):
              v = plsc.load_gather(rows_v.at[qb], [bvecs[bq], dcol])
              z_v[k, ds, pl.ds(bq * 16, 16)] = v

          pltpu.sync_copy(
              z_v.at[pl.ds(0, nk)],
              out_hbm.at[s, pl.ds(q * 32 + c * _CDT, nk), bt])

        for q in range(4):
          qb = q % 2
          pltpu.make_async_copy(rows_src(q), rows_dst(qb),
                                sems_g[qb]).wait()
          if q < 3:
            pltpu.async_copy(rows_src(q + 1), rows_dst(1 - qb),
                             sems_g[1 - qb])
          n_dt = 32 if q < 3 else _DT - 96
          n_full = n_dt // _CDT
          tail = n_dt % _CDT

          @pl.loop(0, n_full)
          def _(c):
            do_chunk(q, qb, c, _CDT)
          if tail:
            do_chunk(q, qb, n_full, tail)

  return gather_kernel


@jax.jit
def kernel(indices, embedding):
  batch, seq = indices.shape
  idx_t = indices.astype(jnp.int32).T
  table = jnp.pad(embedding, ((0, 0), (0, 24)))
  z = _make_gather()(idx_t, table)
  return z.transpose(2, 4, 0, 1, 3).reshape(batch, seq, 1000)

# --- scband reference (transcript-rebuilt; emitter-appended) ---
"""Pipeline reference for scband-gpt-v1-65025804861695 (READ-ONLY COPY).

The authoritative reference and input builder live on the scoring server;
editing this copy changes nothing except your own understanding.
"""

import jax, jax.numpy as jnp
import numpy as np

VOCAB = 1000
BATCH = 1024
SEQ = 50

def setup_inputs(seed: int = 0) -> dict:
    key = jax.random.key(seed)
    k_idx, k_emb = jax.random.split(key)
    indices = jax.random.randint(k_idx, (BATCH, SEQ), 0, VOCAB, dtype=jnp.int64 if jax.config.jax_enable_x64 else jnp.int32)
    # nn.Embedding(vocab_size, vocab_size) weight, default init N(0,1)
    embedding = jax.random.normal(k_emb, (VOCAB, VOCAB), dtype=jnp.float32)
    return {"indices": indices, "embedding": embedding}

def reference(indices, embedding):
    # logits = self.embedding(indices) -> gather rows of the table
    logits = jnp.take(embedding, indices, axis=0)
    return logits

if __name__ == "__main__":
    import jax
    _d = setup_inputs()
    print(jax.jit(kernel)(*tuple(_d.values())))

</pallas_src>

<mosaic_0001>
#map = affine_map<(d0, d1) -> (0, 0)>
#map1 = affine_map<(d0, d1) -> (0, 0, 0, 0, 0)>
module attributes {stable_mosaic.version = 14 : i64} {
  func.func @gather_kernel(%arg0: i32, %arg1: i32, %arg2: memref<50x1024xi32, #tpu.memory_space<hbm>>, %arg3: memref<1000x1024xf32, #tpu.memory_space<hbm>>, %arg4: memref<50x125x8x8x128xf32, #tpu.memory_space<hbm>>, %arg5: memref<128xi32, #tpu.memory_space<vmem>>, %arg6: memref<2x128x264xf32, #tpu.memory_space<vmem>>, %arg7: memref<8x8x128xf32, #tpu.memory_space<vmem>>, %arg8: memref<!tpu.dma_semaphore, #tpu.memory_space<semaphore_mem>>, %arg9: memref<!tpu.dma_semaphore, #tpu.memory_space<semaphore_mem>>) attributes {dimension_semantics = [#tpu.dimension_semantics<core_parallel>, #tpu.dimension_semantics<subcore_parallel>], iteration_bounds = array<i64: 2, 16>, scalar_prefetch = 0 : i64, scratch_operands = 5 : i64, tpu.core_type = #tpu.core_type<sc_vector_subcore>, window_params = [{transform_indices = #map}, {transform_indices = #map}, {transform_indices = #map1}]} {
    %mul3A = arith.constant 2 : i32
    %mul3A_0 = arith.muli %arg1, %mul3A : i32
    %add3A = arith.addi %mul3A_0, %arg0 : i32
    %iota3A = tpu.iota {dimensions = array<i32: 0>} : vector<16xi32>
    %add3A_1 = arith.constant 0 : i32
    %add3A_2 = vector.broadcast %add3A_1 : i32 to vector<16xi32>
    %add3A_3 = arith.addi %iota3A, %add3A_2 : vector<16xi32>
    %iota3A_4 = tpu.iota {dimensions = array<i32: 0>} : vector<16xi32>
    %add3A_5 = arith.constant 16 : i32
    %add3A_6 = vector.broadcast %add3A_5 : i32 to vector<16xi32>
    %add3A_7 = arith.addi %iota3A_4, %add3A_6 : vector<16xi32>
    %iota3A_8 = tpu.iota {dimensions = array<i32: 0>} : vector<16xi32>
    %add3A_9 = arith.constant 32 : i32
    %add3A_10 = vector.broadcast %add3A_9 : i32 to vector<16xi32>
    %add3A_11 = arith.addi %iota3A_8, %add3A_10 : vector<16xi32>
    %iota3A_12 = tpu.iota {dimensions = array<i32: 0>} : vector<16xi32>
    %add3A_13 = arith.constant 48 : i32
    %add3A_14 = vector.broadcast %add3A_13 : i32 to vector<16xi32>
    %add3A_15 = arith.addi %iota3A_12, %add3A_14 : vector<16xi32>
    %iota3A_16 = tpu.iota {dimensions = array<i32: 0>} : vector<16xi32>
    %add3A_17 = arith.constant 64 : i32
    %add3A_18 = vector.broadcast %add3A_17 : i32 to vector<16xi32>
    %add3A_19 = arith.addi %iota3A_16, %add3A_18 : vector<16xi32>
    %iota3A_20 = tpu.iota {dimensions = array<i32: 0>} : vector<16xi32>
    %add3A_21 = arith.constant 80 : i32
    %add3A_22 = vector.broadcast %add3A_21 : i32 to vector<16xi32>
    %add3A_23 = arith.addi %iota3A_20, %add3A_22 : vector<16xi32>
    %iota3A_24 = tpu.iota {dimensions = array<i32: 0>} : vector<16xi32>
    %add3A_25 = arith.constant 96 : i32
    %add3A_26 = vector.broadcast %add3A_25 : i32 to vector<16xi32>
    %add3A_27 = arith.addi %iota3A_24, %add3A_26 : vector<16xi32>
    %iota3A_28 = tpu.iota {dimensions = array<i32: 0>} : vector<16xi32>
    %add3A_29 = arith.constant 112 : i32
    %add3A_30 = vector.broadcast %add3A_29 : i32 to vector<16xi32>
    %add3A_31 = arith.addi %iota3A_28, %add3A_30 : vector<16xi32>
    %scan3A = arith.constant 0 : i32
    %scan3A_32 = arith.constant 13 : i32
    %scan3A_33 = arith.addi %scan3A, %scan3A_32 : i32
    %scan3A_34 = arith.constant 1 : i32
    scf.for %scan3A_36 = %scan3A to %scan3A_33 step %scan3A_34  : i32 {
      %mul3A_37 = arith.constant 1 : i32
      %mul3A_38 = arith.muli %scan3A_36, %mul3A_37 : i32
      %add3A_39 = arith.constant 0 : i32
      %add3A_40 = arith.addi %add3A_39, %mul3A_38 : i32
      %mul3A_41 = arith.constant 32 : i32
      %mul3A_42 = arith.muli %mul3A_41, %add3A_40 : i32
      %add3A_43 = arith.addi %add3A, %mul3A_42 : i32
      %lt3A = arith.constant 400 : i32
      %lt3A_44 = arith.cmpi slt, %add3A_43, %lt3A : i32
      %convert_element_type3A = arith.extui %lt3A_44 : i1 to i32
      %cond3A = arith.constant 0 : i32
      %cond3A_45 = arith.cmpi ne, %convert_element_type3A, %cond3A : i32
      scf.if %cond3A_45 {
        %jit3A = arith.constant 8 : i32
        %div3A = arith.divsi %add3A_43, %jit3A : i32
        %sign3A = arith.constant 0 : i32
        %sign3A_46 = arith.cmpi sgt, %add3A_43, %sign3A : i32
        %sign3A_47 = arith.extui %sign3A_46 : i1 to i32
        %sign3A_48 = arith.constant 0 : i32
        %sign3A_49 = arith.cmpi slt, %add3A_43, %sign3A_48 : i32
        %sign3A_50 = arith.extui %sign3A_49 : i1 to i32
        %sign3A_51 = arith.subi %sign3A_47, %sign3A_50 : i32
        %sign3A_52 = arith.constant 0 : i32
        %sign3A_53 = arith.cmpi sgt, %jit3A, %sign3A_52 : i32
        %sign3A_54 = arith.extui %sign3A_53 : i1 to i32
        %sign3A_55 = arith.constant 0 : i32
        %sign3A_56 = arith.cmpi slt, %jit3A, %sign3A_55 : i32
        %sign3A_57 = arith.extui %sign3A_56 : i1 to i32
        %sign3A_58 = arith.subi %sign3A_54, %sign3A_57 : i32
        %ne3A = arith.cmpi ne, %sign3A_51, %sign3A_58 : i32
        %rem3A = arith.remsi %add3A_43, %jit3A : i32
        %ne3A_59 = arith.constant 0 : i32
        %ne3A_60 = arith.cmpi ne, %rem3A, %ne3A_59 : i32
        %and3A = arith.andi %ne3A, %ne3A_60 : i1
        %sub3A = arith.constant 1 : i32
        %sub3A_61 = arith.subi %div3A, %sub3A : i32
        %select_n3A = arith.select %and3A, %sub3A_61, %div3A : i32
        %jit3A_62 = arith.constant 8 : i32
        %eq3A = arith.constant 0 : i32
        %eq3A_63 = arith.cmpi eq, %jit3A_62, %eq3A : i32
        %jit3A_64 = arith.constant 1 : i32
        %select_n3A_65 = arith.select %eq3A_63, %jit3A_64, %jit3A_62 : i32
        %rem3A_66 = arith.remsi %add3A_43, %select_n3A_65 : i32
        %ne3A_67 = arith.constant 0 : i32
        %ne3A_68 = arith.cmpi ne, %rem3A_66, %ne3A_67 : i32
        %lt3A_69 = arith.constant 0 : i32
        %lt3A_70 = arith.cmpi slt, %rem3A_66, %lt3A_69 : i32
        %lt3A_71 = arith.constant 0 : i32
        %lt3A_72 = arith.cmpi slt, %select_n3A_65, %lt3A_71 : i32
        %ne3A_73 = arith.xori %lt3A_70, %lt3A_72 : i1
        %and3A_74 = arith.andi %ne3A_73, %ne3A_68 : i1
        %add3A_75 = arith.addi %rem3A_66, %select_n3A_65 : i32
        %select_n3A_76 = arith.select %and3A_74, %add3A_75, %rem3A_66 : i32
        %mul3A_77 = arith.constant 128 : i32
        %mul3A_78 = arith.muli %select_n3A_76, %mul3A_77 : i32
        "tpu.region"() ({
          %run_scoped3A = tpu.sem_alloc : memref<!tpu.dma_semaphore, #tpu.memory_space<semaphore_mem>>
          %dma_start3A_163 = tpu.memref_slice %arg2[%select_n3A, %mul3A_78] : memref<50x1024xi32, #tpu.memory_space<hbm>> -> memref<1x128xi32, #tpu.memory_space<hbm>>
          %dma_start3A_164 = tpu.memref_squeeze %dma_start3A_163 : memref<1x128xi32, #tpu.memory_space<hbm>> -> memref<128xi32, #tpu.memory_space<hbm>>
          %dma_start3A_165 = tpu.memref_slice %arg2[%select_n3A, %mul3A_78] : memref<50x1024xi32, #tpu.memory_space<hbm>> -> memref<1x128xi32, #tpu.memory_space<hbm>>
          %dma_start3A_166 = tpu.memref_squeeze %dma_start3A_165 : memref<1x128xi32, #tpu.memory_space<hbm>> -> memref<128xi32, #tpu.memory_space<hbm>>
          tpu.enqueue_dma source(%dma_start3A_166 : memref<128xi32, #tpu.memory_space<hbm>>) target(%arg5 : memref<128xi32, #tpu.memory_space<vmem>>) target_semaphore(%run_scoped3A : memref<!tpu.dma_semaphore, #tpu.memory_space<semaphore_mem>>)
          %dma_wait3A_167 = tpu.memref_slice %arg2[%select_n3A, %mul3A_78] : memref<50x1024xi32, #tpu.memory_space<hbm>> -> memref<1x128xi32, #tpu.memory_space<hbm>>
          %dma_wait3A_168 = tpu.memref_squeeze %dma_wait3A_167 : memref<1x128xi32, #tpu.memory_space<hbm>> -> memref<128xi32, #tpu.memory_space<hbm>>
          %dma_wait3A_169 = tpu.memref_slice %arg2[%select_n3A, %mul3A_78] : memref<50x1024xi32, #tpu.memory_space<hbm>> -> memref<1x128xi32, #tpu.memory_space<hbm>>
          %dma_wait3A_170 = tpu.memref_squeeze %dma_wait3A_169 : memref<1x128xi32, #tpu.memory_space<hbm>> -> memref<128xi32, #tpu.memory_space<hbm>>
          tpu.wait_dma2 semaphore(%run_scoped3A : memref<!tpu.dma_semaphore, #tpu.memory_space<semaphore_mem>>) src(%dma_wait3A_170 : memref<128xi32, #tpu.memory_space<hbm>>) dst(%arg5 : memref<128xi32, #tpu.memory_space<vmem>>)
          tpu.yield
        }) : () -> ()
        %dma_start3A = arith.constant 0 : i32
        %dma_start3A_79 = arith.constant 0 : i32
        %dma_start3A_80 = arith.constant 0 : i32
        %dma_start3A_81 = tpu.memref_slice %arg6[%dma_start3A, %dma_start3A_79, %dma_start3A_80] : memref<2x128x264xf32, #tpu.memory_space<vmem>> -> memref<1x128x256xf32, #tpu.memory_space<vmem>>
        %dma_start3A_82 = tpu.memref_squeeze %dma_start3A_81 : memref<1x128x256xf32, #tpu.memory_space<vmem>> -> memref<128x256xf32, #tpu.memory_space<vmem>>
        %dma_start3A_83 = arith.constant 0 : i32
        %dma_start3A_84 = arith.constant 0 : i32
        %dma_start3A_85 = tpu.memref_slice %arg3[%dma_start3A_83, %dma_start3A_84] : memref<1000x1024xf32, #tpu.memory_space<hbm>> -> memref<1000x256xf32, #tpu.memory_space<hbm>>
        tpu.enqueue_indirect_dma source(%dma_start3A_85 : memref<1000x256xf32, #tpu.memory_space<hbm>>) target(%dma_start3A_82 : memref<128x256xf32, #tpu.memory_space<vmem>>) offsets(%arg5 : memref<128xi32, #tpu.memory_space<vmem>>) semaphore(%arg8 : memref<!tpu.dma_semaphore, #tpu.memory_space<semaphore_mem>>)
        %dma_wait3A = arith.constant 0 : i32
        %dma_wait3A_86 = arith.constant 0 : i32
        %dma_wait3A_87 = arith.constant 0 : i32
        %dma_wait3A_88 = tpu.memref_slice %arg6[%dma_wait3A, %dma_wait3A_86, %dma_wait3A_87] : memref<2x128x264xf32, #tpu.memory_space<vmem>> -> memref<1x128x256xf32, #tpu.memory_space<vmem>>
        %dma_wait3A_89 = tpu.memref_squeeze %dma_wait3A_88 : memref<1x128x256xf32, #tpu.memory_space<vmem>> -> memref<128x256xf32, #tpu.memory_space<vmem>>
        %dma_wait3A_90 = arith.constant 0 : i32
        %dma_wait3A_91 = arith.constant 0 : i32
        %dma_wait3A_92 = tpu.memref_slice %arg3[%dma_wait3A_90, %dma_wait3A_91] : memref<1000x1024xf32, #tpu.memory_space<hbm>> -> memref<1000x256xf32, #tpu.memory_space<hbm>>
        tpu.wait_indirect_dma semaphore(%arg8 : memref<!tpu.dma_semaphore, #tpu.memory_space<semaphore_mem>>) src(%dma_wait3A_92 : memref<1000x256xf32, #tpu.memory_space<hbm>>) dst(%dma_wait3A_89 : memref<128x256xf32, #tpu.memory_space<vmem>>)
        %dma_start3A_93 = arith.constant 1 : i32
        %dma_start3A_94 = arith.constant 0 : i32
        %dma_start3A_95 = arith.constant 0 : i32
        %dma_start3A_96 = tpu.memref_slice %arg6[%dma_start3A_93, %dma_start3A_94, %dma_start3A_95] : memref<2x128x264xf32, #tpu.memory_space<vmem>> -> memref<1x128x256xf32, #tpu.memory_space<vmem>>
        %dma_start3A_97 = tpu.memref_squeeze %dma_start3A_96 : memref<1x128x256xf32, #tpu.memory_space<vmem>> -> memref<128x256xf32, #tpu.memory_space<vmem>>
        %dma_start3A_98 = arith.constant 0 : i32
        %dma_start3A_99 = arith.constant 256 : i32
        %dma_start3A_100 = tpu.memref_slice %arg3[%dma_start3A_98, %dma_start3A_99] : memref<1000x1024xf32, #tpu.memory_space<hbm>> -> memref<1000x256xf32, #tpu.memory_space<hbm>>
        tpu.enqueue_indirect_dma source(%dma_start3A_100 : memref<1000x256xf32, #tpu.memory_space<hbm>>) target(%dma_start3A_97 : memref<128x256xf32, #tpu.memory_space<vmem>>) offsets(%arg5 : memref<128xi32, #tpu.memory_space<vmem>>) semaphore(%arg9 : memref<!tpu.dma_semaphore, #tpu.memory_space<semaphore_mem>>)
        %scan3A_101 = arith.constant 0 : i32
        %scan3A_102 = arith.constant 4 : i32
        %scan3A_103 = arith.addi %scan3A_101, %scan3A_102 : i32
        %scan3A_104 = arith.constant 1 : i32
        scf.for %scan3A_163 = %scan3A_101 to %scan3A_103 step %scan3A_104  : i32 {
          %mul3A_164 = arith.constant 1 : i32
          %mul3A_165 = arith.muli %scan3A_163, %mul3A_164 : i32
          %add3A_166 = arith.constant 0 : i32
          %add3A_167 = arith.addi %add3A_166, %mul3A_165 : i32
          %parallel_loop3A_168 = arith.constant 0 : i32
          %parallel_loop3A_169 = arith.constant 64 : i32
          %parallel_loop3A_170 = arith.constant 1 : i32
          scf.for %parallel_loop3A_175 = %parallel_loop3A_168 to %parallel_loop3A_169 step %parallel_loop3A_170  : i32 {
            %parallel_loop3A_176 = arith.constant 8 : i32
            %parallel_loop3A_177 = arith.divsi %parallel_loop3A_175, %parallel_loop3A_176 : i32
            %parallel_loop3A_178 = arith.constant 0 : i32
            %parallel_loop3A_179 = arith.cmpi sgt, %parallel_loop3A_175, %parallel_loop3A_178 : i32
            %parallel_loop3A_180 = arith.extui %parallel_loop3A_179 : i1 to i32
            %parallel_loop3A_181 = arith.constant 0 : i32
            %parallel_loop3A_182 = arith.cmpi slt, %parallel_loop3A_175, %parallel_loop3A_181 : i32
            %parallel_loop3A_183 = arith.extui %parallel_loop3A_182 : i1 to i32
            %parallel_loop3A_184 = arith.subi %parallel_loop3A_180, %parallel_loop3A_183 : i32
            %parallel_loop3A_185 = arith.constant 0 : i32
            %parallel_loop3A_186 = arith.cmpi sgt, %parallel_loop3A_176, %parallel_loop3A_185 : i32
            %parallel_loop3A_187 = arith.extui %parallel_loop3A_186 : i1 to i32
            %parallel_loop3A_188 = arith.constant 0 : i32
            %parallel_loop3A_189 = arith.cmpi slt, %parallel_loop3A_176, %parallel_loop3A_188 : i32
            %parallel_loop3A_190 = arith.extui %parallel_loop3A_189 : i1 to i32
            %parallel_loop3A_191 = arith.subi %parallel_loop3A_187, %parallel_loop3A_190 : i32
            %parallel_loop3A_192 = arith.cmpi ne, %parallel_loop3A_184, %parallel_loop3A_191 : i32
            %parallel_loop3A_193 = arith.remsi %parallel_loop3A_175, %parallel_loop3A_176 : i32
            %parallel_loop3A_194 = arith.constant 0 : i32
            %parallel_loop3A_195 = arith.cmpi ne, %parallel_loop3A_193, %parallel_loop3A_194 : i32
            %parallel_loop3A_196 = arith.andi %parallel_loop3A_192, %parallel_loop3A_195 : i1
            %parallel_loop3A_197 = arith.constant 1 : i32
            %parallel_loop3A_198 = arith.subi %parallel_loop3A_177, %parallel_loop3A_197 : i32
            %parallel_loop3A_199 = arith.select %parallel_loop3A_196, %parallel_loop3A_198, %parallel_loop3A_177 : i32
            %parallel_loop3A_200 = arith.constant 8 : i32
            %parallel_loop3A_201 = arith.muli %parallel_loop3A_199, %parallel_loop3A_200 : i32
            %parallel_loop3A_202 = arith.subi %parallel_loop3A_175, %parallel_loop3A_201 : i32
            %parallel_loop3A_203 = arith.constant 64 : i32
            %parallel_loop3A_204 = arith.muli %add3A_167, %parallel_loop3A_203 : i32
            %parallel_loop3A_205 = arith.addi %parallel_loop3A_204, %parallel_loop3A_175 : i32
            %parallel_loop3A_206 = vector.broadcast %parallel_loop3A_205 : i32 to vector<16xi32>
            %parallel_loop3A_207 = arith.constant 0 : i32
            %parallel_loop3A_208 = arith.constant 0 : i32
            %parallel_loop3A_209 = arith.constant 0 : i32
            %parallel_loop3A_210 = tpu.memref_slice %arg6[%parallel_loop3A_207, %parallel_loop3A_208, %parallel_loop3A_209] : memref<2x128x264xf32, #tpu.memory_space<vmem>> -> memref<1x128x264xf32, #tpu.memory_space<vmem>>
            %parallel_loop3A_211 = tpu.memref_squeeze %parallel_loop3A_210 : memref<1x128x264xf32, #tpu.memory_space<vmem>> -> memref<128x264xf32, #tpu.memory_space<vmem>>
            %parallel_loop3A_212 = tpu.vector_load_idx %parallel_loop3A_211[%add3A_3, %parallel_loop3A_206] : memref<128x264xf32, #tpu.memory_space<vmem>>[vector<16xi32>, vector<16xi32>], vector<16xf32>,
            %parallel_loop3A_213 = arith.index_cast %parallel_loop3A_199 : i32 to index
            %parallel_loop3A_214 = arith.index_cast %parallel_loop3A_202 : i32 to index
            %parallel_loop3A_215 = arith.constant 0 : index
            %parallel_loop3A_216 = tpu.vector_load %arg7[%parallel_loop3A_213, %parallel_loop3A_214, %parallel_loop3A_215] {strides = array<i32>} : memref<8x8x128xf32, #tpu.memory_space<vmem>>, vector<16xf32>,
            tpu.vector_store %arg7[%parallel_loop3A_213, %parallel_loop3A_214, %parallel_loop3A_215], %parallel_loop3A_212 {strides = array<i32>} : memref<8x8x128xf32, #tpu.memory_space<vmem>>, vector<16xf32>,
            %parallel_loop3A_217 = arith.constant 0 : i32
            %parallel_loop3A_218 = arith.constant 0 : i32
            %parallel_loop3A_219 = arith.constant 0 : i32
            %parallel_loop3A_220 = tpu.memref_slice %arg6[%parallel_loop3A_217, %parallel_loop3A_218, %parallel_loop3A_219] : memref<2x128x264xf32, #tpu.memory_space<vmem>> -> memref<1x128x264xf32, #tpu.memory_space<vmem>>
            %parallel_loop3A_221 = tpu.memref_squeeze %parallel_loop3A_220 : memref<1x128x264xf32, #tpu.memory_space<vmem>> -> memref<128x264xf32, #tpu.memory_space<vmem>>
            %parallel_loop3A_222 = tpu.vector_load_idx %parallel_loop3A_221[%add3A_7, %parallel_loop3A_206] : memref<128x264xf32, #tpu.memory_space<vmem>>[vector<16xi32>, vector<16xi32>], vector<16xf32>,
            %parallel_loop3A_223 = arith.index_cast %parallel_loop3A_199 : i32 to index
            %parallel_loop3A_224 = arith.index_cast %parallel_loop3A_202 : i32 to index
            %parallel_loop3A_225 = arith.constant 16 : index
            %parallel_loop3A_226 = tpu.vector_load %arg7[%parallel_loop3A_223, %parallel_loop3A_224, %parallel_loop3A_225] {strides = array<i32>} : memref<8x8x128xf32, #tpu.memory_space<vmem>>, vector<16xf32>,
            tpu.vector_store %arg7[%parallel_loop3A_223, %parallel_loop3A_224, %parallel_loop3A_225], %parallel_loop3A_222 {strides = array<i32>} : memref<8x8x128xf32, #tpu.memory_space<vmem>>, vector<16xf32>,
            %parallel_loop3A_227 = arith.constant 0 : i32
            %parallel_loop3A_228 = arith.constant 0 : i32
            %parallel_loop3A_229 = arith.constant 0 : i32
            %parallel_loop3A_230 = tpu.memref_slice %arg6[%parallel_loop3A_227, %parallel_loop3A_228, %parallel_loop3A_229] : memref<2x128x264xf32, #tpu.memory_space<vmem>> -> memref<1x128x264xf32, #tpu.memory_space<vmem>>
            %parallel_loop3A_231 = tpu.memref_squeeze %parallel_loop3A_230 : memref<1x128x264xf32, #tpu.memory_space<vmem>> -> memref<128x264xf32, #tpu.memory_space<vmem>>
            %parallel_loop3A_232 = tpu.vector_load_idx %parallel_loop3A_231[%add3A_11, %parallel_loop3A_206] : memref<128x264xf32, #tpu.memory_space<vmem>>[vector<16xi32>, vector<16xi32>], vector<16xf32>,
            %parallel_loop3A_233 = arith.index_cast %parallel_loop3A_199 : i32 to index
            %parallel_loop3A_234 = arith.index_cast %parallel_loop3A_202 : i32 to index
            %parallel_loop3A_235 = arith.constant 32 : index
            %parallel_loop3A_236 = tpu.vector_load %arg7[%parallel_loop3A_233, %parallel_loop3A_234, %parallel_loop3A_235] {strides = array<i32>} : memref<8x8x128xf32, #tpu.memory_space<vmem>>, vector<16xf32>,
            tpu.vector_store %arg7[%parallel_loop3A_233, %parallel_loop3A_234, %parallel_loop3A_235], %parallel_loop3A_232 {strides = array<i32>} : memref<8x8x128xf32, #tpu.memory_space<vmem>>, vector<16xf32>,
            %parallel_loop3A_237 = arith.constant 0 : i32
            %parallel_loop3A_238 = arith.constant 0 : i32
            %parallel_loop3A_239 = arith.constant 0 : i32
            %parallel_loop3A_240 = tpu.memref_slice %arg6[%parallel_loop3A_237, %parallel_loop3A_238, %parallel_loop3A_239] : memref<2x128x264xf32, #tpu.memory_space<vmem>> -> memref<1x128x264xf32, #tpu.memory_space<vmem>>
            %parallel_loop3A_241 = tpu.memref_squeeze %parallel_loop3A_240 : memref<1x128x264xf32, #tpu.memory_space<vmem>> -> memref<128x264xf32, #tpu.memory_space<vmem>>
            %parallel_loop3A_242 = tpu.vector_load_idx %parallel_loop3A_241[%add3A_15, %parallel_loop3A_206] : memref<128x264xf32, #tpu.memory_space<vmem>>[vector<16xi32>, vector<16xi32>], vector<16xf32>,
            %parallel_loop3A_243 = arith.index_cast %parallel_loop3A_199 : i32 to index
            %parallel_loop3A_244 = arith.index_cast %parallel_loop3A_202 : i32 to index
            %parallel_loop3A_245 = arith.constant 48 : index
            %parallel_loop3A_246 = tpu.vector_load %arg7[%parallel_loop3A_243, %parallel_loop3A_244, %parallel_loop3A_245] {strides = array<i32>} : memref<8x8x128xf32, #tpu.memory_space<vmem>>, vector<16xf32>,
            tpu.vector_store %arg7[%parallel_loop3A_243, %parallel_loop3A_244, %parallel_loop3A_245], %parallel_loop3A_242 {strides = array<i32>} : memref<8x8x128xf32, #tpu.memory_space<vmem>>, vector<16xf32>,
            %parallel_loop3A_247 = arith.constant 0 : i32
            %parallel_loop3A_248 = arith.constant 0 : i32
            %parallel_loop3A_249 = arith.constant 0 : i32
            %parallel_loop3A_250 = tpu.memref_slice %arg6[%parallel_loop3A_247, %parallel_loop3A_248, %parallel_loop3A_249] : memref<2x128x264xf32, #tpu.memory_space<vmem>> -> memref<1x128x264xf32, #tpu.memory_space<vmem>>
            %parallel_loop3A_251 = tpu.memref_squeeze %parallel_loop3A_250 : memref<1x128x264xf32, #tpu.memory_space<vmem>> -> memref<128x264xf32, #tpu.memory_space<vmem>>
            %parallel_loop3A_252 = tpu.vector_load_idx %parallel_loop3A_251[%add3A_19, %parallel_loop3A_206] : memref<128x264xf32, #tpu.memory_space<vmem>>[vector<16xi32>, vector<16xi32>], vector<16xf32>,
            %parallel_loop3A_253 = arith.index_cast %parallel_loop3A_199 : i32 to index
            %parallel_loop3A_254 = arith.index_cast %parallel_loop3A_202 : i32 to index
            %parallel_loop3A_255 = arith.constant 64 : index
            %parallel_loop3A_256 = tpu.vector_load %arg7[%parallel_loop3A_253, %parallel_loop3A_254, %parallel_loop3A_255] {strides = array<i32>} : memref<8x8x128xf32, #tpu.memory_space<vmem>>, vector<16xf32>,
            tpu.vector_store %arg7[%parallel_loop3A_253, %parallel_loop3A_254, %parallel_loop3A_255], %parallel_loop3A_252 {strides = array<i32>} : memref<8x8x128xf32, #tpu.memory_space<vmem>>, vector<16xf32>,
            %parallel_loop3A_257 = arith.constant 0 : i32
            %parallel_loop3A_258 = arith.constant 0 : i32
            %parallel_loop3A_259 = arith.constant 0 : i32
            %parallel_loop3A_260 = tpu.memref_slice %arg6[%parallel_loop3A_257, %parallel_loop3A_258, %parallel_loop3A_259] : memref<2x128x264xf32, #tpu.memory_space<vmem>> -> memref<1x128x264xf32, #tpu.memory_space<vmem>>
            %parallel_loop3A_261 = tpu.memref_squeeze %parallel_loop3A_260 : memref<1x128x264xf32, #tpu.memory_space<vmem>> -> memref<128x264xf32, #tpu.memory_space<vmem>>
            %parallel_loop3A_262 = tpu.vector_load_idx %parallel_loop3A_261[%add3A_23, %parallel_loop3A_206] : memref<128x264xf32, #tpu.memory_space<vmem>>[vector<16xi32>, vector<16xi32>], vector<16xf32>,
            %parallel_loop3A_263 = arith.index_cast %parallel_loop3A_199 : i32 to index
            %parallel_loop3A_264 = arith.index_cast %parallel_loop3A_202 : i32 to index
            %parallel_loop3A_265 = arith.constant 80 : index
            %parallel_loop3A_266 = tpu.vector_load %arg7[%parallel_loop3A_263, %parallel_loop3A_264, %parallel_loop3A_265] {strides = array<i32>} : memref<8x8x128xf32, #tpu.memory_space<vmem>>, vector<16xf32>,
            tpu.vector_store %arg7[%parallel_loop3A_263, %parallel_loop3A_264, %parallel_loop3A_265], %parallel_loop3A_262 {strides = array<i32>} : memref<8x8x128xf32, #tpu.memory_space<vmem>>, vector<16xf32>,
            %parallel_loop3A_267 = arith.constant 0 : i32
            %parallel_loop3A_268 = arith.constant 0 : i32
            %parallel_loop3A_269 = arith.constant 0 : i32
            %parallel_loop3A_270 = tpu.memref_slice %arg6[%parallel_loop3A_267, %parallel_loop3A_268, %parallel_loop3A_269] : memref<2x128x264xf32, #tpu.memory_space<vmem>> -> memref<1x128x264xf32, #tpu.memory_space<vmem>>
            %parallel_loop3A_271 = tpu.memref_squeeze %parallel_loop3A_270 : memref<1x128x264xf32, #tpu.memory_space<vmem>> -> memref<128x264xf32, #tpu.memory_space<vmem>>
            %parallel_loop3A_272 = tpu.vector_load_idx %parallel_loop3A_271[%add3A_27, %parallel_loop3A_206] : memref<128x264xf32, #tpu.memory_space<vmem>>[vector<16xi32>, vector<16xi32>], vector<16xf32>,
            %parallel_loop3A_273 = arith.index_cast %parallel_loop3A_199 : i32 to index
            %parallel_loop3A_274 = arith.index_cast %parallel_loop3A_202 : i32 to index
            %parallel_loop3A_275 = arith.constant 96 : index
            %parallel_loop3A_276 = tpu.vector_load %arg7[%parallel_loop3A_273, %parallel_loop3A_274, %parallel_loop3A_275] {strides = array<i32>} : memref<8x8x128xf32, #tpu.memory_space<vmem>>, vector<16xf32>,
            tpu.vector_store %arg7[%parallel_loop3A_273, %parallel_loop3A_274, %parallel_loop3A_275], %parallel_loop3A_272 {strides = array<i32>} : memref<8x8x128xf32, #tpu.memory_space<vmem>>, vector<16xf32>,
            %parallel_loop3A_277 = arith.constant 0 : i32
            %parallel_loop3A_278 = arith.constant 0 : i32
            %parallel_loop3A_279 = arith.constant 0 : i32
            %parallel_loop3A_280 = tpu.memref_slice %arg6[%parallel_loop3A_277, %parallel_loop3A_278, %parallel_loop3A_279] : memref<2x128x264xf32, #tpu.memory_space<vmem>> -> memref<1x128x264xf32, #tpu.memory_space<vmem>>
            %parallel_loop3A_281 = tpu.memref_squeeze %parallel_loop3A_280 : memref<1x128x264xf32, #tpu.memory_space<vmem>> -> memref<128x264xf32, #tpu.memory_space<vmem>>
            %parallel_loop3A_282 = tpu.vector_load_idx %parallel_loop3A_281[%add3A_31, %parallel_loop3A_206] : memref<128x264xf32, #tpu.memory_space<vmem>>[vector<16xi32>, vector<16xi32>], vector<16xf32>,
            %parallel_loop3A_283 = arith.index_cast %parallel_loop3A_199 : i32 to index
            %parallel_loop3A_284 = arith.index_cast %parallel_loop3A_202 : i32 to index
            %parallel_loop3A_285 = arith.constant 112 : index
            %parallel_loop3A_286 = tpu.vector_load %arg7[%parallel_loop3A_283, %parallel_loop3A_284, %parallel_loop3A_285] {strides = array<i32>} : memref<8x8x128xf32, #tpu.memory_space<vmem>>, vector<16xf32>,
            tpu.vector_store %arg7[%parallel_loop3A_283, %parallel_loop3A_284, %parallel_loop3A_285], %parallel_loop3A_282 {strides = array<i32>} : memref<8x8x128xf32, #tpu.memory_space<vmem>>, vector<16xf32>,
          } {sc.loop_unroll_factor = 1 : i64, sc.parallel_access}
          %mul3A_171 = arith.constant 8 : i32
          %mul3A_172 = arith.muli %add3A_167, %mul3A_171 : i32
          %add3A_173 = arith.constant 0 : i32
          %add3A_174 = arith.addi %add3A_173, %mul3A_172 : i32
          "tpu.region"() ({
            %run_scoped3A = tpu.sem_alloc : memref<!tpu.dma_semaphore, #tpu.memory_space<semaphore_mem>>
            %dma_start3A_175 = arith.constant 0 : i32
            %dma_start3A_176 = arith.constant 0 : i32
            %dma_start3A_177 = arith.constant 0 : i32
            %dma_start3A_178 = tpu.memref_slice %arg7[%dma_start3A_175, %dma_start3A_176, %dma_start3A_177] : memref<8x8x128xf32, #tpu.memory_space<vmem>> -> memref<8x8x128xf32, #tpu.memory_space<vmem>>
            %dma_start3A_179 = arith.constant 0 : i32
            %dma_start3A_180 = arith.constant 0 : i32
            %dma_start3A_181 = tpu.memref_slice %arg4[%select_n3A, %add3A_174, %select_n3A_76, %dma_start3A_179, %dma_start3A_180] : memref<50x125x8x8x128xf32, #tpu.memory_space<hbm>> -> memref<1x8x1x8x128xf32, #tpu.memory_space<hbm>>
            %dma_start3A_182 = tpu.memref_squeeze %dma_start3A_181 : memref<1x8x1x8x128xf32, #tpu.memory_space<hbm>> -> memref<8x8x128xf32, #tpu.memory_space<hbm>>
            %dma_start3A_183 = arith.constant 0 : i32
            %dma_start3A_184 = arith.constant 0 : i32
            %dma_start3A_185 = tpu.memref_slice %arg4[%select_n3A, %add3A_174, %select_n3A_76, %dma_start3A_183, %dma_start3A_184] : memref<50x125x8x8x128xf32, #tpu.memory_space<hbm>> -> memref<1x8x1x8x128xf32, #tpu.memory_space<hbm>>
            %dma_start3A_186 = tpu.memref_squeeze %dma_start3A_185 : memref<1x8x1x8x128xf32, #tpu.memory_space<hbm>> -> memref<8x8x128xf32, #tpu.memory_space<hbm>>
            %dma_start3A_187 = arith.constant 0 : i32
            %dma_start3A_188 = arith.constant 0 : i32
            %dma_start3A_189 = arith.constant 0 : i32
            %dma_start3A_190 = tpu.memref_slice %arg7[%dma_start3A_187, %dma_start3A_188, %dma_start3A_189] : memref<8x8x128xf32, #tpu.memory_space<vmem>> -> memref<8x8x128xf32, #tpu.memory_space<vmem>>
            tpu.enqueue_dma source(%dma_start3A_190 : memref<8x8x128xf32, #tpu.memory_space<vmem>>) target(%dma_start3A_186 : memref<8x8x128xf32, #tpu.memory_space<hbm>>) target_semaphore(%run_scoped3A : memref<!tpu.dma_semaphore, #tpu.memory_space<semaphore_mem>>)
            %dma_wait3A_191 = arith.constant 0 : i32
            %dma_wait3A_192 = arith.constant 0 : i32
            %dma_wait3A_193 = arith.constant 0 : i32
            %dma_wait3A_194 = tpu.memref_slice %arg7[%dma_wait3A_191, %dma_wait3A_192, %dma_wait3A_193] : memref<8x8x128xf32, #tpu.memory_space<vmem>> -> memref<8x8x128xf32, #tpu.memory_space<vmem>>
            %dma_wait3A_195 = arith.constant 0 : i32
            %dma_wait3A_196 = arith.constant 0 : i32
            %dma_wait3A_197 = tpu.memref_slice %arg4[%select_n3A, %add3A_174, %select_n3A_76, %dma_wait3A_195, %dma_wait3A_196] : memref<50x125x8x8x128xf32, #tpu.memory_space<hbm>> -> memref<1x8x1x8x128xf32, #tpu.memory_space<hbm>>
            %dma_wait3A_198 = tpu.memref_squeeze %dma_wait3A_197 : memref<1x8x1x8x128xf32, #tpu.memory_space<hbm>> -> memref<8x8x128xf32, #tpu.memory_space<hbm>>
            %dma_wait3A_199 = arith.constant 0 : i32
            %dma_wait3A_200 = arith.constant 0 : i32
            %dma_wait3A_201 = tpu.memref_slice %arg4[%select_n3A, %add3A_174, %select_n3A_76, %dma_wait3A_199, %dma_wait3A_200] : memref<50x125x8x8x128xf32, #tpu.memory_space<hbm>> -> memref<1x8x1x8x128xf32, #tpu.memory_space<hbm>>
            %dma_wait3A_202 = tpu.memref_squeeze %dma_wait3A_201 : memref<1x8x1x8x128xf32, #tpu.memory_space<hbm>> -> memref<8x8x128xf32, #tpu.memory_space<hbm>>
            %dma_wait3A_203 = arith.constant 0 : i32
            %dma_wait3A_204 = arith.constant 0 : i32
            %dma_wait3A_205 = arith.constant 0 : i32
            %dma_wait3A_206 = tpu.memref_slice %arg7[%dma_wait3A_203, %dma_wait3A_204, %dma_wait3A_205] : memref<8x8x128xf32, #tpu.memory_space<vmem>> -> memref<8x8x128xf32, #tpu.memory_space<vmem>>
            tpu.wait_dma2 semaphore(%run_scoped3A : memref<!tpu.dma_semaphore, #tpu.memory_space<semaphore_mem>>) src(%dma_wait3A_206 : memref<8x8x128xf32, #tpu.memory_space<vmem>>) dst(%dma_wait3A_202 : memref<8x8x128xf32, #tpu.memory_space<hbm>>)
            tpu.yield
          }) : () -> ()
        }
        %scan3A_105 = arith.constant 4 : i32
        %dma_wait3A_106 = arith.constant 1 : i32
        %dma_wait3A_107 = arith.constant 0 : i32
        %dma_wait3A_108 = arith.constant 0 : i32
        %dma_wait3A_109 = tpu.memref_slice %arg6[%dma_wait3A_106, %dma_wait3A_107, %dma_wait3A_108] : memref<2x128x264xf32, #tpu.memory_space<vmem>> -> memref<1x128x256xf32, #tpu.memory_space<vmem>>
        %dma_wait3A_110 = tpu.memref_squeeze %dma_wait3A_109 : memref<1x128x256xf32, #tpu.memory_space<vmem>> -> memref<128x256xf32, #tpu.memory_space<vmem>>
        %dma_wait3A_111 = arith.constant 0 : i32
        %dma_wait3A_112 = arith.constant 256 : i32
        %dma_wait3A_113 = tpu.memref_slice %arg3[%dma_wait3A_111, %dma_wait3A_112] : memref<1000x1024xf32, #tpu.memory_space<hbm>> -> memref<1000x256xf32, #tpu.memory_space<hbm>>
        tpu.wait_indirect_dma semaphore(%arg9 : memref<!tpu.dma_semaphore, #tpu.memory_space<semaphore_mem>>) src(%dma_wait3A_113 : memref<1000x256xf32, #tpu.memory_space<hbm>>) dst(%dma_wait3A_110 : memref<128x256xf32, #tpu.memory_space<vmem>>)
        %dma_start3A_114 = arith.constant 0 : i32
        %dma_start3A_115 = arith.constant 0 : i32
        %dma_start3A_116 = arith.constant 0 : i32
        %dma_start3A_117 = tpu.memref_slice %arg6[%dma_start3A_114, %dma_start3A_115, %dma_start3A_116] : memref<2x128x264xf32, #tpu.memory_space<vmem>> -> memref<1x128x256xf32, #tpu.memory_space<vmem>>
        %dma_start3A_118 = tpu.memref_squeeze %dma_start3A_117 : memref<1x128x256xf32, #tpu.memory_space<vmem>> -> memref<128x256xf32, #tpu.memory_space<vmem>>
        %dma_start3A_119 = arith.constant 0 : i32
        %dma_start3A_120 = arith.constant 512 : i32
        %dma_start3A_121 = tpu.memref_slice %arg3[%dma_start3A_119, %dma_start3A_120] : memref<1000x1024xf32, #tpu.memory_space<hbm>> -> memref<1000x256xf32, #tpu.memory_space<hbm>>
        tpu.enqueue_indirect_dma source(%dma_start3A_121 : memref<1000x256xf32, #tpu.memory_space<hbm>>) target(%dma_start3A_118 : memref<128x256xf32, #tpu.memory_space<vmem>>) offsets(%arg5 : memref<128xi32, #tpu.memory_space<vmem>>) semaphore(%arg8 : memref<!tpu.dma_semaphore, #tpu.memory_space<semaphore_mem>>)
        %scan3A_122 = arith.constant 0 : i32
        %scan3A_123 = arith.constant 4 : i32
        %scan3A_124 = arith.addi %scan3A_122, %scan3A_123 : i32
        %scan3A_125 = arith.constant 1 : i32
        scf.for %scan3A_163 = %scan3A_122 to %scan3A_124 step %scan3A_125  : i32 {
          %mul3A_164 = arith.constant 1 : i32
          %mul3A_165 = arith.muli %scan3A_163, %mul3A_164 : i32
          %add3A_166 = arith.constant 0 : i32
          %add3A_167 = arith.addi %add3A_166, %mul3A_165 : i32
          %parallel_loop3A_168 = arith.constant 0 : i32
          %parallel_loop3A_169 = arith.constant 64 : i32
          %parallel_loop3A_170 = arith.constant 1 : i32
          scf.for %parallel_loop3A_175 = %parallel_loop3A_168 to %parallel_loop3A_169 step %parallel_loop3A_170  : i32 {
            %parallel_loop3A_176 = arith.constant 8 : i32
            %parallel_loop3A_177 = arith.divsi %parallel_loop3A_175, %parallel_loop3A_176 : i32
            %parallel_loop3A_178 = arith.constant 0 : i32
            %parallel_loop3A_179 = arith.cmpi sgt, %parallel_loop3A_175, %parallel_loop3A_178 : i32
            %parallel_loop3A_180 = arith.extui %parallel_loop3A_179 : i1 to i32
            %parallel_loop3A_181 = arith.constant 0 : i32
            %parallel_loop3A_182 = arith.cmpi slt, %parallel_loop3A_175, %parallel_loop3A_181 : i32
            %parallel_loop3A_183 = arith.extui %parallel_loop3A_182 : i1 to i32
            %parallel_loop3A_184 = arith.subi %parallel_loop3A_180, %parallel_loop3A_183 : i32
            %parallel_loop3A_185 = arith.constant 0 : i32
            %parallel_loop3A_186 = arith.cmpi sgt, %parallel_loop3A_176, %parallel_loop3A_185 : i32
            %parallel_loop3A_187 = arith.extui %parallel_loop3A_186 : i1 to i32
            %parallel_loop3A_188 = arith.constant 0 : i32
            %parallel_loop3A_189 = arith.cmpi slt, %parallel_loop3A_176, %parallel_loop3A_188 : i32
            %parallel_loop3A_190 = arith.extui %parallel_loop3A_189 : i1 to i32
            %parallel_loop3A_191 = arith.subi %parallel_loop3A_187, %parallel_loop3A_190 : i32
            %parallel_loop3A_192 = arith.cmpi ne, %parallel_loop3A_184, %parallel_loop3A_191 : i32
            %parallel_loop3A_193 = arith.remsi %parallel_loop3A_175, %parallel_loop3A_176 : i32
            %parallel_loop3A_194 = arith.constant 0 : i32
            %parallel_loop3A_195 = arith.cmpi ne, %parallel_loop3A_193, %parallel_loop3A_194 : i32
            %parallel_loop3A_196 = arith.andi %parallel_loop3A_192, %parallel_loop3A_195 : i1
            %parallel_loop3A_197 = arith.constant 1 : i32
            %parallel_loop3A_198 = arith.subi %parallel_loop3A_177, %parallel_loop3A_197 : i32
            %parallel_loop3A_199 = arith.select %parallel_loop3A_196, %parallel_loop3A_198, %parallel_loop3A_177 : i32
            %parallel_loop3A_200 = arith.constant 8 : i32
            %parallel_loop3A_201 = arith.muli %parallel_loop3A_199, %parallel_loop3A_200 : i32
            %parallel_loop3A_202 = arith.subi %parallel_loop3A_175, %parallel_loop3A_201 : i32
            %parallel_loop3A_203 = arith.constant 64 : i32
            %parallel_loop3A_204 = arith.muli %add3A_167, %parallel_loop3A_203 : i32
            %parallel_loop3A_205 = arith.addi %parallel_loop3A_204, %parallel_loop3A_175 : i32
            %parallel_loop3A_206 = vector.broadcast %parallel_loop3A_205 : i32 to vector<16xi32>
            %parallel_loop3A_207 = arith.constant 1 : i32
            %parallel_loop3A_208 = arith.constant 0 : i32
            %parallel_loop3A_209 = arith.constant 0 : i32
            %parallel_loop3A_210 = tpu.memref_slice %arg6[%parallel_loop3A_207, %parallel_loop3A_208, %parallel_loop3A_209] : memref<2x128x264xf32, #tpu.memory_space<vmem>> -> memref<1x128x264xf32, #tpu.memory_space<vmem>>
            %parallel_loop3A_211 = tpu.memref_squeeze %parallel_loop3A_210 : memref<1x128x264xf32, #tpu.memory_space<vmem>> -> memref<128x264xf32, #tpu.memory_space<vmem>>
            %parallel_loop3A_212 = tpu.vector_load_idx %parallel_loop3A_211[%add3A_3, %parallel_loop3A_206] : memref<128x264xf32, #tpu.memory_space<vmem>>[vector<16xi32>, vector<16xi32>], vector<16xf32>,
            %parallel_loop3A_213 = arith.index_cast %parallel_loop3A_199 : i32 to index
            %parallel_loop3A_214 = arith.index_cast %parallel_loop3A_202 : i32 to index
            %parallel_loop3A_215 = arith.constant 0 : index
            %parallel_loop3A_216 = tpu.vector_load %arg7[%parallel_loop3A_213, %parallel_loop3A_214, %parallel_loop3A_215] {strides = array<i32>} : memref<8x8x128xf32, #tpu.memory_space<vmem>>, vector<16xf32>,
            tpu.vector_store %arg7[%parallel_loop3A_213, %parallel_loop3A_214, %parallel_loop3A_215], %parallel_loop3A_212 {strides = array<i32>} : memref<8x8x128xf32, #tpu.memory_space<vmem>>, vector<16xf32>,
            %parallel_loop3A_217 = arith.constant 1 : i32
            %parallel_loop3A_218 = arith.constant 0 : i32
            %parallel_loop3A_219 = arith.constant 0 : i32
            %parallel_loop3A_220 = tpu.memref_slice %arg6[%parallel_loop3A_217, %parallel_loop3A_218, %parallel_loop3A_219] : memref<2x128x264xf32, #tpu.memory_space<vmem>> -> memref<1x128x264xf32, #tpu.memory_space<vmem>>
            %parallel_loop3A_221 = tpu.memref_squeeze %parallel_loop3A_220 : memref<1x128x264xf32, #tpu.memory_space<vmem>> -> memref<128x264xf32, #tpu.memory_space<vmem>>
            %parallel_loop3A_222 = tpu.vector_load_idx %parallel_loop3A_221[%add3A_7, %parallel_loop3A_206] : memref<128x264xf32, #tpu.memory_space<vmem>>[vector<16xi32>, vector<16xi32>], vector<16xf32>,
            %parallel_loop3A_223 = arith.index_cast %parallel_loop3A_199 : i32 to index
            %parallel_loop3A_224 = arith.index_cast %parallel_loop3A_202 : i32 to index
            %parallel_loop3A_225 = arith.constant 16 : index
            %parallel_loop3A_226 = tpu.vector_load %arg7[%parallel_loop3A_223, %parallel_loop3A_224, %parallel_loop3A_225] {strides = array<i32>} : memref<8x8x128xf32, #tpu.memory_space<vmem>>, vector<16xf32>,
            tpu.vector_store %arg7[%parallel_loop3A_223, %parallel_loop3A_224, %parallel_loop3A_225], %parallel_loop3A_222 {strides = array<i32>} : memref<8x8x128xf32, #tpu.memory_space<vmem>>, vector<16xf32>,
            %parallel_loop3A_227 = arith.constant 1 : i32
            %parallel_loop3A_228 = arith.constant 0 : i32
            %parallel_loop3A_229 = arith.constant 0 : i32
            %parallel_loop3A_230 = tpu.memref_slice %arg6[%parallel_loop3A_227, %parallel_loop3A_228, %parallel_loop3A_229] : memref<2x128x264xf32, #tpu.memory_space<vmem>> -> memref<1x128x264xf32, #tpu.memory_space<vmem>>
            %parallel_loop3A_231 = tpu.memref_squeeze %parallel_loop3A_230 : memref<1x128x264xf32, #tpu.memory_space<vmem>> -> memref<128x264xf32, #tpu.memory_space<vmem>>
            %parallel_loop3A_232 = tpu.vector_load_idx %parallel_loop3A_231[%add3A_11, %parallel_loop3A_206] : memref<128x264xf32, #tpu.memory_space<vmem>>[vector<16xi32>, vector<16xi32>], vector<16xf32>,
            %parallel_loop3A_233 = arith.index_cast %parallel_loop3A_199 : i32 to index
            %parallel_loop3A_234 = arith.index_cast %parallel_loop3A_202 : i32 to index
            %parallel_loop3A_235 = arith.constant 32 : index
            %parallel_loop3A_236 = tpu.vector_load %arg7[%parallel_loop3A_233, %parallel_loop3A_234, %parallel_loop3A_235] {strides = array<i32>} : memref<8x8x128xf32, #tpu.memory_space<vmem>>, vector<16xf32>,
            tpu.vector_store %arg7[%parallel_loop3A_233, %parallel_loop3A_234, %parallel_loop3A_235], %parallel_loop3A_232 {strides = array<i32>} : memref<8x8x128xf32, #tpu.memory_space<vmem>>, vector<16xf32>,
            %parallel_loop3A_237 = arith.constant 1 : i32
            %parallel_loop3A_238 = arith.constant 0 : i32
            %parallel_loop3A_239 = arith.constant 0 : i32
            %parallel_loop3A_240 = tpu.memref_slice %arg6[%parallel_loop3A_237, %parallel_loop3A_238, %parallel_loop3A_239] : memref<2x128x264xf32, #tpu.memory_space<vmem>> -> memref<1x128x264xf32, #tpu.memory_space<vmem>>
            %parallel_loop3A_241 = tpu.memref_squeeze %parallel_loop3A_240 : memref<1x128x264xf32, #tpu.memory_space<vmem>> -> memref<128x264xf32, #tpu.memory_space<vmem>>
            %parallel_loop3A_242 = tpu.vector_load_idx %parallel_loop3A_241[%add3A_15, %parallel_loop3A_206] : memref<128x264xf32, #tpu.memory_space<vmem>>[vector<16xi32>, vector<16xi32>], vector<16xf32>,
            %parallel_loop3A_243 = arith.index_cast %parallel_loop3A_199 : i32 to index
            %parallel_loop3A_244 = arith.index_cast %parallel_loop3A_202 : i32 to index
            %parallel_loop3A_245 = arith.constant 48 : index
            %parallel_loop3A_246 = tpu.vector_load %arg7[%parallel_loop3A_243, %parallel_loop3A_244, %parallel_loop3A_245] {strides = array<i32>} : memref<8x8x128xf32, #tpu.memory_space<vmem>>, vector<16xf32>,
            tpu.vector_store %arg7[%parallel_loop3A_243, %parallel_loop3A_244, %parallel_loop3A_245], %parallel_loop3A_242 {strides = array<i32>} : memref<8x8x128xf32, #tpu.memory_space<vmem>>, vector<16xf32>,
            %parallel_loop3A_247 = arith.constant 1 : i32
            %parallel_loop3A_248 = arith.constant 0 : i32
            %parallel_loop3A_249 = arith.constant 0 : i32
            %parallel_loop3A_250 = tpu.memref_slice %arg6[%parallel_loop3A_247, %parallel_loop3A_248, %parallel_loop3A_249] : memref<2x128x264xf32, #tpu.memory_space<vmem>> -> memref<1x128x264xf32, #tpu.memory_space<vmem>>
            %parallel_loop3A_251 = tpu.memref_squeeze %parallel_loop3A_250 : memref<1x128x264xf32, #tpu.memory_space<vmem>> -> memref<128x264xf32, #tpu.memory_space<vmem>>
            %parallel_loop3A_252 = tpu.vector_load_idx %parallel_loop3A_251[%add3A_19, %parallel_loop3A_206] : memref<128x264xf32, #tpu.memory_space<vmem>>[vector<16xi32>, vector<16xi32>], vector<16xf32>,
            %parallel_loop3A_253 = arith.index_cast %parallel_loop3A_199 : i32 to index
            %parallel_loop3A_254 = arith.index_cast %parallel_loop3A_202 : i32 to index
            %parallel_loop3A_255 = arith.constant 64 : index
            %parallel_loop3A_256 = tpu.vector_load %arg7[%parallel_loop3A_253, %parallel_loop3A_254, %parallel_loop3A_255] {strides = array<i32>} : memref<8x8x128xf32, #tpu.memory_space<vmem>>, vector<16xf32>,
            tpu.vector_store %arg7[%parallel_loop3A_253, %parallel_loop3A_254, %parallel_loop3A_255], %parallel_loop3A_252 {strides = array<i32>} : memref<8x8x128xf32, #tpu.memory_space<vmem>>, vector<16xf32>,
            %parallel_loop3A_257 = arith.constant 1 : i32
            %parallel_loop3A_258 = arith.constant 0 : i32
            %parallel_loop3A_259 = arith.constant 0 : i32
            %parallel_loop3A_260 = tpu.memref_slice %arg6[%parallel_loop3A_257, %parallel_loop3A_258, %parallel_loop3A_259] : memref<2x128x264xf32, #tpu.memory_space<vmem>> -> memref<1x128x264xf32, #tpu.memory_space<vmem>>
            %parallel_loop3A_261 = tpu.memref_squeeze %parallel_loop3A_260 : memref<1x128x264xf32, #tpu.memory_space<vmem>> -> memref<128x264xf32, #tpu.memory_space<vmem>>
            %parallel_loop3A_262 = tpu.vector_load_idx %parallel_loop3A_261[%add3A_23, %parallel_loop3A_206] : memref<128x264xf32, #tpu.memory_space<vmem>>[vector<16xi32>, vector<16xi32>], vector<16xf32>,
            %parallel_loop3A_263 = arith.index_cast %parallel_loop3A_199 : i32 to index
            %parallel_loop3A_264 = arith.index_cast %parallel_loop3A_202 : i32 to index
            %parallel_loop3A_265 = arith.constant 80 : index
            %parallel_loop3A_266 = tpu.vector_load %arg7[%parallel_loop3A_263, %parallel_loop3A_264, %parallel_loop3A_265] {strides = array<i32>} : memref<8x8x128xf32, #tpu.memory_space<vmem>>, vector<16xf32>,
            tpu.vector_store %arg7[%parallel_loop3A_263, %parallel_loop3A_264, %parallel_loop3A_265], %parallel_loop3A_262 {strides = array<i32>} : memref<8x8x128xf32, #tpu.memory_space<vmem>>, vector<16xf32>,
            %parallel_loop3A_267 = arith.constant 1 : i32
            %parallel_loop3A_268 = arith.constant 0 : i32
            %parallel_loop3A_269 = arith.constant 0 : i32
            %parallel_loop3A_270 = tpu.memref_slice %arg6[%parallel_loop3A_267, %parallel_loop3A_268, %parallel_loop3A_269] : memref<2x128x264xf32, #tpu.memory_space<vmem>> -> memref<1x128x264xf32, #tpu.memory_space<vmem>>
            %parallel_loop3A_271 = tpu.memref_squeeze %parallel_loop3A_270 : memref<1x128x264xf32, #tpu.memory_space<vmem>> -> memref<128x264xf32, #tpu.memory_space<vmem>>
            %parallel_loop3A_272 = tpu.vector_load_idx %parallel_loop3A_271[%add3A_27, %parallel_loop3A_206] : memref<128x264xf32, #tpu.memory_space<vmem>>[vector<16xi32>, vector<16xi32>], vector<16xf32>,
            %parallel_loop3A_273 = arith.index_cast %parallel_loop3A_199 : i32 to index
            %parallel_loop3A_274 = arith.index_cast %parallel_loop3A_202 : i32 to index
            %parallel_loop3A_275 = arith.constant 96 : index
            %parallel_loop3A_276 = tpu.vector_load %arg7[%parallel_loop3A_273, %parallel_loop3A_274, %parallel_loop3A_275] {strides = array<i32>} : memref<8x8x128xf32, #tpu.memory_space<vmem>>, vector<16xf32>,
            tpu.vector_store %arg7[%parallel_loop3A_273, %parallel_loop3A_274, %parallel_loop3A_275], %parallel_loop3A_272 {strides = array<i32>} : memref<8x8x128xf32, #tpu.memory_space<vmem>>, vector<16xf32>,
            %parallel_loop3A_277 = arith.constant 1 : i32
            %parallel_loop3A_278 = arith.constant 0 : i32
            %parallel_loop3A_279 = arith.constant 0 : i32
            %parallel_loop3A_280 = tpu.memref_slice %arg6[%parallel_loop3A_277, %parallel_loop3A_278, %parallel_loop3A_279] : memref<2x128x264xf32, #tpu.memory_space<vmem>> -> memref<1x128x264xf32, #tpu.memory_space<vmem>>
            %parallel_loop3A_281 = tpu.memref_squeeze %parallel_loop3A_280 : memref<1x128x264xf32, #tpu.memory_space<vmem>> -> memref<128x264xf32, #tpu.memory_space<vmem>>
            %parallel_loop3A_282 = tpu.vector_load_idx %parallel_loop3A_281[%add3A_31, %parallel_loop3A_206] : memref<128x264xf32, #tpu.memory_space<vmem>>[vector<16xi32>, vector<16xi32>], vector<16xf32>,
            %parallel_loop3A_283 = arith.index_cast %parallel_loop3A_199 : i32 to index
            %parallel_loop3A_284 = arith.index_cast %parallel_loop3A_202 : i32 to index
            %parallel_loop3A_285 = arith.constant 112 : index
            %parallel_loop3A_286 = tpu.vector_load %arg7[%parallel_loop3A_283, %parallel_loop3A_284, %parallel_loop3A_285] {strides = array<i32>} : memref<8x8x128xf32, #tpu.memory_space<vmem>>, vector<16xf32>,
            tpu.vector_store %arg7[%parallel_loop3A_283, %parallel_loop3A_284, %parallel_loop3A_285], %parallel_loop3A_282 {strides = array<i32>} : memref<8x8x128xf32, #tpu.memory_space<vmem>>, vector<16xf32>,
          } {sc.loop_unroll_factor = 1 : i64, sc.parallel_access}
          %mul3A_171 = arith.constant 8 : i32
          %mul3A_172 = arith.muli %add3A_167, %mul3A_171 : i32
          %add3A_173 = arith.constant 32 : i32
          %add3A_174 = arith.addi %add3A_173, %mul3A_172 : i32
          "tpu.region"() ({
            %run_scoped3A = tpu.sem_alloc : memref<!tpu.dma_semaphore, #tpu.memory_space<semaphore_mem>>
            %dma_start3A_175 = arith.constant 0 : i32
            %dma_start3A_176 = arith.constant 0 : i32
            %dma_start3A_177 = arith.constant 0 : i32
            %dma_start3A_178 = tpu.memref_slice %arg7[%dma_start3A_175, %dma_start3A_176, %dma_start3A_177] : memref<8x8x128xf32, #tpu.memory_space<vmem>> -> memref<8x8x128xf32, #tpu.memory_space<vmem>>
            %dma_start3A_179 = arith.constant 0 : i32
            %dma_start3A_180 = arith.constant 0 : i32
            %dma_start3A_181 = tpu.memref_slice %arg4[%select_n3A, %add3A_174, %select_n3A_76, %dma_start3A_179, %dma_start3A_180] : memref<50x125x8x8x128xf32, #tpu.memory_space<hbm>> -> memref<1x8x1x8x128xf32, #tpu.memory_space<hbm>>
            %dma_start3A_182 = tpu.memref_squeeze %dma_start3A_181 : memref<1x8x1x8x128xf32, #tpu.memory_space<hbm>> -> memref<8x8x128xf32, #tpu.memory_space<hbm>>
            %dma_start3A_183 = arith.constant 0 : i32
            %dma_start3A_184 = arith.constant 0 : i32
            %dma_start3A_185 = tpu.memref_slice %arg4[%select_n3A, %add3A_174, %select_n3A_76, %dma_start3A_183, %dma_start3A_184] : memref<50x125x8x8x128xf32, #tpu.memory_space<hbm>> -> memref<1x8x1x8x128xf32, #tpu.memory_space<hbm>>
            %dma_start3A_186 = tpu.memref_squeeze %dma_start3A_185 : memref<1x8x1x8x128xf32, #tpu.memory_space<hbm>> -> memref<8x8x128xf32, #tpu.memory_space<hbm>>
            %dma_start3A_187 = arith.constant 0 : i32
            %dma_start3A_188 = arith.constant 0 : i32
            %dma_start3A_189 = arith.constant 0 : i32
            %dma_start3A_190 = tpu.memref_slice %arg7[%dma_start3A_187, %dma_start3A_188, %dma_start3A_189] : memref<8x8x128xf32, #tpu.memory_space<vmem>> -> memref<8x8x128xf32, #tpu.memory_space<vmem>>
            tpu.enqueue_dma source(%dma_start3A_190 : memref<8x8x128xf32, #tpu.memory_space<vmem>>) target(%dma_start3A_186 : memref<8x8x128xf32, #tpu.memory_space<hbm>>) target_semaphore(%run_scoped3A : memref<!tpu.dma_semaphore, #tpu.memory_space<semaphore_mem>>)
            %dma_wait3A_191 = arith.constant 0 : i32
            %dma_wait3A_192 = arith.constant 0 : i32
            %dma_wait3A_193 = arith.constant 0 : i32
            %dma_wait3A_194 = tpu.memref_slice %arg7[%dma_wait3A_191, %dma_wait3A_192, %dma_wait3A_193] : memref<8x8x128xf32, #tpu.memory_space<vmem>> -> memref<8x8x128xf32, #tpu.memory_space<vmem>>
            %dma_wait3A_195 = arith.constant 0 : i32
            %dma_wait3A_196 = arith.constant 0 : i32
            %dma_wait3A_197 = tpu.memref_slice %arg4[%select_n3A, %add3A_174, %select_n3A_76, %dma_wait3A_195, %dma_wait3A_196] : memref<50x125x8x8x128xf32, #tpu.memory_space<hbm>> -> memref<1x8x1x8x128xf32, #tpu.memory_space<hbm>>
            %dma_wait3A_198 = tpu.memref_squeeze %dma_wait3A_197 : memref<1x8x1x8x128xf32, #tpu.memory_space<hbm>> -> memref<8x8x128xf32, #tpu.memory_space<hbm>>
            %dma_wait3A_199 = arith.constant 0 : i32
            %dma_wait3A_200 = arith.constant 0 : i32
            %dma_wait3A_201 = tpu.memref_slice %arg4[%select_n3A, %add3A_174, %select_n3A_76, %dma_wait3A_199, %dma_wait3A_200] : memref<50x125x8x8x128xf32, #tpu.memory_space<hbm>> -> memref<1x8x1x8x128xf32, #tpu.memory_space<hbm>>
            %dma_wait3A_202 = tpu.memref_squeeze %dma_wait3A_201 : memref<1x8x1x8x128xf32, #tpu.memory_space<hbm>> -> memref<8x8x128xf32, #tpu.memory_space<hbm>>
            %dma_wait3A_203 = arith.constant 0 : i32
            %dma_wait3A_204 = arith.constant 0 : i32
            %dma_wait3A_205 = arith.constant 0 : i32
            %dma_wait3A_206 = tpu.memref_slice %arg7[%dma_wait3A_203, %dma_wait3A_204, %dma_wait3A_205] : memref<8x8x128xf32, #tpu.memory_space<vmem>> -> memref<8x8x128xf32, #tpu.memory_space<vmem>>
            tpu.wait_dma2 semaphore(%run_scoped3A : memref<!tpu.dma_semaphore, #tpu.memory_space<semaphore_mem>>) src(%dma_wait3A_206 : memref<8x8x128xf32, #tpu.memory_space<vmem>>) dst(%dma_wait3A_202 : memref<8x8x128xf32, #tpu.memory_space<hbm>>)
            tpu.yield
          }) : () -> ()
        }
        %scan3A_126 = arith.constant 4 : i32
        %dma_wait3A_127 = arith.constant 0 : i32
        %dma_wait3A_128 = arith.constant 0 : i32
        %dma_wait3A_129 = arith.constant 0 : i32
        %dma_wait3A_130 = tpu.memref_slice %arg6[%dma_wait3A_127, %dma_wait3A_128, %dma_wait3A_129] : memref<2x128x264xf32, #tpu.memory_space<vmem>> -> memref<1x128x256xf32, #tpu.memory_space<vmem>>
        %dma_wait3A_131 = tpu.memref_squeeze %dma_wait3A_130 : memref<1x128x256xf32, #tpu.memory_space<vmem>> -> memref<128x256xf32, #tpu.memory_space<vmem>>
        %dma_wait3A_132 = arith.constant 0 : i32
        %dma_wait3A_133 = arith.constant 512 : i32
        %dma_wait3A_134 = tpu.memref_slice %arg3[%dma_wait3A_132, %dma_wait3A_133] : memref<1000x1024xf32, #tpu.memory_space<hbm>> -> memref<1000x256xf32, #tpu.memory_space<hbm>>
        tpu.wait_indirect_dma semaphore(%arg8 : memref<!tpu.dma_semaphore, #tpu.memory_space<semaphore_mem>>) src(%dma_wait3A_134 : memref<1000x256xf32, #tpu.memory_space<hbm>>) dst(%dma_wait3A_131 : memref<128x256xf32, #tpu.memory_space<vmem>>)
        %dma_start3A_135 = arith.constant 1 : i32
        %dma_start3A_136 = arith.constant 0 : i32
        %dma_start3A_137 = arith.constant 0 : i32
        %dma_start3A_138 = tpu.memref_slice %arg6[%dma_start3A_135, %dma_start3A_136, %dma_start3A_137] : memref<2x128x264xf32, #tpu.memory_space<vmem>> -> memref<1x128x256xf32, #tpu.memory_space<vmem>>
        %dma_start3A_139 = tpu.memref_squeeze %dma_start3A_138 : memref<1x128x256xf32, #tpu.memory_space<vmem>> -> memref<128x256xf32, #tpu.memory_space<vmem>>
        %dma_start3A_140 = arith.constant 0 : i32
        %dma_start3A_141 = arith.constant 768 : i32
        %dma_start3A_142 = tpu.memref_slice %arg3[%dma_start3A_140, %dma_start3A_141] : memref<1000x1024xf32, #tpu.memory_space<hbm>> -> memref<1000x256xf32, #tpu.memory_space<hbm>>
        tpu.enqueue_indirect_dma source(%dma_start3A_142 : memref<1000x256xf32, #tpu.memory_space<hbm>>) target(%dma_start3A_139 : memref<128x256xf32, #tpu.memory_space<vmem>>) offsets(%arg5 : memref<128xi32, #tpu.memory_space<vmem>>) semaphore(%arg9 : memref<!tpu.dma_semaphore, #tpu.memory_space<semaphore_mem>>)
        %scan3A_143 = arith.constant 0 : i32
        %scan3A_144 = arith.constant 4 : i32
        %scan3A_145 = arith.addi %scan3A_143, %scan3A_144 : i32
        %scan3A_146 = arith.constant 1 : i32
        scf.for %scan3A_163 = %scan3A_143 to %scan3A_145 step %scan3A_146  : i32 {
          %mul3A_164 = arith.constant 1 : i32
          %mul3A_165 = arith.muli %scan3A_163, %mul3A_164 : i32
          %add3A_166 = arith.constant 0 : i32
          %add3A_167 = arith.addi %add3A_166, %mul3A_165 : i32
          %parallel_loop3A_168 = arith.constant 0 : i32
          %parallel_loop3A_169 = arith.constant 64 : i32
          %parallel_loop3A_170 = arith.constant 1 : i32
          scf.for %parallel_loop3A_175 = %parallel_loop3A_168 to %parallel_loop3A_169 step %parallel_loop3A_170  : i32 {
            %parallel_loop3A_176 = arith.constant 8 : i32
            %parallel_loop3A_177 = arith.divsi %parallel_loop3A_175, %parallel_loop3A_176 : i32
            %parallel_loop3A_178 = arith.constant 0 : i32
            %parallel_loop3A_179 = arith.cmpi sgt, %parallel_loop3A_175, %parallel_loop3A_178 : i32
            %parallel_loop3A_180 = arith.extui %parallel_loop3A_179 : i1 to i32
            %parallel_loop3A_181 = arith.constant 0 : i32
            %parallel_loop3A_182 = arith.cmpi slt, %parallel_loop3A_175, %parallel_loop3A_181 : i32
            %parallel_loop3A_183 = arith.extui %parallel_loop3A_182 : i1 to i32
            %parallel_loop3A_184 = arith.subi %parallel_loop3A_180, %parallel_loop3A_183 : i32
            %parallel_loop3A_185 = arith.constant 0 : i32
            %parallel_loop3A_186 = arith.cmpi sgt, %parallel_loop3A_176, %parallel_loop3A_185 : i32
            %parallel_loop3A_187 = arith.extui %parallel_loop3A_186 : i1 to i32
            %parallel_loop3A_188 = arith.constant 0 : i32
            %parallel_loop3A_189 = arith.cmpi slt, %parallel_loop3A_176, %parallel_loop3A_188 : i32
            %parallel_loop3A_190 = arith.extui %parallel_loop3A_189 : i1 to i32
            %parallel_loop3A_191 = arith.subi %parallel_loop3A_187, %parallel_loop3A_190 : i32
            %parallel_loop3A_192 = arith.cmpi ne, %parallel_loop3A_184, %parallel_loop3A_191 : i32
            %parallel_loop3A_193 = arith.remsi %parallel_loop3A_175, %parallel_loop3A_176 : i32
            %parallel_loop3A_194 = arith.constant 0 : i32
            %parallel_loop3A_195 = arith.cmpi ne, %parallel_loop3A_193, %parallel_loop3A_194 : i32
            %parallel_loop3A_196 = arith.andi %parallel_loop3A_192, %parallel_loop3A_195 : i1
            %parallel_loop3A_197 = arith.constant 1 : i32
            %parallel_loop3A_198 = arith.subi %parallel_loop3A_177, %parallel_loop3A_197 : i32
            %parallel_loop3A_199 = arith.select %parallel_loop3A_196, %parallel_loop3A_198, %parallel_loop3A_177 : i32
            %parallel_loop3A_200 = arith.constant 8 : i32
            %parallel_loop3A_201 = arith.muli %parallel_loop3A_199, %parallel_loop3A_200 : i32
            %parallel_loop3A_202 = arith.subi %parallel_loop3A_175, %parallel_loop3A_201 : i32
            %parallel_loop3A_203 = arith.constant 64 : i32
            %parallel_loop3A_204 = arith.muli %add3A_167, %parallel_loop3A_203 : i32
            %parallel_loop3A_205 = arith.addi %parallel_loop3A_204, %parallel_loop3A_175 : i32
            %parallel_loop3A_206 = vector.broadcast %parallel_loop3A_205 : i32 to vector<16xi32>
            %parallel_loop3A_207 = arith.constant 0 : i32
            %parallel_loop3A_208 = arith.constant 0 : i32
            %parallel_loop3A_209 = arith.constant 0 : i32
            %parallel_loop3A_210 = tpu.memref_slice %arg6[%parallel_loop3A_207, %parallel_loop3A_208, %parallel_loop3A_209] : memref<2x128x264xf32, #tpu.memory_space<vmem>> -> memref<1x128x264xf32, #tpu.memory_space<vmem>>
            %parallel_loop3A_211 = tpu.memref_squeeze %parallel_loop3A_210 : memref<1x128x264xf32, #tpu.memory_space<vmem>> -> memref<128x264xf32, #tpu.memory_space<vmem>>
            %parallel_loop3A_212 = tpu.vector_load_idx %parallel_loop3A_211[%add3A_3, %parallel_loop3A_206] : memref<128x264xf32, #tpu.memory_space<vmem>>[vector<16xi32>, vector<16xi32>], vector<16xf32>,
            %parallel_loop3A_213 = arith.index_cast %parallel_loop3A_199 : i32 to index
            %parallel_loop3A_214 = arith.index_cast %parallel_loop3A_202 : i32 to index
            %parallel_loop3A_215 = arith.constant 0 : index
            %parallel_loop3A_216 = tpu.vector_load %arg7[%parallel_loop3A_213, %parallel_loop3A_214, %parallel_loop3A_215] {strides = array<i32>} : memref<8x8x128xf32, #tpu.memory_space<vmem>>, vector<16xf32>,
            tpu.vector_store %arg7[%parallel_loop3A_213, %parallel_loop3A_214, %parallel_loop3A_215], %parallel_loop3A_212 {strides = array<i32>} : memref<8x8x128xf32, #tpu.memory_space<vmem>>, vector<16xf32>,
            %parallel_loop3A_217 = arith.constant 0 : i32
            %parallel_loop3A_218 = arith.constant 0 : i32
            %parallel_loop3A_219 = arith.constant 0 : i32
            %parallel_loop3A_220 = tpu.memref_slice %arg6[%parallel_loop3A_217, %parallel_loop3A_218, %parallel_loop3A_219] : memref<2x128x264xf32, #tpu.memory_space<vmem>> -> memref<1x128x264xf32, #tpu.memory_space<vmem>>
            %parallel_loop3A_221 = tpu.memref_squeeze %parallel_loop3A_220 : memref<1x128x264xf32, #tpu.memory_space<vmem>> -> memref<128x264xf32, #tpu.memory_space<vmem>>
            %parallel_loop3A_222 = tpu.vector_load_idx %parallel_loop3A_221[%add3A_7, %parallel_loop3A_206] : memref<128x264xf32, #tpu.memory_space<vmem>>[vector<16xi32>, vector<16xi32>], vector<16xf32>,
            %parallel_loop3A_223 = arith.index_cast %parallel_loop3A_199 : i32 to index
            %parallel_loop3A_224 = arith.index_cast %parallel_loop3A_202 : i32 to index
            %parallel_loop3A_225 = arith.constant 16 : index
            %parallel_loop3A_226 = tpu.vector_load %arg7[%parallel_loop3A_223, %parallel_loop3A_224, %parallel_loop3A_225] {strides = array<i32>} : memref<8x8x128xf32, #tpu.memory_space<vmem>>, vector<16xf32>,
            tpu.vector_store %arg7[%parallel_loop3A_223, %parallel_loop3A_224, %parallel_loop3A_225], %parallel_loop3A_222 {strides = array<i32>} : memref<8x8x128xf32, #tpu.memory_space<vmem>>, vector<16xf32>,
            %parallel_loop3A_227 = arith.constant 0 : i32
            %parallel_loop3A_228 = arith.constant 0 : i32
            %parallel_loop3A_229 = arith.constant 0 : i32
            %parallel_loop3A_230 = tpu.memref_slice %arg6[%parallel_loop3A_227, %parallel_loop3A_228, %parallel_loop3A_229] : memref<2x128x264xf32, #tpu.memory_space<vmem>> -> memref<1x128x264xf32, #tpu.memory_space<vmem>>
            %parallel_loop3A_231 = tpu.memref_squeeze %parallel_loop3A_230 : memref<1x128x264xf32, #tpu.memory_space<vmem>> -> memref<128x264xf32, #tpu.memory_space<vmem>>
            %parallel_loop3A_232 = tpu.vector_load_idx %parallel_loop3A_231[%add3A_11, %parallel_loop3A_206] : memref<128x264xf32, #tpu.memory_space<vmem>>[vector<16xi32>, vector<16xi32>], vector<16xf32>,
            %parallel_loop3A_233 = arith.index_cast %parallel_loop3A_199 : i32 to index
            %parallel_loop3A_234 = arith.index_cast %parallel_loop3A_202 : i32 to index
            %parallel_loop3A_235 = arith.constant 32 : index
            %parallel_loop3A_236 = tpu.vector_load %arg7[%parallel_loop3A_233, %parallel_loop3A_234, %parallel_loop3A_235] {strides = array<i32>} : memref<8x8x128xf32, #tpu.memory_space<vmem>>, vector<16xf32>,
            tpu.vector_store %arg7[%parallel_loop3A_233, %parallel_loop3A_234, %parallel_loop3A_235], %parallel_loop3A_232 {strides = array<i32>} : memref<8x8x128xf32, #tpu.memory_space<vmem>>, vector<16xf32>,
            %parallel_loop3A_237 = arith.constant 0 : i32
            %parallel_loop3A_238 = arith.constant 0 : i32
            %parallel_loop3A_239 = arith.constant 0 : i32
            %parallel_loop3A_240 = tpu.memref_slice %arg6[%parallel_loop3A_237, %parallel_loop3A_238, %parallel_loop3A_239] : memref<2x128x264xf32, #tpu.memory_space<vmem>> -> memref<1x128x264xf32, #tpu.memory_space<vmem>>
            %parallel_loop3A_241 = tpu.memref_squeeze %parallel_loop3A_240 : memref<1x128x264xf32, #tpu.memory_space<vmem>> -> memref<128x264xf32, #tpu.memory_space<vmem>>
            %parallel_loop3A_242 = tpu.vector_load_idx %parallel_loop3A_241[%add3A_15, %parallel_loop3A_206] : memref<128x264xf32, #tpu.memory_space<vmem>>[vector<16xi32>, vector<16xi32>], vector<16xf32>,
            %parallel_loop3A_243 = arith.index_cast %parallel_loop3A_199 : i32 to index
            %parallel_loop3A_244 = arith.index_cast %parallel_loop3A_202 : i32 to index
            %parallel_loop3A_245 = arith.constant 48 : index
            %parallel_loop3A_246 = tpu.vector_load %arg7[%parallel_loop3A_243, %parallel_loop3A_244, %parallel_loop3A_245] {strides = array<i32>} : memref<8x8x128xf32, #tpu.memory_space<vmem>>, vector<16xf32>,
            tpu.vector_store %arg7[%parallel_loop3A_243, %parallel_loop3A_244, %parallel_loop3A_245], %parallel_loop3A_242 {strides = array<i32>} : memref<8x8x128xf32, #tpu.memory_space<vmem>>, vector<16xf32>,
            %parallel_loop3A_247 = arith.constant 0 : i32
            %parallel_loop3A_248 = arith.constant 0 : i32
            %parallel_loop3A_249 = arith.constant 0 : i32
            %parallel_loop3A_250 = tpu.memref_slice %arg6[%parallel_loop3A_247, %parallel_loop3A_248, %parallel_loop3A_249] : memref<2x128x264xf32, #tpu.memory_space<vmem>> -> memref<1x128x264xf32, #tpu.memory_space<vmem>>
            %parallel_loop3A_251 = tpu.memref_squeeze %parallel_loop3A_250 : memref<1x128x264xf32, #tpu.memory_space<vmem>> -> memref<128x264xf32, #tpu.memory_space<vmem>>
            %parallel_loop3A_252 = tpu.vector_load_idx %parallel_loop3A_251[%add3A_19, %parallel_loop3A_206] : memref<128x264xf32, #tpu.memory_space<vmem>>[vector<16xi32>, vector<16xi32>], vector<16xf32>,
            %parallel_loop3A_253 = arith.index_cast %parallel_loop3A_199 : i32 to index
            %parallel_loop3A_254 = arith.index_cast %parallel_loop3A_202 : i32 to index
            %parallel_loop3A_255 = arith.constant 64 : index
            %parallel_loop3A_256 = tpu.vector_load %arg7[%parallel_loop3A_253, %parallel_loop3A_254, %parallel_loop3A_255] {strides = array<i32>} : memref<8x8x128xf32, #tpu.memory_space<vmem>>, vector<16xf32>,
            tpu.vector_store %arg7[%parallel_loop3A_253, %parallel_loop3A_254, %parallel_loop3A_255], %parallel_loop3A_252 {strides = array<i32>} : memref<8x8x128xf32, #tpu.memory_space<vmem>>, vector<16xf32>,
            %parallel_loop3A_257 = arith.constant 0 : i32
            %parallel_loop3A_258 = arith.constant 0 : i32
            %parallel_loop3A_259 = arith.constant 0 : i32
            %parallel_loop3A_260 = tpu.memref_slice %arg6[%parallel_loop3A_257, %parallel_loop3A_258, %parallel_loop3A_259] : memref<2x128x264xf32, #tpu.memory_space<vmem>> -> memref<1x128x264xf32, #tpu.memory_space<vmem>>
            %parallel_loop3A_261 = tpu.memref_squeeze %parallel_loop3A_260 : memref<1x128x264xf32, #tpu.memory_space<vmem>> -> memref<128x264xf32, #tpu.memory_space<vmem>>
            %parallel_loop3A_262 = tpu.vector_load_idx %parallel_loop3A_261[%add3A_23, %parallel_loop3A_206] : memref<128x264xf32, #tpu.memory_space<vmem>>[vector<16xi32>, vector<16xi32>], vector<16xf32>,
            %parallel_loop3A_263 = arith.index_cast %parallel_loop3A_199 : i32 to index
            %parallel_loop3A_264 = arith.index_cast %parallel_loop3A_202 : i32 to index
            %parallel_loop3A_265 = arith.constant 80 : index
            %parallel_loop3A_266 = tpu.vector_load %arg7[%parallel_loop3A_263, %parallel_loop3A_264, %parallel_loop3A_265] {strides = array<i32>} : memref<8x8x128xf32, #tpu.memory_space<vmem>>, vector<16xf32>,
            tpu.vector_store %arg7[%parallel_loop3A_263, %parallel_loop3A_264, %parallel_loop3A_265], %parallel_loop3A_262 {strides = array<i32>} : memref<8x8x128xf32, #tpu.memory_space<vmem>>, vector<16xf32>,
            %parallel_loop3A_267 = arith.constant 0 : i32
            %parallel_loop3A_268 = arith.constant 0 : i32
            %parallel_loop3A_269 = arith.constant 0 : i32
            %parallel_loop3A_270 = tpu.memref_slice %arg6[%parallel_loop3A_267, %parallel_loop3A_268, %parallel_loop3A_269] : memref<2x128x264xf32, #tpu.memory_space<vmem>> -> memref<1x128x264xf32, #tpu.memory_space<vmem>>
            %parallel_loop3A_271 = tpu.memref_squeeze %parallel_loop3A_270 : memref<1x128x264xf32, #tpu.memory_space<vmem>> -> memref<128x264xf32, #tpu.memory_space<vmem>>
            %parallel_loop3A_272 = tpu.vector_load_idx %parallel_loop3A_271[%add3A_27, %parallel_loop3A_206] : memref<128x264xf32, #tpu.memory_space<vmem>>[vector<16xi32>, vector<16xi32>], vector<16xf32>,
            %parallel_loop3A_273 = arith.index_cast %parallel_loop3A_199 : i32 to index
            %parallel_loop3A_274 = arith.index_cast %parallel_loop3A_202 : i32 to index
            %parallel_loop3A_275 = arith.constant 96 : index
            %parallel_loop3A_276 = tpu.vector_load %arg7[%parallel_loop3A_273, %parallel_loop3A_274, %parallel_loop3A_275] {strides = array<i32>} : memref<8x8x128xf32, #tpu.memory_space<vmem>>, vector<16xf32>,
            tpu.vector_store %arg7[%parallel_loop3A_273, %parallel_loop3A_274, %parallel_loop3A_275], %parallel_loop3A_272 {strides = array<i32>} : memref<8x8x128xf32, #tpu.memory_space<vmem>>, vector<16xf32>,
            %parallel_loop3A_277 = arith.constant 0 : i32
            %parallel_loop3A_278 = arith.constant 0 : i32
            %parallel_loop3A_279 = arith.constant 0 : i32
            %parallel_loop3A_280 = tpu.memref_slice %arg6[%parallel_loop3A_277, %parallel_loop3A_278, %parallel_loop3A_279] : memref<2x128x264xf32, #tpu.memory_space<vmem>> -> memref<1x128x264xf32, #tpu.memory_space<vmem>>
            %parallel_loop3A_281 = tpu.memref_squeeze %parallel_loop3A_280 : memref<1x128x264xf32, #tpu.memory_space<vmem>> -> memref<128x264xf32, #tpu.memory_space<vmem>>
            %parallel_loop3A_282 = tpu.vector_load_idx %parallel_loop3A_281[%add3A_31, %parallel_loop3A_206] : memref<128x264xf32, #tpu.memory_space<vmem>>[vector<16xi32>, vector<16xi32>], vector<16xf32>,
            %parallel_loop3A_283 = arith.index_cast %parallel_loop3A_199 : i32 to index
            %parallel_loop3A_284 = arith.index_cast %parallel_loop3A_202 : i32 to index
            %parallel_loop3A_285 = arith.constant 112 : index
            %parallel_loop3A_286 = tpu.vector_load %arg7[%parallel_loop3A_283, %parallel_loop3A_284, %parallel_loop3A_285] {strides = array<i32>} : memref<8x8x128xf32, #tpu.memory_space<vmem>>, vector<16xf32>,
            tpu.vector_store %arg7[%parallel_loop3A_283, %parallel_loop3A_284, %parallel_loop3A_285], %parallel_loop3A_282 {strides = array<i32>} : memref<8x8x128xf32, #tpu.memory_space<vmem>>, vector<16xf32>,
          } {sc.loop_unroll_factor = 1 : i64, sc.parallel_access}
          %mul3A_171 = arith.constant 8 : i32
          %mul3A_172 = arith.muli %add3A_167, %mul3A_171 : i32
          %add3A_173 = arith.constant 64 : i32
          %add3A_174 = arith.addi %add3A_173, %mul3A_172 : i32
          "tpu.region"() ({
            %run_scoped3A = tpu.sem_alloc : memref<!tpu.dma_semaphore, #tpu.memory_space<semaphore_mem>>
            %dma_start3A_175 = arith.constant 0 : i32
            %dma_start3A_176 = arith.constant 0 : i32
            %dma_start3A_177 = arith.constant 0 : i32
            %dma_start3A_178 = tpu.memref_slice %arg7[%dma_start3A_175, %dma_start3A_176, %dma_start3A_177] : memref<8x8x128xf32, #tpu.memory_space<vmem>> -> memref<8x8x128xf32, #tpu.memory_space<vmem>>
            %dma_start3A_179 = arith.constant 0 : i32
            %dma_start3A_180 = arith.constant 0 : i32
            %dma_start3A_181 = tpu.memref_slice %arg4[%select_n3A, %add3A_174, %select_n3A_76, %dma_start3A_179, %dma_start3A_180] : memref<50x125x8x8x128xf32, #tpu.memory_space<hbm>> -> memref<1x8x1x8x128xf32, #tpu.memory_space<hbm>>
            %dma_start3A_182 = tpu.memref_squeeze %dma_start3A_181 : memref<1x8x1x8x128xf32, #tpu.memory_space<hbm>> -> memref<8x8x128xf32, #tpu.memory_space<hbm>>
            %dma_start3A_183 = arith.constant 0 : i32
            %dma_start3A_184 = arith.constant 0 : i32
            %dma_start3A_185 = tpu.memref_slice %arg4[%select_n3A, %add3A_174, %select_n3A_76, %dma_start3A_183, %dma_start3A_184] : memref<50x125x8x8x128xf32, #tpu.memory_space<hbm>> -> memref<1x8x1x8x128xf32, #tpu.memory_space<hbm>>
            %dma_start3A_186 = tpu.memref_squeeze %dma_start3A_185 : memref<1x8x1x8x128xf32, #tpu.memory_space<hbm>> -> memref<8x8x128xf32, #tpu.memory_space<hbm>>
            %dma_start3A_187 = arith.constant 0 : i32
            %dma_start3A_188 = arith.constant 0 : i32
            %dma_start3A_189 = arith.constant 0 : i32
            %dma_start3A_190 = tpu.memref_slice %arg7[%dma_start3A_187, %dma_start3A_188, %dma_start3A_189] : memref<8x8x128xf32, #tpu.memory_space<vmem>> -> memref<8x8x128xf32, #tpu.memory_space<vmem>>
            tpu.enqueue_dma source(%dma_start3A_190 : memref<8x8x128xf32, #tpu.memory_space<vmem>>) target(%dma_start3A_186 : memref<8x8x128xf32, #tpu.memory_space<hbm>>) target_semaphore(%run_scoped3A : memref<!tpu.dma_semaphore, #tpu.memory_space<semaphore_mem>>)
            %dma_wait3A_191 = arith.constant 0 : i32
            %dma_wait3A_192 = arith.constant 0 : i32
            %dma_wait3A_193 = arith.constant 0 : i32
            %dma_wait3A_194 = tpu.memref_slice %arg7[%dma_wait3A_191, %dma_wait3A_192, %dma_wait3A_193] : memref<8x8x128xf32, #tpu.memory_space<vmem>> -> memref<8x8x128xf32, #tpu.memory_space<vmem>>
            %dma_wait3A_195 = arith.constant 0 : i32
            %dma_wait3A_196 = arith.constant 0 : i32
            %dma_wait3A_197 = tpu.memref_slice %arg4[%select_n3A, %add3A_174, %select_n3A_76, %dma_wait3A_195, %dma_wait3A_196] : memref<50x125x8x8x128xf32, #tpu.memory_space<hbm>> -> memref<1x8x1x8x128xf32, #tpu.memory_space<hbm>>
            %dma_wait3A_198 = tpu.memref_squeeze %dma_wait3A_197 : memref<1x8x1x8x128xf32, #tpu.memory_space<hbm>> -> memref<8x8x128xf32, #tpu.memory_space<hbm>>
            %dma_wait3A_199 = arith.constant 0 : i32
            %dma_wait3A_200 = arith.constant 0 : i32
            %dma_wait3A_201 = tpu.memref_slice %arg4[%select_n3A, %add3A_174, %select_n3A_76, %dma_wait3A_199, %dma_wait3A_200] : memref<50x125x8x8x128xf32, #tpu.memory_space<hbm>> -> memref<1x8x1x8x128xf32, #tpu.memory_space<hbm>>
            %dma_wait3A_202 = tpu.memref_squeeze %dma_wait3A_201 : memref<1x8x1x8x128xf32, #tpu.memory_space<hbm>> -> memref<8x8x128xf32, #tpu.memory_space<hbm>>
            %dma_wait3A_203 = arith.constant 0 : i32
            %dma_wait3A_204 = arith.constant 0 : i32
            %dma_wait3A_205 = arith.constant 0 : i32
            %dma_wait3A_206 = tpu.memref_slice %arg7[%dma_wait3A_203, %dma_wait3A_204, %dma_wait3A_205] : memref<8x8x128xf32, #tpu.memory_space<vmem>> -> memref<8x8x128xf32, #tpu.memory_space<vmem>>
            tpu.wait_dma2 semaphore(%run_scoped3A : memref<!tpu.dma_semaphore, #tpu.memory_space<semaphore_mem>>) src(%dma_wait3A_206 : memref<8x8x128xf32, #tpu.memory_space<vmem>>) dst(%dma_wait3A_202 : memref<8x8x128xf32, #tpu.memory_space<hbm>>)
            tpu.yield
          }) : () -> ()
        }
        %scan3A_147 = arith.constant 4 : i32
        %dma_wait3A_148 = arith.constant 1 : i32
        %dma_wait3A_149 = arith.constant 0 : i32
        %dma_wait3A_150 = arith.constant 0 : i32
        %dma_wait3A_151 = tpu.memref_slice %arg6[%dma_wait3A_148, %dma_wait3A_149, %dma_wait3A_150] : memref<2x128x264xf32, #tpu.memory_space<vmem>> -> memref<1x128x256xf32, #tpu.memory_space<vmem>>
        %dma_wait3A_152 = tpu.memref_squeeze %dma_wait3A_151 : memref<1x128x256xf32, #tpu.memory_space<vmem>> -> memref<128x256xf32, #tpu.memory_space<vmem>>
        %dma_wait3A_153 = arith.constant 0 : i32
        %dma_wait3A_154 = arith.constant 768 : i32
        %dma_wait3A_155 = tpu.memref_slice %arg3[%dma_wait3A_153, %dma_wait3A_154] : memref<1000x1024xf32, #tpu.memory_space<hbm>> -> memref<1000x256xf32, #tpu.memory_space<hbm>>
        tpu.wait_indirect_dma semaphore(%arg9 : memref<!tpu.dma_semaphore, #tpu.memory_space<semaphore_mem>>) src(%dma_wait3A_155 : memref<1000x256xf32, #tpu.memory_space<hbm>>) dst(%dma_wait3A_152 : memref<128x256xf32, #tpu.memory_space<vmem>>)
        %scan3A_156 = arith.constant 0 : i32
        %scan3A_157 = arith.constant 3 : i32
        %scan3A_158 = arith.addi %scan3A_156, %scan3A_157 : i32
        %scan3A_159 = arith.constant 1 : i32
        scf.for %scan3A_163 = %scan3A_156 to %scan3A_158 step %scan3A_159  : i32 {
          %mul3A_164 = arith.constant 1 : i32
          %mul3A_165 = arith.muli %scan3A_163, %mul3A_164 : i32
          %add3A_166 = arith.constant 0 : i32
          %add3A_167 = arith.addi %add3A_166, %mul3A_165 : i32
          %parallel_loop3A_168 = arith.constant 0 : i32
          %parallel_loop3A_169 = arith.constant 64 : i32
          %parallel_loop3A_170 = arith.constant 1 : i32
          scf.for %parallel_loop3A_175 = %parallel_loop3A_168 to %parallel_loop3A_169 step %parallel_loop3A_170  : i32 {
            %parallel_loop3A_176 = arith.constant 8 : i32
            %parallel_loop3A_177 = arith.divsi %parallel_loop3A_175, %parallel_loop3A_176 : i32
            %parallel_loop3A_178 = arith.constant 0 : i32
            %parallel_loop3A_179 = arith.cmpi sgt, %parallel_loop3A_175, %parallel_loop3A_178 : i32
            %parallel_loop3A_180 = arith.extui %parallel_loop3A_179 : i1 to i32
            %parallel_loop3A_181 = arith.constant 0 : i32
            %parallel_loop3A_182 = arith.cmpi slt, %parallel_loop3A_175, %parallel_loop3A_181 : i32
            %parallel_loop3A_183 = arith.extui %parallel_loop3A_182 : i1 to i32
            %parallel_loop3A_184 = arith.subi %parallel_loop3A_180, %parallel_loop3A_183 : i32
            %parallel_loop3A_185 = arith.constant 0 : i32
            %parallel_loop3A_186 = arith.cmpi sgt, %parallel_loop3A_176, %parallel_loop3A_185 : i32
            %parallel_loop3A_187 = arith.extui %parallel_loop3A_186 : i1 to i32
            %parallel_loop3A_188 = arith.constant 0 : i32
            %parallel_loop3A_189 = arith.cmpi slt, %parallel_loop3A_176, %parallel_loop3A_188 : i32
            %parallel_loop3A_190 = arith.extui %parallel_loop3A_189 : i1 to i32
            %parallel_loop3A_191 = arith.subi %parallel_loop3A_187, %parallel_loop3A_190 : i32
            %parallel_loop3A_192 = arith.cmpi ne, %parallel_loop3A_184, %parallel_loop3A_191 : i32
            %parallel_loop3A_193 = arith.remsi %parallel_loop3A_175, %parallel_loop3A_176 : i32
            %parallel_loop3A_194 = arith.constant 0 : i32
            %parallel_loop3A_195 = arith.cmpi ne, %parallel_loop3A_193, %parallel_loop3A_194 : i32
            %parallel_loop3A_196 = arith.andi %parallel_loop3A_192, %parallel_loop3A_195 : i1
            %parallel_loop3A_197 = arith.constant 1 : i32
            %parallel_loop3A_198 = arith.subi %parallel_loop3A_177, %parallel_loop3A_197 : i32
            %parallel_loop3A_199 = arith.select %parallel_loop3A_196, %parallel_loop3A_198, %parallel_loop3A_177 : i32
            %parallel_loop3A_200 = arith.constant 8 : i32
            %parallel_loop3A_201 = arith.muli %parallel_loop3A_199, %parallel_loop3A_200 : i32
            %parallel_loop3A_202 = arith.subi %parallel_loop3A_175, %parallel_loop3A_201 : i32
            %parallel_loop3A_203 = arith.constant 64 : i32
            %parallel_loop3A_204 = arith.muli %add3A_167, %parallel_loop3A_203 : i32
            %parallel_loop3A_205 = arith.addi %parallel_loop3A_204, %parallel_loop3A_175 : i32
            %parallel_loop3A_206 = vector.broadcast %parallel_loop3A_205 : i32 to vector<16xi32>
            %parallel_loop3A_207 = arith.constant 1 : i32
            %parallel_loop3A_208 = arith.constant 0 : i32
            %parallel_loop3A_209 = arith.constant 0 : i32
            %parallel_loop3A_210 = tpu.memref_slice %arg6[%parallel_loop3A_207, %parallel_loop3A_208, %parallel_loop3A_209] : memref<2x128x264xf32, #tpu.memory_space<vmem>> -> memref<1x128x264xf32, #tpu.memory_space<vmem>>
            %parallel_loop3A_211 = tpu.memref_squeeze %parallel_loop3A_210 : memref<1x128x264xf32, #tpu.memory_space<vmem>> -> memref<128x264xf32, #tpu.memory_space<vmem>>
            %parallel_loop3A_212 = tpu.vector_load_idx %parallel_loop3A_211[%add3A_3, %parallel_loop3A_206] : memref<128x264xf32, #tpu.memory_space<vmem>>[vector<16xi32>, vector<16xi32>], vector<16xf32>,
            %parallel_loop3A_213 = arith.index_cast %parallel_loop3A_199 : i32 to index
            %parallel_loop3A_214 = arith.index_cast %parallel_loop3A_202 : i32 to index
            %parallel_loop3A_215 = arith.constant 0 : index
            %parallel_loop3A_216 = tpu.vector_load %arg7[%parallel_loop3A_213, %parallel_loop3A_214, %parallel_loop3A_215] {strides = array<i32>} : memref<8x8x128xf32, #tpu.memory_space<vmem>>, vector<16xf32>,
            tpu.vector_store %arg7[%parallel_loop3A_213, %parallel_loop3A_214, %parallel_loop3A_215], %parallel_loop3A_212 {strides = array<i32>} : memref<8x8x128xf32, #tpu.memory_space<vmem>>, vector<16xf32>,
            %parallel_loop3A_217 = arith.constant 1 : i32
            %parallel_loop3A_218 = arith.constant 0 : i32
            %parallel_loop3A_219 = arith.constant 0 : i32
            %parallel_loop3A_220 = tpu.memref_slice %arg6[%parallel_loop3A_217, %parallel_loop3A_218, %parallel_loop3A_219] : memref<2x128x264xf32, #tpu.memory_space<vmem>> -> memref<1x128x264xf32, #tpu.memory_space<vmem>>
            %parallel_loop3A_221 = tpu.memref_squeeze %parallel_loop3A_220 : memref<1x128x264xf32, #tpu.memory_space<vmem>> -> memref<128x264xf32, #tpu.memory_space<vmem>>
            %parallel_loop3A_222 = tpu.vector_load_idx %parallel_loop3A_221[%add3A_7, %parallel_loop3A_206] : memref<128x264xf32, #tpu.memory_space<vmem>>[vector<16xi32>, vector<16xi32>], vector<16xf32>,
            %parallel_loop3A_223 = arith.index_cast %parallel_loop3A_199 : i32 to index
            %parallel_loop3A_224 = arith.index_cast %parallel_loop3A_202 : i32 to index
            %parallel_loop3A_225 = arith.constant 16 : index
            %parallel_loop3A_226 = tpu.vector_load %arg7[%parallel_loop3A_223, %parallel_loop3A_224, %parallel_loop3A_225] {strides = array<i32>} : memref<8x8x128xf32, #tpu.memory_space<vmem>>, vector<16xf32>,
            tpu.vector_store %arg7[%parallel_loop3A_223, %parallel_loop3A_224, %parallel_loop3A_225], %parallel_loop3A_222 {strides = array<i32>} : memref<8x8x128xf32, #tpu.memory_space<vmem>>, vector<16xf32>,
            %parallel_loop3A_227 = arith.constant 1 : i32
            %parallel_loop3A_228 = arith.constant 0 : i32
            %parallel_loop3A_229 = arith.constant 0 : i32
            %parallel_loop3A_230 = tpu.memref_slice %arg6[%parallel_loop3A_227, %parallel_loop3A_228, %parallel_loop3A_229] : memref<2x128x264xf32, #tpu.memory_space<vmem>> -> memref<1x128x264xf32, #tpu.memory_space<vmem>>
            %parallel_loop3A_231 = tpu.memref_squeeze %parallel_loop3A_230 : memref<1x128x264xf32, #tpu.memory_space<vmem>> -> memref<128x264xf32, #tpu.memory_space<vmem>>
            %parallel_loop3A_232 = tpu.vector_load_idx %parallel_loop3A_231[%add3A_11, %parallel_loop3A_206] : memref<128x264xf32, #tpu.memory_space<vmem>>[vector<16xi32>, vector<16xi32>], vector<16xf32>,
            %parallel_loop3A_233 = arith.index_cast %parallel_loop3A_199 : i32 to index
            %parallel_loop3A_234 = arith.index_cast %parallel_loop3A_202 : i32 to index
            %parallel_loop3A_235 = arith.constant 32 : index
            %parallel_loop3A_236 = tpu.vector_load %arg7[%parallel_loop3A_233, %parallel_loop3A_234, %parallel_loop3A_235] {strides = array<i32>} : memref<8x8x128xf32, #tpu.memory_space<vmem>>, vector<16xf32>,
            tpu.vector_store %arg7[%parallel_loop3A_233, %parallel_loop3A_234, %parallel_loop3A_235], %parallel_loop3A_232 {strides = array<i32>} : memref<8x8x128xf32, #tpu.memory_space<vmem>>, vector<16xf32>,
            %parallel_loop3A_237 = arith.constant 1 : i32
            %parallel_loop3A_238 = arith.constant 0 : i32
            %parallel_loop3A_239 = arith.constant 0 : i32
            %parallel_loop3A_240 = tpu.memref_slice %arg6[%parallel_loop3A_237, %parallel_loop3A_238, %parallel_loop3A_239] : memref<2x128x264xf32, #tpu.memory_space<vmem>> -> memref<1x128x264xf32, #tpu.memory_space<vmem>>
            %parallel_loop3A_241 = tpu.memref_squeeze %parallel_loop3A_240 : memref<1x128x264xf32, #tpu.memory_space<vmem>> -> memref<128x264xf32, #tpu.memory_space<vmem>>
            %parallel_loop3A_242 = tpu.vector_load_idx %parallel_loop3A_241[%add3A_15, %parallel_loop3A_206] : memref<128x264xf32, #tpu.memory_space<vmem>>[vector<16xi32>, vector<16xi32>], vector<16xf32>,
            %parallel_loop3A_243 = arith.index_cast %parallel_loop3A_199 : i32 to index
            %parallel_loop3A_244 = arith.index_cast %parallel_loop3A_202 : i32 to index
            %parallel_loop3A_245 = arith.constant 48 : index
            %parallel_loop3A_246 = tpu.vector_load %arg7[%parallel_loop3A_243, %parallel_loop3A_244, %parallel_loop3A_245] {strides = array<i32>} : memref<8x8x128xf32, #tpu.memory_space<vmem>>, vector<16xf32>,
            tpu.vector_store %arg7[%parallel_loop3A_243, %parallel_loop3A_244, %parallel_loop3A_245], %parallel_loop3A_242 {strides = array<i32>} : memref<8x8x128xf32, #tpu.memory_space<vmem>>, vector<16xf32>,
            %parallel_loop3A_247 = arith.constant 1 : i32
            %parallel_loop3A_248 = arith.constant 0 : i32
            %parallel_loop3A_249 = arith.constant 0 : i32
            %parallel_loop3A_250 = tpu.memref_slice %arg6[%parallel_loop3A_247, %parallel_loop3A_248, %parallel_loop3A_249] : memref<2x128x264xf32, #tpu.memory_space<vmem>> -> memref<1x128x264xf32, #tpu.memory_space<vmem>>
            %parallel_loop3A_251 = tpu.memref_squeeze %parallel_loop3A_250 : memref<1x128x264xf32, #tpu.memory_space<vmem>> -> memref<128x264xf32, #tpu.memory_space<vmem>>
            %parallel_loop3A_252 = tpu.vector_load_idx %parallel_loop3A_251[%add3A_19, %parallel_loop3A_206] : memref<128x264xf32, #tpu.memory_space<vmem>>[vector<16xi32>, vector<16xi32>], vector<16xf32>,
            %parallel_loop3A_253 = arith.index_cast %parallel_loop3A_199 : i32 to index
            %parallel_loop3A_254 = arith.index_cast %parallel_loop3A_202 : i32 to index
            %parallel_loop3A_255 = arith.constant 64 : index
            %parallel_loop3A_256 = tpu.vector_load %arg7[%parallel_loop3A_253, %parallel_loop3A_254, %parallel_loop3A_255] {strides = array<i32>} : memref<8x8x128xf32, #tpu.memory_space<vmem>>, vector<16xf32>,
            tpu.vector_store %arg7[%parallel_loop3A_253, %parallel_loop3A_254, %parallel_loop3A_255], %parallel_loop3A_252 {strides = array<i32>} : memref<8x8x128xf32, #tpu.memory_space<vmem>>, vector<16xf32>,
            %parallel_loop3A_257 = arith.constant 1 : i32
            %parallel_loop3A_258 = arith.constant 0 : i32
            %parallel_loop3A_259 = arith.constant 0 : i32
            %parallel_loop3A_260 = tpu.memref_slice %arg6[%parallel_loop3A_257, %parallel_loop3A_258, %parallel_loop3A_259] : memref<2x128x264xf32, #tpu.memory_space<vmem>> -> memref<1x128x264xf32, #tpu.memory_space<vmem>>
            %parallel_loop3A_261 = tpu.memref_squeeze %parallel_loop3A_260 : memref<1x128x264xf32, #tpu.memory_space<vmem>> -> memref<128x264xf32, #tpu.memory_space<vmem>>
            %parallel_loop3A_262 = tpu.vector_load_idx %parallel_loop3A_261[%add3A_23, %parallel_loop3A_206] : memref<128x264xf32, #tpu.memory_space<vmem>>[vector<16xi32>, vector<16xi32>], vector<16xf32>,
            %parallel_loop3A_263 = arith.index_cast %parallel_loop3A_199 : i32 to index
            %parallel_loop3A_264 = arith.index_cast %parallel_loop3A_202 : i32 to index
            %parallel_loop3A_265 = arith.constant 80 : index
            %parallel_loop3A_266 = tpu.vector_load %arg7[%parallel_loop3A_263, %parallel_loop3A_264, %parallel_loop3A_265] {strides = array<i32>} : memref<8x8x128xf32, #tpu.memory_space<vmem>>, vector<16xf32>,
            tpu.vector_store %arg7[%parallel_loop3A_263, %parallel_loop3A_264, %parallel_loop3A_265], %parallel_loop3A_262 {strides = array<i32>} : memref<8x8x128xf32, #tpu.memory_space<vmem>>, vector<16xf32>,
            %parallel_loop3A_267 = arith.constant 1 : i32
            %parallel_loop3A_268 = arith.constant 0 : i32
            %parallel_loop3A_269 = arith.constant 0 : i32
            %parallel_loop3A_270 = tpu.memref_slice %arg6[%parallel_loop3A_267, %parallel_loop3A_268, %parallel_loop3A_269] : memref<2x128x264xf32, #tpu.memory_space<vmem>> -> memref<1x128x264xf32, #tpu.memory_space<vmem>>
            %parallel_loop3A_271 = tpu.memref_squeeze %parallel_loop3A_270 : memref<1x128x264xf32, #tpu.memory_space<vmem>> -> memref<128x264xf32, #tpu.memory_space<vmem>>
            %parallel_loop3A_272 = tpu.vector_load_idx %parallel_loop3A_271[%add3A_27, %parallel_loop3A_206] : memref<128x264xf32, #tpu.memory_space<vmem>>[vector<16xi32>, vector<16xi32>], vector<16xf32>,
            %parallel_loop3A_273 = arith.index_cast %parallel_loop3A_199 : i32 to index
            %parallel_loop3A_274 = arith.index_cast %parallel_loop3A_202 : i32 to index
            %parallel_loop3A_275 = arith.constant 96 : index
            %parallel_loop3A_276 = tpu.vector_load %arg7[%parallel_loop3A_273, %parallel_loop3A_274, %parallel_loop3A_275] {strides = array<i32>} : memref<8x8x128xf32, #tpu.memory_space<vmem>>, vector<16xf32>,
            tpu.vector_store %arg7[%parallel_loop3A_273, %parallel_loop3A_274, %parallel_loop3A_275], %parallel_loop3A_272 {strides = array<i32>} : memref<8x8x128xf32, #tpu.memory_space<vmem>>, vector<16xf32>,
            %parallel_loop3A_277 = arith.constant 1 : i32
            %parallel_loop3A_278 = arith.constant 0 : i32
            %parallel_loop3A_279 = arith.constant 0 : i32
            %parallel_loop3A_280 = tpu.memref_slice %arg6[%parallel_loop3A_277, %parallel_loop3A_278, %parallel_loop3A_279] : memref<2x128x264xf32, #tpu.memory_space<vmem>> -> memref<1x128x264xf32, #tpu.memory_space<vmem>>
            %parallel_loop3A_281 = tpu.memref_squeeze %parallel_loop3A_280 : memref<1x128x264xf32, #tpu.memory_space<vmem>> -> memref<128x264xf32, #tpu.memory_space<vmem>>
            %parallel_loop3A_282 = tpu.vector_load_idx %parallel_loop3A_281[%add3A_31, %parallel_loop3A_206] : memref<128x264xf32, #tpu.memory_space<vmem>>[vector<16xi32>, vector<16xi32>], vector<16xf32>,
            %parallel_loop3A_283 = arith.index_cast %parallel_loop3A_199 : i32 to index
            %parallel_loop3A_284 = arith.index_cast %parallel_loop3A_202 : i32 to index
            %parallel_loop3A_285 = arith.constant 112 : index
            %parallel_loop3A_286 = tpu.vector_load %arg7[%parallel_loop3A_283, %parallel_loop3A_284, %parallel_loop3A_285] {strides = array<i32>} : memref<8x8x128xf32, #tpu.memory_space<vmem>>, vector<16xf32>,
            tpu.vector_store %arg7[%parallel_loop3A_283, %parallel_loop3A_284, %parallel_loop3A_285], %parallel_loop3A_282 {strides = array<i32>} : memref<8x8x128xf32, #tpu.memory_space<vmem>>, vector<16xf32>,
          } {sc.loop_unroll_factor = 1 : i64, sc.parallel_access}
          %mul3A_171 = arith.constant 8 : i32
          %mul3A_172 = arith.muli %add3A_167, %mul3A_171 : i32
          %add3A_173 = arith.constant 96 : i32
          %add3A_174 = arith.addi %add3A_173, %mul3A_172 : i32
          "tpu.region"() ({
            %run_scoped3A = tpu.sem_alloc : memref<!tpu.dma_semaphore, #tpu.memory_space<semaphore_mem>>
            %dma_start3A_175 = arith.constant 0 : i32
            %dma_start3A_176 = arith.constant 0 : i32
            %dma_start3A_177 = arith.constant 0 : i32
            %dma_start3A_178 = tpu.memref_slice %arg7[%dma_start3A_175, %dma_start3A_176, %dma_start3A_177] : memref<8x8x128xf32, #tpu.memory_space<vmem>> -> memref<8x8x128xf32, #tpu.memory_space<vmem>>
            %dma_start3A_179 = arith.constant 0 : i32
            %dma_start3A_180 = arith.constant 0 : i32
            %dma_start3A_181 = tpu.memref_slice %arg4[%select_n3A, %add3A_174, %select_n3A_76, %dma_start3A_179, %dma_start3A_180] : memref<50x125x8x8x128xf32, #tpu.memory_space<hbm>> -> memref<1x8x1x8x128xf32, #tpu.memory_space<hbm>>
            %dma_start3A_182 = tpu.memref_squeeze %dma_start3A_181 : memref<1x8x1x8x128xf32, #tpu.memory_space<hbm>> -> memref<8x8x128xf32, #tpu.memory_space<hbm>>
            %dma_start3A_183 = arith.constant 0 : i32
            %dma_start3A_184 = arith.constant 0 : i32
            %dma_start3A_185 = tpu.memref_slice %arg4[%select_n3A, %add3A_174, %select_n3A_76, %dma_start3A_183, %dma_start3A_184] : memref<50x125x8x8x128xf32, #tpu.memory_space<hbm>> -> memref<1x8x1x8x128xf32, #tpu.memory_space<hbm>>
            %dma_start3A_186 = tpu.memref_squeeze %dma_start3A_185 : memref<1x8x1x8x128xf32, #tpu.memory_space<hbm>> -> memref<8x8x128xf32, #tpu.memory_space<hbm>>
            %dma_start3A_187 = arith.constant 0 : i32
            %dma_start3A_188 = arith.constant 0 : i32
            %dma_start3A_189 = arith.constant 0 : i32
            %dma_start3A_190 = tpu.memref_slice %arg7[%dma_start3A_187, %dma_start3A_188, %dma_start3A_189] : memref<8x8x128xf32, #tpu.memory_space<vmem>> -> memref<8x8x128xf32, #tpu.memory_space<vmem>>
            tpu.enqueue_dma source(%dma_start3A_190 : memref<8x8x128xf32, #tpu.memory_space<vmem>>) target(%dma_start3A_186 : memref<8x8x128xf32, #tpu.memory_space<hbm>>) target_semaphore(%run_scoped3A : memref<!tpu.dma_semaphore, #tpu.memory_space<semaphore_mem>>)
            %dma_wait3A_191 = arith.constant 0 : i32
            %dma_wait3A_192 = arith.constant 0 : i32
            %dma_wait3A_193 = arith.constant 0 : i32
            %dma_wait3A_194 = tpu.memref_slice %arg7[%dma_wait3A_191, %dma_wait3A_192, %dma_wait3A_193] : memref<8x8x128xf32, #tpu.memory_space<vmem>> -> memref<8x8x128xf32, #tpu.memory_space<vmem>>
            %dma_wait3A_195 = arith.constant 0 : i32
            %dma_wait3A_196 = arith.constant 0 : i32
            %dma_wait3A_197 = tpu.memref_slice %arg4[%select_n3A, %add3A_174, %select_n3A_76, %dma_wait3A_195, %dma_wait3A_196] : memref<50x125x8x8x128xf32, #tpu.memory_space<hbm>> -> memref<1x8x1x8x128xf32, #tpu.memory_space<hbm>>
            %dma_wait3A_198 = tpu.memref_squeeze %dma_wait3A_197 : memref<1x8x1x8x128xf32, #tpu.memory_space<hbm>> -> memref<8x8x128xf32, #tpu.memory_space<hbm>>
            %dma_wait3A_199 = arith.constant 0 : i32
            %dma_wait3A_200 = arith.constant 0 : i32
            %dma_wait3A_201 = tpu.memref_slice %arg4[%select_n3A, %add3A_174, %select_n3A_76, %dma_wait3A_199, %dma_wait3A_200] : memref<50x125x8x8x128xf32, #tpu.memory_space<hbm>> -> memref<1x8x1x8x128xf32, #tpu.memory_space<hbm>>
            %dma_wait3A_202 = tpu.memref_squeeze %dma_wait3A_201 : memref<1x8x1x8x128xf32, #tpu.memory_space<hbm>> -> memref<8x8x128xf32, #tpu.memory_space<hbm>>
            %dma_wait3A_203 = arith.constant 0 : i32
            %dma_wait3A_204 = arith.constant 0 : i32
            %dma_wait3A_205 = arith.constant 0 : i32
            %dma_wait3A_206 = tpu.memref_slice %arg7[%dma_wait3A_203, %dma_wait3A_204, %dma_wait3A_205] : memref<8x8x128xf32, #tpu.memory_space<vmem>> -> memref<8x8x128xf32, #tpu.memory_space<vmem>>
            tpu.wait_dma2 semaphore(%run_scoped3A : memref<!tpu.dma_semaphore, #tpu.memory_space<semaphore_mem>>) src(%dma_wait3A_206 : memref<8x8x128xf32, #tpu.memory_space<vmem>>) dst(%dma_wait3A_202 : memref<8x8x128xf32, #tpu.memory_space<hbm>>)
            tpu.yield
          }) : () -> ()
        }
        %scan3A_160 = arith.constant 3 : i32
        %parallel_loop3A = arith.constant 0 : i32
        %parallel_loop3A_161 = arith.constant 40 : i32
        %parallel_loop3A_162 = arith.constant 1 : i32
        scf.for %parallel_loop3A_163 = %parallel_loop3A to %parallel_loop3A_161 step %parallel_loop3A_162  : i32 {
          %parallel_loop3A_164 = arith.constant 8 : i32
          %parallel_loop3A_165 = arith.divsi %parallel_loop3A_163, %parallel_loop3A_164 : i32
          %parallel_loop3A_166 = arith.constant 0 : i32
          %parallel_loop3A_167 = arith.cmpi sgt, %parallel_loop3A_163, %parallel_loop3A_166 : i32
          %parallel_loop3A_168 = arith.extui %parallel_loop3A_167 : i1 to i32
          %parallel_loop3A_169 = arith.constant 0 : i32
          %parallel_loop3A_170 = arith.cmpi slt, %parallel_loop3A_163, %parallel_loop3A_169 : i32
          %parallel_loop3A_171 = arith.extui %parallel_loop3A_170 : i1 to i32
          %parallel_loop3A_172 = arith.subi %parallel_loop3A_168, %parallel_loop3A_171 : i32
          %parallel_loop3A_173 = arith.constant 0 : i32
          %parallel_loop3A_174 = arith.cmpi sgt, %parallel_loop3A_164, %parallel_loop3A_173 : i32
          %parallel_loop3A_175 = arith.extui %parallel_loop3A_174 : i1 to i32
          %parallel_loop3A_176 = arith.constant 0 : i32
          %parallel_loop3A_177 = arith.cmpi slt, %parallel_loop3A_164, %parallel_loop3A_176 : i32
          %parallel_loop3A_178 = arith.extui %parallel_loop3A_177 : i1 to i32
          %parallel_loop3A_179 = arith.subi %parallel_loop3A_175, %parallel_loop3A_178 : i32
          %parallel_loop3A_180 = arith.cmpi ne, %parallel_loop3A_172, %parallel_loop3A_179 : i32
          %parallel_loop3A_181 = arith.remsi %parallel_loop3A_163, %parallel_loop3A_164 : i32
          %parallel_loop3A_182 = arith.constant 0 : i32
          %parallel_loop3A_183 = arith.cmpi ne, %parallel_loop3A_181, %parallel_loop3A_182 : i32
          %parallel_loop3A_184 = arith.andi %parallel_loop3A_180, %parallel_loop3A_183 : i1
          %parallel_loop3A_185 = arith.constant 1 : i32
          %parallel_loop3A_186 = arith.subi %parallel_loop3A_165, %parallel_loop3A_185 : i32
          %parallel_loop3A_187 = arith.select %parallel_loop3A_184, %parallel_loop3A_186, %parallel_loop3A_165 : i32
          %parallel_loop3A_188 = arith.constant 8 : i32
          %parallel_loop3A_189 = arith.muli %parallel_loop3A_187, %parallel_loop3A_188 : i32
          %parallel_loop3A_190 = arith.subi %parallel_loop3A_163, %parallel_loop3A_189 : i32
          %parallel_loop3A_191 = arith.constant 192 : i32
          %parallel_loop3A_192 = arith.addi %parallel_loop3A_191, %parallel_loop3A_163 : i32
          %parallel_loop3A_193 = vector.broadcast %parallel_loop3A_192 : i32 to vector<16xi32>
          %parallel_loop3A_194 = arith.constant 1 : i32
          %parallel_loop3A_195 = arith.constant 0 : i32
          %parallel_loop3A_196 = arith.constant 0 : i32
          %parallel_loop3A_197 = tpu.memref_slice %arg6[%parallel_loop3A_194, %parallel_loop3A_195, %parallel_loop3A_196] : memref<2x128x264xf32, #tpu.memory_space<vmem>> -> memref<1x128x264xf32, #tpu.memory_space<vmem>>
          %parallel_loop3A_198 = tpu.memref_squeeze %parallel_loop3A_197 : memref<1x128x264xf32, #tpu.memory_space<vmem>> -> memref<128x264xf32, #tpu.memory_space<vmem>>
          %parallel_loop3A_199 = tpu.vector_load_idx %parallel_loop3A_198[%add3A_3, %parallel_loop3A_193] : memref<128x264xf32, #tpu.memory_space<vmem>>[vector<16xi32>, vector<16xi32>], vector<16xf32>,
          %parallel_loop3A_200 = arith.index_cast %parallel_loop3A_187 : i32 to index
          %parallel_loop3A_201 = arith.index_cast %parallel_loop3A_190 : i32 to index
          %parallel_loop3A_202 = arith.constant 0 : index
          %parallel_loop3A_203 = tpu.vector_load %arg7[%parallel_loop3A_200, %parallel_loop3A_201, %parallel_loop3A_202] {strides = array<i32>} : memref<8x8x128xf32, #tpu.memory_space<vmem>>, vector<16xf32>,
          tpu.vector_store %arg7[%parallel_loop3A_200, %parallel_loop3A_201, %parallel_loop3A_202], %parallel_loop3A_199 {strides = array<i32>} : memref<8x8x128xf32, #tpu.memory_space<vmem>>, vector<16xf32>,
          %parallel_loop3A_204 = arith.constant 1 : i32
          %parallel_loop3A_205 = arith.constant 0 : i32
          %parallel_loop3A_206 = arith.constant 0 : i32
          %parallel_loop3A_207 = tpu.memref_slice %arg6[%parallel_loop3A_204, %parallel_loop3A_205, %parallel_loop3A_206] : memref<2x128x264xf32, #tpu.memory_space<vmem>> -> memref<1x128x264xf32, #tpu.memory_space<vmem>>
          %parallel_loop3A_208 = tpu.memref_squeeze %parallel_loop3A_207 : memref<1x128x264xf32, #tpu.memory_space<vmem>> -> memref<128x264xf32, #tpu.memory_space<vmem>>
          %parallel_loop3A_209 = tpu.vector_load_idx %parallel_loop3A_208[%add3A_7, %parallel_loop3A_193] : memref<128x264xf32, #tpu.memory_space<vmem>>[vector<16xi32>, vector<16xi32>], vector<16xf32>,
          %parallel_loop3A_210 = arith.index_cast %parallel_loop3A_187 : i32 to index
          %parallel_loop3A_211 = arith.index_cast %parallel_loop3A_190 : i32 to index
          %parallel_loop3A_212 = arith.constant 16 : index
          %parallel_loop3A_213 = tpu.vector_load %arg7[%parallel_loop3A_210, %parallel_loop3A_211, %parallel_loop3A_212] {strides = array<i32>} : memref<8x8x128xf32, #tpu.memory_space<vmem>>, vector<16xf32>,
          tpu.vector_store %arg7[%parallel_loop3A_210, %parallel_loop3A_211, %parallel_loop3A_212], %parallel_loop3A_209 {strides = array<i32>} : memref<8x8x128xf32, #tpu.memory_space<vmem>>, vector<16xf32>,
          %parallel_loop3A_214 = arith.constant 1 : i32
          %parallel_loop3A_215 = arith.constant 0 : i32
          %parallel_loop3A_216 = arith.constant 0 : i32
          %parallel_loop3A_217 = tpu.memref_slice %arg6[%parallel_loop3A_214, %parallel_loop3A_215, %parallel_loop3A_216] : memref<2x128x264xf32, #tpu.memory_space<vmem>> -> memref<1x128x264xf32, #tpu.memory_space<vmem>>
          %parallel_loop3A_218 = tpu.memref_squeeze %parallel_loop3A_217 : memref<1x128x264xf32, #tpu.memory_space<vmem>> -> memref<128x264xf32, #tpu.memory_space<vmem>>
          %parallel_loop3A_219 = tpu.vector_load_idx %parallel_loop3A_218[%add3A_11, %parallel_loop3A_193] : memref<128x264xf32, #tpu.memory_space<vmem>>[vector<16xi32>, vector<16xi32>], vector<16xf32>,
          %parallel_loop3A_220 = arith.index_cast %parallel_loop3A_187 : i32 to index
          %parallel_loop3A_221 = arith.index_cast %parallel_loop3A_190 : i32 to index
          %parallel_loop3A_222 = arith.constant 32 : index
          %parallel_loop3A_223 = tpu.vector_load %arg7[%parallel_loop3A_220, %parallel_loop3A_221, %parallel_loop3A_222] {strides = array<i32>} : memref<8x8x128xf32, #tpu.memory_space<vmem>>, vector<16xf32>,
          tpu.vector_store %arg7[%parallel_loop3A_220, %parallel_loop3A_221, %parallel_loop3A_222], %parallel_loop3A_219 {strides = array<i32>} : memref<8x8x128xf32, #tpu.memory_space<vmem>>, vector<16xf32>,
          %parallel_loop3A_224 = arith.constant 1 : i32
          %parallel_loop3A_225 = arith.constant 0 : i32
          %parallel_loop3A_226 = arith.constant 0 : i32
          %parallel_loop3A_227 = tpu.memref_slice %arg6[%parallel_loop3A_224, %parallel_loop3A_225, %parallel_loop3A_226] : memref<2x128x264xf32, #tpu.memory_space<vmem>> -> memref<1x128x264xf32, #tpu.memory_space<vmem>>
          %parallel_loop3A_228 = tpu.memref_squeeze %parallel_loop3A_227 : memref<1x128x264xf32, #tpu.memory_space<vmem>> -> memref<128x264xf32, #tpu.memory_space<vmem>>
          %parallel_loop3A_229 = tpu.vector_load_idx %parallel_loop3A_228[%add3A_15, %parallel_loop3A_193] : memref<128x264xf32, #tpu.memory_space<vmem>>[vector<16xi32>, vector<16xi32>], vector<16xf32>,
          %parallel_loop3A_230 = arith.index_cast %parallel_loop3A_187 : i32 to index
          %parallel_loop3A_231 = arith.index_cast %parallel_loop3A_190 : i32 to index
          %parallel_loop3A_232 = arith.constant 48 : index
          %parallel_loop3A_233 = tpu.vector_load %arg7[%parallel_loop3A_230, %parallel_loop3A_231, %parallel_loop3A_232] {strides = array<i32>} : memref<8x8x128xf32, #tpu.memory_space<vmem>>, vector<16xf32>,
          tpu.vector_store %arg7[%parallel_loop3A_230, %parallel_loop3A_231, %parallel_loop3A_232], %parallel_loop3A_229 {strides = array<i32>} : memref<8x8x128xf32, #tpu.memory_space<vmem>>, vector<16xf32>,
          %parallel_loop3A_234 = arith.constant 1 : i32
          %parallel_loop3A_235 = arith.constant 0 : i32
          %parallel_loop3A_236 = arith.constant 0 : i32
          %parallel_loop3A_237 = tpu.memref_slice %arg6[%parallel_loop3A_234, %parallel_loop3A_235, %parallel_loop3A_236] : memref<2x128x264xf32, #tpu.memory_space<vmem>> -> memref<1x128x264xf32, #tpu.memory_space<vmem>>
          %parallel_loop3A_238 = tpu.memref_squeeze %parallel_loop3A_237 : memref<1x128x264xf32, #tpu.memory_space<vmem>> -> memref<128x264xf32, #tpu.memory_space<vmem>>
          %parallel_loop3A_239 = tpu.vector_load_idx %parallel_loop3A_238[%add3A_19, %parallel_loop3A_193] : memref<128x264xf32, #tpu.memory_space<vmem>>[vector<16xi32>, vector<16xi32>], vector<16xf32>,
          %parallel_loop3A_240 = arith.index_cast %parallel_loop3A_187 : i32 to index
          %parallel_loop3A_241 = arith.index_cast %parallel_loop3A_190 : i32 to index
          %parallel_loop3A_242 = arith.constant 64 : index
          %parallel_loop3A_243 = tpu.vector_load %arg7[%parallel_loop3A_240, %parallel_loop3A_241, %parallel_loop3A_242] {strides = array<i32>} : memref<8x8x128xf32, #tpu.memory_space<vmem>>, vector<16xf32>,
          tpu.vector_store %arg7[%parallel_loop3A_240, %parallel_loop3A_241, %parallel_loop3A_242], %parallel_loop3A_239 {strides = array<i32>} : memref<8x8x128xf32, #tpu.memory_space<vmem>>, vector<16xf32>,
          %parallel_loop3A_244 = arith.constant 1 : i32
          %parallel_loop3A_245 = arith.constant 0 : i32
          %parallel_loop3A_246 = arith.constant 0 : i32
          %parallel_loop3A_247 = tpu.memref_slice %arg6[%parallel_loop3A_244, %parallel_loop3A_245, %parallel_loop3A_246] : memref<2x128x264xf32, #tpu.memory_space<vmem>> -> memref<1x128x264xf32, #tpu.memory_space<vmem>>
          %parallel_loop3A_248 = tpu.memref_squeeze %parallel_loop3A_247 : memref<1x128x264xf32, #tpu.memory_space<vmem>> -> memref<128x264xf32, #tpu.memory_space<vmem>>
          %parallel_loop3A_249 = tpu.vector_load_idx %parallel_loop3A_248[%add3A_23, %parallel_loop3A_193] : memref<128x264xf32, #tpu.memory_space<vmem>>[vector<16xi32>, vector<16xi32>], vector<16xf32>,
          %parallel_loop3A_250 = arith.index_cast %parallel_loop3A_187 : i32 to index
          %parallel_loop3A_251 = arith.index_cast %parallel_loop3A_190 : i32 to index
          %parallel_loop3A_252 = arith.constant 80 : index
          %parallel_loop3A_253 = tpu.vector_load %arg7[%parallel_loop3A_250, %parallel_loop3A_251, %parallel_loop3A_252] {strides = array<i32>} : memref<8x8x128xf32, #tpu.memory_space<vmem>>, vector<16xf32>,
          tpu.vector_store %arg7[%parallel_loop3A_250, %parallel_loop3A_251, %parallel_loop3A_252], %parallel_loop3A_249 {strides = array<i32>} : memref<8x8x128xf32, #tpu.memory_space<vmem>>, vector<16xf32>,
          %parallel_loop3A_254 = arith.constant 1 : i32
          %parallel_loop3A_255 = arith.constant 0 : i32
          %parallel_loop3A_256 = arith.constant 0 : i32
          %parallel_loop3A_257 = tpu.memref_slice %arg6[%parallel_loop3A_254, %parallel_loop3A_255, %parallel_loop3A_256] : memref<2x128x264xf32, #tpu.memory_space<vmem>> -> memref<1x128x264xf32, #tpu.memory_space<vmem>>
          %parallel_loop3A_258 = tpu.memref_squeeze %parallel_loop3A_257 : memref<1x128x264xf32, #tpu.memory_space<vmem>> -> memref<128x264xf32, #tpu.memory_space<vmem>>
          %parallel_loop3A_259 = tpu.vector_load_idx %parallel_loop3A_258[%add3A_27, %parallel_loop3A_193] : memref<128x264xf32, #tpu.memory_space<vmem>>[vector<16xi32>, vector<16xi32>], vector<16xf32>,
          %parallel_loop3A_260 = arith.index_cast %parallel_loop3A_187 : i32 to index
          %parallel_loop3A_261 = arith.index_cast %parallel_loop3A_190 : i32 to index
          %parallel_loop3A_262 = arith.constant 96 : index
          %parallel_loop3A_263 = tpu.vector_load %arg7[%parallel_loop3A_260, %parallel_loop3A_261, %parallel_loop3A_262] {strides = array<i32>} : memref<8x8x128xf32, #tpu.memory_space<vmem>>, vector<16xf32>,
          tpu.vector_store %arg7[%parallel_loop3A_260, %parallel_loop3A_261, %parallel_loop3A_262], %parallel_loop3A_259 {strides = array<i32>} : memref<8x8x128xf32, #tpu.memory_space<vmem>>, vector<16xf32>,
          %parallel_loop3A_264 = arith.constant 1 : i32
          %parallel_loop3A_265 = arith.constant 0 : i32
          %parallel_loop3A_266 = arith.constant 0 : i32
          %parallel_loop3A_267 = tpu.memref_slice %arg6[%parallel_loop3A_264, %parallel_loop3A_265, %parallel_loop3A_266] : memref<2x128x264xf32, #tpu.memory_space<vmem>> -> memref<1x128x264xf32, #tpu.memory_space<vmem>>
          %parallel_loop3A_268 = tpu.memref_squeeze %parallel_loop3A_267 : memref<1x128x264xf32, #tpu.memory_space<vmem>> -> memref<128x264xf32, #tpu.memory_space<vmem>>
          %parallel_loop3A_269 = tpu.vector_load_idx %parallel_loop3A_268[%add3A_31, %parallel_loop3A_193] : memref<128x264xf32, #tpu.memory_space<vmem>>[vector<16xi32>, vector<16xi32>], vector<16xf32>,
          %parallel_loop3A_270 = arith.index_cast %parallel_loop3A_187 : i32 to index
          %parallel_loop3A_271 = arith.index_cast %parallel_loop3A_190 : i32 to index
          %parallel_loop3A_272 = arith.constant 112 : index
          %parallel_loop3A_273 = tpu.vector_load %arg7[%parallel_loop3A_270, %parallel_loop3A_271, %parallel_loop3A_272] {strides = array<i32>} : memref<8x8x128xf32, #tpu.memory_space<vmem>>, vector<16xf32>,
          tpu.vector_store %arg7[%parallel_loop3A_270, %parallel_loop3A_271, %parallel_loop3A_272], %parallel_loop3A_269 {strides = array<i32>} : memref<8x8x128xf32, #tpu.memory_space<vmem>>, vector<16xf32>,
        } {sc.loop_unroll_factor = 1 : i64, sc.parallel_access}
        "tpu.region"() ({
          %run_scoped3A = tpu.sem_alloc : memref<!tpu.dma_semaphore, #tpu.memory_space<semaphore_mem>>
          %dma_start3A_163 = arith.constant 0 : i32
          %dma_start3A_164 = arith.constant 0 : i32
          %dma_start3A_165 = arith.constant 0 : i32
          %dma_start3A_166 = tpu.memref_slice %arg7[%dma_start3A_163, %dma_start3A_164, %dma_start3A_165] : memref<8x8x128xf32, #tpu.memory_space<vmem>> -> memref<5x8x128xf32, #tpu.memory_space<vmem>>
          %dma_start3A_167 = arith.constant 120 : i32
          %dma_start3A_168 = arith.constant 0 : i32
          %dma_start3A_169 = arith.constant 0 : i32
          %dma_start3A_170 = tpu.memref_slice %arg4[%select_n3A, %dma_start3A_167, %select_n3A_76, %dma_start3A_168, %dma_start3A_169] : memref<50x125x8x8x128xf32, #tpu.memory_space<hbm>> -> memref<1x5x1x8x128xf32, #tpu.memory_space<hbm>>
          %dma_start3A_171 = tpu.memref_squeeze %dma_start3A_170 : memref<1x5x1x8x128xf32, #tpu.memory_space<hbm>> -> memref<5x8x128xf32, #tpu.memory_space<hbm>>
          %dma_start3A_172 = arith.constant 120 : i32
          %dma_start3A_173 = arith.constant 0 : i32
          %dma_start3A_174 = arith.constant 0 : i32
          %dma_start3A_175 = tpu.memref_slice %arg4[%select_n3A, %dma_start3A_172, %select_n3A_76, %dma_start3A_173, %dma_start3A_174] : memref<50x125x8x8x128xf32, #tpu.memory_space<hbm>> -> memref<1x5x1x8x128xf32, #tpu.memory_space<hbm>>
          %dma_start3A_176 = tpu.memref_squeeze %dma_start3A_175 : memref<1x5x1x8x128xf32, #tpu.memory_space<hbm>> -> memref<5x8x128xf32, #tpu.memory_space<hbm>>
          %dma_start3A_177 = arith.constant 0 : i32
          %dma_start3A_178 = arith.constant 0 : i32
          %dma_start3A_179 = arith.constant 0 : i32
          %dma_start3A_180 = tpu.memref_slice %arg7[%dma_start3A_177, %dma_start3A_178, %dma_start3A_179] : memref<8x8x128xf32, #tpu.memory_space<vmem>> -> memref<5x8x128xf32, #tpu.memory_space<vmem>>
          tpu.enqueue_dma source(%dma_start3A_180 : memref<5x8x128xf32, #tpu.memory_space<vmem>>) target(%dma_start3A_176 : memref<5x8x128xf32, #tpu.memory_space<hbm>>) target_semaphore(%run_scoped3A : memref<!tpu.dma_semaphore, #tpu.memory_space<semaphore_mem>>)
          %dma_wait3A_181 = arith.constant 0 : i32
          %dma_wait3A_182 = arith.constant 0 : i32
          %dma_wait3A_183 = arith.constant 0 : i32
          %dma_wait3A_184 = tpu.memref_slice %arg7[%dma_wait3A_181, %dma_wait3A_182, %dma_wait3A_183] : memref<8x8x128xf32, #tpu.memory_space<vmem>> -> memref<5x8x128xf32, #tpu.memory_space<vmem>>
          %dma_wait3A_185 = arith.constant 120 : i32
          %dma_wait3A_186 = arith.constant 0 : i32
          %dma_wait3A_187 = arith.constant 0 : i32
          %dma_wait3A_188 = tpu.memref_slice %arg4[%select_n3A, %dma_wait3A_185, %select_n3A_76, %dma_wait3A_186, %dma_wait3A_187] : memref<50x125x8x8x128xf32, #tpu.memory_space<hbm>> -> memref<1x5x1x8x128xf32, #tpu.memory_space<hbm>>
          %dma_wait3A_189 = tpu.memref_squeeze %dma_wait3A_188 : memref<1x5x1x8x128xf32, #tpu.memory_space<hbm>> -> memref<5x8x128xf32, #tpu.memory_space<hbm>>
          %dma_wait3A_190 = arith.constant 120 : i32
          %dma_wait3A_191 = arith.constant 0 : i32
          %dma_wait3A_192 = arith.constant 0 : i32
          %dma_wait3A_193 = tpu.memref_slice %arg4[%select_n3A, %dma_wait3A_190, %select_n3A_76, %dma_wait3A_191, %dma_wait3A_192] : memref<50x125x8x8x128xf32, #tpu.memory_space<hbm>> -> memref<1x5x1x8x128xf32, #tpu.memory_space<hbm>>
          %dma_wait3A_194 = tpu.memref_squeeze %dma_wait3A_193 : memref<1x5x1x8x128xf32, #tpu.memory_space<hbm>> -> memref<5x8x128xf32, #tpu.memory_space<hbm>>
          %dma_wait3A_195 = arith.constant 0 : i32
          %dma_wait3A_196 = arith.constant 0 : i32
          %dma_wait3A_197 = arith.constant 0 : i32
          %dma_wait3A_198 = tpu.memref_slice %arg7[%dma_wait3A_195, %dma_wait3A_196, %dma_wait3A_197] : memref<8x8x128xf32, #tpu.memory_space<vmem>> -> memref<5x8x128xf32, #tpu.memory_space<vmem>>
          tpu.wait_dma2 semaphore(%run_scoped3A : memref<!tpu.dma_semaphore, #tpu.memory_space<semaphore_mem>>) src(%dma_wait3A_198 : memref<5x8x128xf32, #tpu.memory_space<vmem>>) dst(%dma_wait3A_194 : memref<5x8x128xf32, #tpu.memory_space<hbm>>)
          tpu.yield
        }) : () -> ()
      } else {
      }
    }
    %scan3A_35 = arith.constant 13 : i32
    return
  }
}

</mosaic_0001>

<sc_bundles>
// kernel: kernel.3.cloned.1.call-start
scs
__scs_entry_jumppad:
0x0: {  	(pc) =	sbr.rel $0x88, $3  }
0x1: {  	(tag) =	ssettag $0x0;
	lr =	simm.s32 $0x1  }
0x2: {  	[smem:$0x3F9F] =	sst lr;
	_ =	strace $0xD0000000  }
0x3: {  	_ = 	snop  }
0x4: {  	_ = 	snop  }
0x5: {  	_ = 	snop  }
0x6: {  	_ = 	snop  }
0x7: {  	_ = 	snop  }
__scs_overlays_trampoline_lowered:
0x8: {  	[smem:$0x3FAE] =	sst s0  }
0x9: {  	[smem:$0x3FAF] =	sst s1  }
0xa: {  	[smem:$0x3FB0] =	sst s2  }
0xb: {  	[smem:$0x3FB1] =	sst s3  }
0xc: {  	[smem:$0x3FB2] =	sst s4  }
0xd: {  	[smem:$0x3FB3] =	sst s5  }
0xe: {  	[smem:$0x3FB4] =	sst s6  }
0xf: {  	[smem:$0x3FB5] =	sst s7  }
0x10: {  	[smem:$0x3FB6] =	sst s8  }
0x11: {  	[smem:$0x3FB7] =	sst s9;
	s0 =	simm.s32 @!p0 $0x0  }
0x12: {  	s1 =	sld [smem:$0x3F9D];
	s0 =	simm.s32 @p0 $0x1  }
0x13: {  	[smem:$0x3FB8] =	sst s0;
	s0 =	simm.s32 @!p1 $0x0  }
0x14: {  	s2 =	sld [smem:$0x3F9C];
	s0 =	simm.s32 @p1 $0x1  }
0x15: {  	[smem:$0x3FB9] =	sst s0;
	s0 =	simm.s32 @!p2 $0x0  }
0x16: {  	s3 =	sld [smem:$0x3FDB];
	s0 =	simm.s32 @p2 $0x1  }
0x17: {  	s4 =	simm.s32 $0x1BF5;
	[smem:$0x3FBB] =	sst s0  }
0x18: {  	s0 =	sld [smem:$0x3F9E];
	_ =	swait.ge [sflag:s4], $0x0  }
0x19: {  	s7 =	sld [smem:$0x3F9F]  }
0x1a: {  	s8 =	sadd.s32 $0xFFFFE003, lr  }
0x1b: {  	s9 =	sadd.s32 $0xFFFFFEF7, lr;
	s5 =	simm.s32 $0xFFFFFFFF;
	p2 =	slt.u32 s8, $0xFFFFF086  }
0x1c: {  	p1 =	slt.u32 s9, $0xF7A;
	s5 =	simm.s32 @!p2 $0x0  }
0x1d: {  	s5 =	simm.s32 @p1 $0x1;
	p0 =	seq.s32 s7, s2  }
0x1e: {  	s7 =	smul.u32 @!p0 $0xF7A, s2;
	p2 =	seq.s32 @!p0 s5, $0x0  }
0x1f: {  	s9 =	smul.u32 $0xF7A, s1;
	s8 =	simm.s32 @!p0 $0x1BF5;
	p2 =	por !p2, p0  }
0x20: {  	[sflag:s8] =	ssyncset.s32 @!p0 $0xFFFFF086;
	s6 =	sadd.s32 @!p0 s3, s7;
	s7 =	simm.s32 @!p0 $0x108  }
0x21: {  	s3 =	sadd.s32 s3, s9;
	s6 =	sadd.s32 @!p0 $0x88, s6;
	s7 =	simm.s32 @p2 $0x1082  }
0x22: {  	[simem:s7], [sflag:s8] =	dma.local @!p0 [hbm:s6], $0xF7A  }
0x23: {  	s9 =	sor.u32 $0xD0000000, s2;
	s6 =	simm.s32 $0x108;
	_ =	swait.ge @!p0 [sflag:s8], $0x0  }
0x24: {  	s3 =	sadd.s32 $0x88, s3;
	s6 =	simm.s32 @!p1 $0x1082;
	[sflag:s4] =	ssyncset.s32 $0xFFFFF086  }
0x25: {  	[simem:s6], [sflag:s4] =	dma.local [hbm:s3], $0xF7A  }
0x26: {  	[smem:$0x3F9F] =	sst s1;
	(tag) =	ssettag s2;
	_ =	strace s9  }
0x27: {  	s1 =	sld [smem:$0x3FAF]  }
0x28: {  	s2 =	sld [smem:$0x3FB0]  }
0x29: {  	s4 =	sld [smem:$0x3FB2]  }
0x2a: {  	p0 =	seq.s32 s5, $0x0;
	s5 =	sld [smem:$0x3FB3]  }
0x2b: {  	s6 =	sld [smem:$0x3FB4]  }
0x2c: {  	s7 =	sld [smem:$0x3FB5]  }
0x2d: {  	s3 =	simm.s32 $0x108;
	s8 =	sld [smem:$0x3FB6]  }
0x2e: {  	s3 =	simm.s32 @!p0 $0x1082;
	s9 =	sld [smem:$0x3FB7]  }
0x2f: {  	lr =	sadd.s32 s0, s3;
	s0 =	sld [smem:$0x3FAE]  }
0x30: {  	s3 =	sld [smem:$0x3FB1]  }
0x31: {  	[smem:$0x3FBA] =	sst s10  }
0x32: {  	s10 =	sld [smem:$0x3FB8];
	_ =	sdelay $0x3  }
0x33: {  	p0 =	seq.s32 s10, $0x1;
	s10 =	sld [smem:$0x3FBA];
	_ =	sdelay $0x3  }
0x34: {  	[smem:$0x3FBA] =	sst s10  }
0x35: {  	s10 =	sld [smem:$0x3FB9];
	_ =	sdelay $0x3  }
0x36: {  	p1 =	seq.s32 s10, $0x1;
	s10 =	sld [smem:$0x3FBA];
	_ =	sdelay $0x3  }
0x37: {  	[smem:$0x3FBA] =	sst s10  }
0x38: {  	s10 =	sld [smem:$0x3FBB]  }
0x39: {  	_ = 	snop;
	(pc) =	sbr.ind lr, $3  }
0x3a: {  	_ = 	snop  }
0x3b: {  	_ = 	snop  }
0x3c: {  	p2 =	seq.s32 s10, $0x1;
	s10 =	sld [smem:$0x3FBA]  }
0x3d: {  	_ =	shalt  }
0x3e: {  	_ =	shalt  }
0x3f: {  	_ =	shalt  }
0x40: {  	_ =	shalt  }
0x41: {  	_ =	shalt  }
0x42: {  	_ =	shalt  }
0x43: {  	_ =	shalt  }
0x44: {  	_ =	shalt  }
0x45: {  	_ =	shalt  }
0x46: {  	_ =	shalt  }
0x47: {  	_ =	shalt  }
0x48: {  	_ =	shalt  }
0x49: {  	_ =	shalt  }
0x4a: {  	_ =	shalt  }
0x4b: {  	_ =	shalt  }
0x4c: {  	_ =	shalt  }
0x4d: {  	_ =	shalt  }
0x4e: {  	_ =	shalt  }
0x4f: {  	_ =	shalt  }
0x50: {  	_ =	shalt  }
0x51: {  	_ =	shalt  }
0x52: {  	_ =	shalt  }
0x53: {  	_ =	shalt  }
0x54: {  	_ =	shalt  }
0x55: {  	_ =	shalt  }
0x56: {  	_ =	shalt  }
0x57: {  	_ =	shalt  }
0x58: {  	_ =	shalt  }
0x59: {  	_ =	shalt  }
0x5a: {  	_ =	shalt  }
0x5b: {  	_ =	shalt  }
0x5c: {  	_ =	shalt  }
0x5d: {  	_ =	shalt  }
0x5e: {  	_ =	shalt  }
0x5f: {  	_ =	shalt  }
0x60: {  	_ =	shalt  }
0x61: {  	_ =	shalt  }
0x62: {  	_ =	shalt  }
0x63: {  	_ =	shalt  }
0x64: {  	_ =	shalt  }
0x65: {  	_ =	shalt  }
0x66: {  	_ =	shalt  }
0x67: {  	_ =	shalt  }
0x68: {  	_ =	shalt  }
0x69: {  	_ =	shalt  }
0x6a: {  	_ =	shalt  }
0x6b: {  	_ =	shalt  }
0x6c: {  	_ =	shalt  }
0x6d: {  	_ =	shalt  }
0x6e: {  	_ =	shalt  }
0x6f: {  	_ =	shalt  }
0x70: {  	_ =	shalt  }
0x71: {  	_ =	shalt  }
0x72: {  	_ =	shalt  }
0x73: {  	_ =	shalt  }
0x74: {  	_ =	shalt  }
0x75: {  	_ =	shalt  }
0x76: {  	_ =	shalt  }
0x77: {  	_ =	shalt  }
0x78: {  	_ =	shalt  }
0x79: {  	_ =	shalt  }
0x7a: {  	_ =	shalt  }
0x7b: {  	_ =	shalt  }
0x7c: {  	_ =	shalt  }
0x7d: {  	_ =	shalt  }
0x7e: {  	_ =	shalt  }
0x7f: {  	_ =	shalt  }
0x80: {  	_ =	shalt  }
0x81: {  	_ =	shalt  }
0x82: {  	_ =	shalt  }
0x83: {  	_ =	shalt  }
0x84: {  	_ =	shalt  }
0x85: {  	_ =	shalt  }
0x86: {  	_ =	shalt  }
0x87: {  	_ =	shalt  }
.Lfunc_end0:
.L_simem_size_0:
called_computation_lowered:
.L_overlay_start_0:
0x88: {  	s2 =	sld [smem:$0x3FD9]  }
0x89: {  	s3 =	sld [smem:$0x3FFE];
	_ =	sdelay $0x1  }
0x8a: {  	s1 =	srdreg.scid  }
0x8b: {  	s0 =	sand.u32 $0x1, s1  }
0x8c: {  	s17 =	sshll.u32 s0, $0xA;
	s2 =	sadd.s32 s3, s2  }
0x8d: {  	s2 =	sadd.s32 s2, s17  }
0x8e: {  	[smem:$0x3FC6] =	sst s2  }
0x8f: {  	_ = 	snop  }
0x90: {  	s2 =	sld [smem:$0x3FC9]  }
0x91: {  	s18 =	sld [smem:$0x3FD0];
	(tm) =	ssettm $0x1  }
0x92: {  	s4 =	sld [smem:$0x3FFB];
	_ =	sdelay $0x3  }
0x93: {  	_ =	strace s4  }
0x94: {  	s4 =	sld [smem:$0x3FFC];
	_ =	sdelay $0x3  }
0x95: {  	_ =	strace s4  }
0x96: {  	s4 =	sld [smem:$0x3FFD];
	_ =	sdelay $0x3  }
0x97: {  	_ =	strace s4  }
0x98: {  	_ =	strace $0x8FFFFFFF  }
0x99: {  	s19 =	sld [smem:$0x3FDB];
	_ =	sdelay $0x1  }
0x9a: {  	s5 =	simm.s32 $_scs_section_size  }
0x9b: {  	s6 =	simm.s32 $_size__tile_overlayer_lowered;
	s7 =	simm.s32 $_tile_overlayer_lowered  }
0x9c: {  	s22 =	simm.s32 $0x1BFF;
	s21 =	sshll.u32 s7, $0x1;
	s4 =	sadd.s32 s5, s19  }
0x9d: {  	s8 =	simm.s32 $0x0;
	s20 =	sshll.u32 s6, $0x1;
	s6 =	sadd.s32 s21, s4  }
0x9e: {  	[timem:s8], [sflag:s22] =	dma.local [hbm:s6], s20  }
0x9f: {  	_ =	swait.ge [sflag:s22], s20  }
0xa0: {  	s5 =	ssub.s32 $0x0, s20;
	[sflag:s22] =	ssyncset.done $0x0  }
0xa1: {  	[sflag:s22] =	ssyncadd.s32 s5;
	_ =	sdelay $0x1  }
0xa2: {  	s23 =	simm.s32 $0x1B8B  }
0xa3: {  	_ =	swait.ge [sflag:s23], $0x1  }
0xa4: {  	[sflag:s23] =	ssyncset.done $0x0  }
0xa5: {  	s25 =	simm.s32 $0x1B8E;
	s24 =	sld [smem:$0x3FFE];
	[sflag:s23] =	ssyncadd.s32 $0xFFFFFFFF  }
0xa6: {  	s26 =	simm.s32 $execute0_lowered;
	[smem:$0x3FD2] =	sst s25  }
0xa7: {  	s6 =	sshll.u32 s26, $0x1;
	_ =	strace $0x80000046;
	[dreg:$0x1] =	wrdreg $0xFFFFFFFF  }
0xa8: {  	s28 =	simm.s32 $_size_execute0_lowered;
	s4 =	sadd.s32 s4, s6;
	[dreg:$0x0] =	wrdreg $0x0  }
0xa9: {  	s6 =	sshll.u32 s28, $0x1;
	[dreg:$0x2] =	wrdreg s4  }
0xaa: {  	[dreg:$0x3] =	wrdreg s6  }
0xab: {  	[dreg:$0x4] =	wrdreg $0xC0  }
0xac: {  	_ =	task [dreg:s8], $0x5FFFF  }
0xad: {  	[dreg:$0x1] =	wrdreg $0xFFFFFFFF  }
0xae: {  	[dreg:$0x0] =	wrdreg $0x60  }
0xaf: {  	[dreg:$0x2] =	wrdreg s2  }
0xb0: {  	[dreg:$0x3] =	wrdreg s24  }
0xb1: {  	[dreg:$0x4] =	wrdreg s18  }
0xb2: {  	[dreg:$0x5] =	wrdreg $0x9  }
0xb3: {  	_ =	task.clear_ibuf [dreg:s8], $0x6FFFF;
	_ =	strace $0x90000046  }
0xb4: {  	s29 =	simm.s32 $0x9;
	_ =	strace $0x80000048  }
0xb5: {  	_ =	swait.ge [sflag:s29], $0x1  }
0xb6: {  	[sflag:s29] =	ssyncadd.s32 $0xFFFFFFFF  }
0xb7: {  	_ =	strace $0x90000048  }
0xb8: {  	_ =	sfence  }
0xb9: {  	s30 =	sld [smem:$0x0];
	_ =	sdelay $0x2  }
0xba: {  	s31 =	sshll.u32 s1, $0xD;
	s1 =	sshrl.u32 s1, $0x2  }
0xbb: {  	s3 =	sand.u32 $0x4000, s31;
	s1 =	sadd.s32 s1, s30  }
0xbc: {  	s0 =	sor.u32 s3, s0;
	s1 =	sshll.u32 s1, $0x11  }
0xbd: {  	s0 =	sor.u32 s1, s0  }
0xbe: {  	s0 =	sadd.s32 $0x8F2B, s0  }
0xbf: {  	[sflag:s0] =	ssyncadd.remote.s32 $0x1  }
0xc0: {  	_ =	sfence.sel $0xFFFF  }
0xc1: {  	[dreg:$0x0] =	wrdreg $0xFFFFFFFF;
	(pc) =	sbr.abs _section_cstart, $3  }
0xc2: {  	[dreg:$0x1] =	wrdreg $0xFFFFFFFF  }
0xc3: {  	_ =	task.clear_ibuf [dreg:s8], $0x2FFFF;
	_ =	strace $0x9FFFFFFF  }
0xc4: {  	(tm) =	ssettm $0x7FFFFFFF  }
0xc5: {  	_ =	shalt  }
tec
execute0_lowered:
.L_overlay_start_1:
0x0: {  	(tag) =	ssettag $0x1  }
0x1: {  	v0 =	vimm.s32 $0xF80  }
0x2: {  	vm15 =	vcmask $0x300;
	vm14 =	vcmask $0x704;
	vm13 =	vcmask $0xB08  }
0x3: {  	vm12 =	vcmask $0xF0C;
	vm11 =	vcmask $0x1310;
	vm10 =	vcmask $0x1714  }
0x4: {  	vm9 =	vcmask $0x1B18;
	vm8 =	vcmask $0x1F1C;
	vm7 =	vcmask $0x2320  }
0x5: {  	vm6 =	vcmask $0x2724;
	vm5 =	vcmask $0x2B28;
	v2 =	vlaneseq.u32  }
0x6: {  	vm4 =	vcmask $0x2F2C;
	vm3 =	vcmask $0x3330;
	vm2 =	vcmask $0x3734  }
0x7: {  	vm1 =	vcmask $0x3B38;
	vm0 =	vmmov $0xffff;
	v5 =	vimm.s32 $0x3F80  }
0x8: {  	v6 =	vimm.s32 $0x5780;
	v7 =	vimm.s32 $0x6F80;
	v8 =	vimm.s32 $0x8780  }
0x9: {  	v9 =	vimm.s32 $0x9F80;
	v10 =	vimm.s32 $0xB780;
	v11 =	vimm.s32 $0x1380  }
0xa: {  	v12 =	vimm.s32 $0x2B80;
	v13 =	vimm.s32 $0x4380;
	v14 =	vimm.s32 $0x5B80  }
0xb: {  	v15 =	vimm.s32 $0x7380;
	v16 =	vimm.s32 $0x8B80;
	v17 =	vimm.s32 $0xA380  }
0xc: {  	v18 =	vimm.s32 $0xBB80;
	v0 =	vsel vm15, $0x0, v0;
	v3 =	vshrl.u32 v2, $0x3  }
0xd: {  	v5 =	vsel vm15, $0x3000, v5;
	v6 =	vsel vm15, $0x4800, v6;
	v7 =	vsel vm15, $0x6000, v7  }
0xe: {  	v8 =	vsel vm15, $0x7800, v8;
	v9 =	vsel vm15, $0x9000, v9;
	v10 =	vsel vm15, $0xA800, v10  }
0xf: {  	v11 =	vsel vm15, $0x400, v11;
	v12 =	vsel vm15, $0x1C00, v12;
	v13 =	vsel vm15, $0x3400, v13  }
0x10: {  	v14 =	vsel vm15, $0x4C00, v14;
	v15 =	vsel vm15, $0x6400, v15;
	v16 =	vsel vm15, $0x7C00, v16  }
0x11: {  	v17 =	vsel vm15, $0x9400, v17;
	v18 =	vsel vm15, $0xAC00, v18;
	v0 =	vsel vm14, $0x80, v0  }
0x12: {  	v5 =	vsel vm14, $0x3080, v5;
	v6 =	vsel vm14, $0x4880, v6;
	v7 =	vsel vm14, $0x6080, v7  }
0x13: {  	v8 =	vsel vm14, $0x7880, v8;
	v9 =	vsel vm14, $0x9080, v9;
	v10 =	vsel vm14, $0xA880, v10  }
0x14: {  	v11 =	vsel vm14, $0x480, v11;
	v12 =	vsel vm14, $0x1C80, v12;
	v13 =	vsel vm14, $0x3480, v13  }
0x15: {  	v14 =	vsel vm14, $0x4C80, v14;
	v15 =	vsel vm14, $0x6480, v15;
	v16 =	vsel vm14, $0x7C80, v16  }
0x16: {  	v17 =	vsel vm14, $0x9480, v17;
	v18 =	vsel vm14, $0xAC80, v18;
	v0 =	vsel vm13, $0x100, v0  }
0x17: {  	v5 =	vsel vm13, $0x3100, v5;
	v6 =	vsel vm13, $0x4900, v6;
	v7 =	vsel vm13, $0x6100, v7  }
0x18: {  	v8 =	vsel vm13, $0x7900, v8;
	v9 =	vsel vm13, $0x9100, v9;
	v10 =	vsel vm13, $0xA900, v10  }
0x19: {  	v11 =	vsel vm13, $0x500, v11;
	v12 =	vsel vm13, $0x1D00, v12;
	v13 =	vsel vm13, $0x3500, v13  }
0x1a: {  	v14 =	vsel vm13, $0x4D00, v14;
	v15 =	vsel vm13, $0x6500, v15;
	v16 =	vsel vm13, $0x7D00, v16  }
0x1b: {  	v17 =	vsel vm13, $0x9500, v17;
	v18 =	vsel vm13, $0xAD00, v18;
	v0 =	vsel vm12, $0x180, v0  }
0x1c: {  	v5 =	vsel vm12, $0x3180, v5;
	v6 =	vsel vm12, $0x4980, v6;
	v7 =	vsel vm12, $0x6180, v7  }
0x1d: {  	v8 =	vsel vm12, $0x7980, v8;
	v9 =	vsel vm12, $0x9180, v9;
	v10 =	vsel vm12, $0xA980, v10  }
0x1e: {  	v11 =	vsel vm12, $0x580, v11;
	v12 =	vsel vm12, $0x1D80, v12;
	v13 =	vsel vm12, $0x3580, v13  }
0x1f: {  	v14 =	vsel vm12, $0x4D80, v14;
	v15 =	vsel vm12, $0x6580, v15;
	v16 =	vsel vm12, $0x7D80, v16  }
0x20: {  	v17 =	vsel vm12, $0x9580, v17;
	v18 =	vsel vm12, $0xAD80, v18;
	v0 =	vsel vm11, $0x200, v0  }
0x21: {  	v5 =	vsel vm11, $0x3200, v5;
	v6 =	vsel vm11, $0x4A00, v6;
	v7 =	vsel vm11, $0x6200, v7  }
0x22: {  	v8 =	vsel vm11, $0x7A00, v8;
	v9 =	vsel vm11, $0x9200, v9;
	v10 =	vsel vm11, $0xAA00, v10  }
0x23: {  	v11 =	vsel vm11, $0x600, v11;
	v12 =	vsel vm11, $0x1E00, v12;
	v13 =	vsel vm11, $0x3600, v13  }
0x24: {  	v14 =	vsel vm11, $0x4E00, v14;
	v15 =	vsel vm11, $0x6600, v15;
	v16 =	vsel vm11, $0x7E00, v16  }
0x25: {  	v17 =	vsel vm11, $0x9600, v17;
	v18 =	vsel vm11, $0xAE00, v18;
	v0 =	vsel vm10, $0x280, v0  }
0x26: {  	v5 =	vsel vm10, $0x3280, v5;
	v6 =	vsel vm10, $0x4A80, v6;
	v7 =	vsel vm10, $0x6280, v7  }
0x27: {  	v8 =	vsel vm10, $0x7A80, v8;
	v9 =	vsel vm10, $0x9280, v9;
	v10 =	vsel vm10, $0xAA80, v10  }
0x28: {  	v11 =	vsel vm10, $0x680, v11;
	v12 =	vsel vm10, $0x1E80, v12;
	v13 =	vsel vm10, $0x3680, v13  }
0x29: {  	v14 =	vsel vm10, $0x4E80, v14;
	v15 =	vsel vm10, $0x6680, v15;
	v16 =	vsel vm10, $0x7E80, v16  }
0x2a: {  	v17 =	vsel vm10, $0x9680, v17;
	v18 =	vsel vm10, $0xAE80, v18;
	v0 =	vsel vm9, $0x300, v0  }
0x2b: {  	v5 =	vsel vm9, $0x3300, v5;
	v6 =	vsel vm9, $0x4B00, v6;
	v7 =	vsel vm9, $0x6300, v7  }
0x2c: {  	v8 =	vsel vm9, $0x7B00, v8;
	v9 =	vsel vm9, $0x9300, v9;
	v10 =	vsel vm9, $0xAB00, v10  }
0x2d: {  	v11 =	vsel vm9, $0x700, v11;
	v12 =	vsel vm9, $0x1F00, v12;
	v13 =	vsel vm9, $0x3700, v13  }
0x2e: {  	v14 =	vsel vm9, $0x4F00, v14;
	v15 =	vsel vm9, $0x6700, v15;
	v16 =	vsel vm9, $0x7F00, v16  }
0x2f: {  	v17 =	vsel vm9, $0x9700, v17;
	v18 =	vsel vm9, $0xAF00, v18;
	v0 =	vsel vm8, $0x380, v0  }
0x30: {  	v5 =	vsel vm8, $0x3380, v5;
	v6 =	vsel vm8, $0x4B80, v6;
	v7 =	vsel vm8, $0x6380, v7  }
0x31: {  	v8 =	vsel vm8, $0x7B80, v8;
	v9 =	vsel vm8, $0x9380, v9;
	v10 =	vsel vm8, $0xAB80, v10  }
0x32: {  	v11 =	vsel vm8, $0x780, v11;
	v12 =	vsel vm8, $0x1F80, v12;
	v13 =	vsel vm8, $0x3780, v13  }
0x33: {  	v14 =	vsel vm8, $0x4F80, v14;
	v15 =	vsel vm8, $0x6780, v15;
	v16 =	vsel vm8, $0x7F80, v16  }
0x34: {  	v17 =	vsel vm8, $0x9780, v17;
	v18 =	vsel vm8, $0xAF80, v18;
	v0 =	vsel vm7, $0xC00, v0  }
0x35: {  	v5 =	vsel vm7, $0x3C00, v5;
	v6 =	vsel vm7, $0x5400, v6;
	v7 =	vsel vm7, $0x6C00, v7  }
0x36: {  	v8 =	vsel vm7, $0x8400, v8;
	v9 =	vsel vm7, $0x9C00, v9;
	v10 =	vsel vm7, $0xB400, v10  }
0x37: {  	v11 =	vsel vm7, $0x1000, v11;
	v12 =	vsel vm7, $0x2800, v12;
	v13 =	vsel vm7, $0x4000, v13  }
0x38: {  	v14 =	vsel vm7, $0x5800, v14;
	v15 =	vsel vm7, $0x7000, v15;
	v16 =	vsel vm7, $0x8800, v16  }
0x39: {  	v17 =	vsel vm7, $0xA000, v17;
	v18 =	vsel vm7, $0xB800, v18;
	v0 =	vsel vm6, $0xC80, v0  }
0x3a: {  	v5 =	vsel vm6, $0x3C80, v5;
	v6 =	vsel vm6, $0x5480, v6;
	v7 =	vsel vm6, $0x6C80, v7  }
0x3b: {  	v8 =	vsel vm6, $0x8480, v8;
	v9 =	vsel vm6, $0x9C80, v9;
	v10 =	vsel vm6, $0xB480, v10  }
0x3c: {  	v11 =	vsel vm6, $0x1080, v11;
	v12 =	vsel vm6, $0x2880, v12;
	v13 =	vsel vm6, $0x4080, v13  }
0x3d: {  	v14 =	vsel vm6, $0x5880, v14;
	v15 =	vsel vm6, $0x7080, v15;
	v16 =	vsel vm6, $0x8880, v16  }
0x3e: {  	v17 =	vsel vm6, $0xA080, v17;
	v18 =	vsel vm6, $0xB880, v18;
	v1 =	vsel vm5, $0xD00, v0  }
0x3f: {  	v0 =	vand.u32 $0x7, v2;
	v2 =	vor.u32 $0x8, v2;
	v5 =	vsel vm5, $0x3D00, v5  }
0x40: {  	v6 =	vsel vm5, $0x5500, v6;
	v7 =	vsel vm5, $0x6D00, v7;
	v8 =	vsel vm5, $0x8500, v8  }
0x41: {  	v9 =	vsel vm5, $0x9D00, v9;
	v10 =	vsel vm5, $0xB500, v10;
	v11 =	vsel vm5, $0x1100, v11  }
0x42: {  	v12 =	vsel vm5, $0x2900, v12;
	v13 =	vsel vm5, $0x4100, v13;
	v14 =	vsel vm5, $0x5900, v14  }
0x43: {  	v15 =	vsel vm5, $0x7100, v15;
	v16 =	vsel vm5, $0x8900, v16;
	v17 =	vsel vm5, $0xA100, v17  }
0x44: {  	v18 =	vsel vm5, $0xB900, v18;
	v1 =	vsel vm4, $0xD80, v1;
	v5 =	vsel vm4, $0x3D80, v5  }
0x45: {  	v6 =	vsel vm4, $0x5580, v6;
	v7 =	vsel vm4, $0x6D80, v7;
	v8 =	vsel vm4, $0x8580, v8  }
0x46: {  	v9 =	vsel vm4, $0x9D80, v9;
	v10 =	vsel vm4, $0xB580, v10;
	v11 =	vsel vm4, $0x1180, v11  }
0x47: {  	v12 =	vsel vm4, $0x2980, v12;
	v13 =	vsel vm4, $0x4180, v13;
	v14 =	vsel vm4, $0x5980, v14  }
0x48: {  	v15 =	vsel vm4, $0x7180, v15;
	v16 =	vsel vm4, $0x8980, v16;
	v17 =	vsel vm4, $0xA180, v17  }
0x49: {  	v18 =	vsel vm4, $0xB980, v18;
	v4 =	vsel vm3, $0xE00, v1;
	v1 =	vmul.u32 $0x8, v3  }
0x4a: {  	v5 =	vsel vm3, $0x3E00, v5;
	v6 =	vsel vm3, $0x5600, v6;
	v7 =	vsel vm3, $0x6E00, v7  }
0x4b: {  	v8 =	vsel vm3, $0x8600, v8;
	v9 =	vsel vm3, $0x9E00, v9;
	v10 =	vsel vm3, $0xB600, v10  }
0x4c: {  	v11 =	vsel vm3, $0x1200, v11;
	v12 =	vsel vm3, $0x2A00, v12;
	v13 =	vsel vm3, $0x4200, v13  }
0x4d: {  	v14 =	vsel vm3, $0x5A00, v14;
	v15 =	vsel vm3, $0x7200, v15;
	v16 =	vsel vm3, $0x8A00, v16  }
0x4e: {  	v17 =	vsel vm3, $0xA200, v17;
	v3 =	vsel vm2, $0xE80, v4;
	v4 =	vimm.s32 $0x2780  }
0x4f: {  	s0 =	rddreg [dreg:$0x1];
	v18 =	vsel vm3, $0xBA00, v18;
	v5 =	vsel vm2, $0x3E80, v5;
	v4 =	vsel vm15, $0x1800, v4  }
0x50: {  	s2 =	rddreg [dreg:$0x2];
	s1 =	srdreg.scid;
	s9 =	simm.s32 $0x0;
	v6 =	vsel vm2, $0x5680, v6;
	v7 =	vsel vm2, $0x6E80, v7;
	v4 =	vsel vm14, $0x1880, v4  }
0x51: {  	s4 =	stileid.u32;
	s17 =	simm.s32 $0x4;
	s18 =	simm.s32 $0x80;
	v8 =	vsel vm2, $0x8680, v8;
	v9 =	vsel vm2, $0x9E80, v9;
	v4 =	vsel vm13, $0x1900, v4  }
0x52: {  	s28 =	simm.s32 $0x17480;
	s29 =	simm.s32 $0x400;
	s30 =	simm.s32 $0x2000;
	v10 =	vsel vm2, $0xB680, v10;
	v11 =	vsel vm2, $0x1280, v11;
	v4 =	vsel vm12, $0x1980, v4  }
0x53: {  	s31 =	simm.s32 $0x18080;
	s1 =	sand.u32 $0x1, s1;
	[smem:$0x7FF] =	sst s9;
	v12 =	vsel vm2, $0x2A80, v12;
	v13 =	vsel vm2, $0x4280, v13;
	v4 =	vsel vm11, $0x1A00, v4  }
0x54: {  	s5 =	sshll.u32 s4, $0x1;
	s6 =	sadd.s32 $0x400, s0;
	s8 =	sadd.s32 $0x500, s0;
	v14 =	vsel vm2, $0x5A80, v14;
	v15 =	vsel vm2, $0x7280, v15;
	v4 =	vsel vm10, $0x1A80, v4  }
0x55: {  	s10 =	sadd.s32 $0x600, s0;
	s12 =	sadd.s32 $0x700, s0;
	s7 =	sand.u32 $0x6, s5;
	v16 =	vsel vm2, $0x8A80, v16;
	v17 =	vsel vm2, $0xA280, v17;
	v4 =	vsel vm9, $0x1B00, v4  }
0x56: {  	s4 =	simm.s32 $0x1;
	s3 =	ssub.s32 $0x2, s1;
	s1 =	sor.u32 s1, s7;
	v18 =	vsel vm2, $0xBA80, v18;
	v3 =	vsel vm1, $0xF00, v3;
	v4 =	vsel vm8, $0x1B80, v4  }
0x57: {  	_ =	strace $0x80000047;
	[dreg:$0x5] =	wrdreg s1;
	s1 =	sshll.u32 s1, $0xA;
	v5 =	vsel vm1, $0x3F00, v5;
	v6 =	vsel vm1, $0x5700, v6;
	v4 =	vsel vm7, $0x2400, v4  }
0x58: {  	s0 =	simm.s32 $0xC080;
	s22 =	sor.u32 $0x40000, s1;
	[dreg:$0x6] =	wrdreg s1;
	v7 =	vsel vm1, $0x6F00, v7;
	v8 =	vsel vm1, $0x8700, v8;
	v4 =	vsel vm6, $0x2480, v4  }
.Ltmp0:
0x59: {  	s23 =	sor.u32 $0x80000, s1;
	[dreg:$0x7] =	wrdreg s22;
	v9 =	vsel vm1, $0x9F00, v9;
	v10 =	vsel vm1, $0xB700, v10;
	v4 =	vsel vm5, $0x2500, v4;
	(pc) =	sbr.rel .LBB2_1-.Ltmp0, $4  }
0x5a: {  	s21 =	sshrl.u32 s3, $0x1;
	s24 =	sor.u32 $0xC0000, s1;
	[dreg:$0x8] =	wrdreg s23;
	v11 =	vsel vm1, $0x1300, v11;
	v12 =	vsel vm1, $0x2B00, v12;
	v4 =	vsel vm4, $0x2580, v4  }
0x5b: {  	s3 =	ssub.s32 s3, s21;
	s25 =	sor.u32 $0xF0000, s1;
	[dreg:$0x9] =	wrdreg s24;
	v13 =	vsel vm1, $0x4300, v13;
	v14 =	vsel vm1, $0x5B00, v14;
	v4 =	vsel vm3, $0x2600, v4  }
0x5c: {  	s26 =	smax.u32 s3, $0x1;
	s1 =	simm.s32 $0x2;
	[dreg:$0xa] =	wrdreg s25;
	v15 =	vsel vm1, $0x7300, v15;
	v16 =	vsel vm1, $0x8B00, v16;
	v4 =	vsel vm2, $0x2680, v4  }
0x5d: {  	s3 =	simm.s32 $0x3;
	[dreg:$0xb] =	wrdreg s26;
	s26 =	simm.s32 $0x16880;
	v17 =	vsel vm1, $0xA300, v17;
	v18 =	vsel vm1, $0xBB00, v18;
	v4 =	vsel vm1, $0x2700, v4  }
.LBB2_23:
0x5e: {  	s9 =	rddreg [dreg:$0x4]  }
0x5f: {  	s7 =	rddreg [dreg:$0xb];
	s9 =	sadd.s32 $0x1, s9  }
0x60: {  	p0 =	sne.s32 s9, s7  }
.Ltmp1:
0x61: {  	_ = 	snop;
	(pc) =	sbr.rel @!p0 .LBB2_24-.Ltmp1, $1  }
0x62: {  	_ =	sdelay $0x3  }
.LBB2_1:
.Ltmp2:
0x63: {  	(pc) =	sbr.rel .LBB2_2-.Ltmp2, $2  }
0x64: {  	_ =	sdelay $0x2  }
0x65: {  	[dreg:$0x4] =	wrdreg s9;
	s16 =	simm.s32 $0x0  }
.LBB2_22:
0x66: {  	s16 =	sadd.s32 $0x1, s16  }
0x67: {  	p0 =	sne.s32 s16, $0xD  }
.Ltmp3:
0x68: {  	_ = 	snop;
	(pc) =	sbr.rel @!p0 .LBB2_23-.Ltmp3, $1  }
0x69: {  	_ =	sdelay $0x3  }
.LBB2_2:
0x6a: {  	s7 =	sshll.u32 s16, $0x5  }
0x6b: {  	s9 =	sor.u32 s5, s7  }
0x6c: {  	p0 =	sgt.u32 s9, $0x18F  }
.Ltmp4:
0x6d: {  	_ = 	snop;
	(pc) =	sbr.rel @p0 .LBB2_22-.Ltmp4, $1  }
0x6e: {  	_ =	sdelay $0x3  }
0x6f: {  	s7 =	sshrl.u32 s9, $0x3  }
0x70: {  	s24 =	sshll.u32 s9, $0x1;
	s13 =	rddreg [dreg:$0x5];
	s11 =	sand.u32 $0x38, s7  }
0x71: {  	s25 =	rddreg [dreg:$0x0];
	s9 =	sand.u32 $0x70, s24;
	s11 =	sor.u32 s13, s11  }
0x72: {  	s9 =	sadd.s32 s25, s9;
	s11 =	sshll.u32 s11, $0x7  }
0x73: {  	s9 =	sadd.s32 s11, s9;
	s11 =	simm.s32 $0x0  }
0x74: {  	[tilespmem:s11], [sflag:$0x4] =	stream.linear.gather [hbm4b:s9+s11], $0x80, $0x38;
	[tilespmem:$0x1A080] =	vst v63  }
0x75: {  	_ =	swait.ge [sflag:s17], $0x80  }
0x76: {  	[sflag:s17] =	ssyncset.done $0x0  }
0x77: {  	[sflag:s17] =	ssyncadd.s32 $0xFFFFFF80  }
0x78: {  	v19 =	vld [tilespmem:$0x0];
	_ =	sdelay $0x4  }
0x79: {  	v20 =	vshll.u32 v19, $0x3  }
0x7a: {  	v19 =	vand.u32 $0x7, v19;
	v20 =	vand.u32 $0xFFFFFFC0, v20  }
0x7b: {  	v19 =	vor.u32 v19, v20  }
0x7c: {  	v20 =	vperm.xlane v19, v0;
	_ =	sdelay $0x1  }
0x7d: {  	v19 =	vperm.xlane v19, v2;
	v20 =	vadd.s32 v1, v20;
	_ =	sdelay $0x1  }
0x7e: {  	v19 =	vadd.s32 v1, v19;
	_ =	sdelay $0x2  }
0x7f: {  	[tilespmem:s18], [sflag:$0x1] =	stream.indirect_vreg.gather [hbm4b:s6+s11], $0x80, v20, vm0, $0xb8;
	[tilespmem:$0x1A080] =	vst v63  }
0x80: {  	s14 =	simm.s32 $0xC80  }
0x81: {  	[tilespmem:s14], [sflag:$0x1] =	stream.indirect_vreg.gather [hbm4b:s6+s11], $0x80, v19, vm0, $0xb8;
	[tilespmem:$0x1A080] =	vst v63  }
0x82: {  	v19 =	vld [tilespmem:$0x10];
	_ =	sdelay $0x4  }
0x83: {  	v20 =	vshll.u32 v19, $0x3  }
0x84: {  	v19 =	vand.u32 $0x7, v19;
	v20 =	vand.u32 $0xFFFFFFC0, v20  }
0x85: {  	v19 =	vor.u32 v19, v20  }
0x86: {  	v20 =	vperm.xlane v19, v0;
	_ =	sdelay $0x1  }
0x87: {  	v19 =	vperm.xlane v19, v2;
	v20 =	vadd.s32 v1, v20;
	_ =	sdelay $0x1  }
0x88: {  	v19 =	vadd.s32 v1, v19;
	_ =	sdelay $0x1  }
0x89: {  	s15 =	simm.s32 $0x1880  }
0x8a: {  	[tilespmem:s15], [sflag:$0x1] =	stream.indirect_vreg.gather [hbm4b:s6+s11], $0x80, v20, vm0, $0xb8;
	[tilespmem:$0x1A080] =	vst v63  }
0x8b: {  	s19 =	simm.s32 $0x2480  }
0x8c: {  	[tilespmem:s19], [sflag:$0x1] =	stream.indirect_vreg.gather [hbm4b:s6+s11], $0x80, v19, vm0, $0xb8;
	[tilespmem:$0x1A080] =	vst v63  }
0x8d: {  	v19 =	vld [tilespmem:$0x20];
	_ =	sdelay $0x4  }
0x8e: {  	v20 =	vshll.u32 v19, $0x3  }
0x8f: {  	v19 =	vand.u32 $0x7, v19;
	v20 =	vand.u32 $0xFFFFFFC0, v20  }
0x90: {  	v19 =	vor.u32 v19, v20  }
0x91: {  	v20 =	vperm.xlane v19, v0;
	_ =	sdelay $0x1  }
0x92: {  	v19 =	vperm.xlane v19, v2;
	v20 =	vadd.s32 v1, v20;
	_ =	sdelay $0x1  }
0x93: {  	v19 =	vadd.s32 v1, v19;
	_ =	sdelay $0x1  }
0x94: {  	s20 =	simm.s32 $0x3080  }
0x95: {  	[tilespmem:s20], [sflag:$0x1] =	stream.indirect_vreg.gather [hbm4b:s6+s11], $0x80, v20, vm0, $0xb8;
	[tilespmem:$0x1A080] =	vst v63  }
0x96: {  	s21 =	simm.s32 $0x3C80  }
0x97: {  	[tilespmem:s21], [sflag:$0x1] =	stream.indirect_vreg.gather [hbm4b:s6+s11], $0x80, v19, vm0, $0xb8;
	[tilespmem:$0x1A080] =	vst v63  }
0x98: {  	v19 =	vld [tilespmem:$0x30];
	_ =	sdelay $0x4  }
0x99: {  	v20 =	vshll.u32 v19, $0x3  }
0x9a: {  	v19 =	vand.u32 $0x7, v19;
	v20 =	vand.u32 $0xFFFFFFC0, v20  }
0x9b: {  	v19 =	vor.u32 v19, v20  }
0x9c: {  	v20 =	vperm.xlane v19, v0;
	_ =	sdelay $0x1  }
0x9d: {  	v19 =	vperm.xlane v19, v2;
	v20 =	vadd.s32 v1, v20;
	_ =	sdelay $0x1  }
0x9e: {  	v19 =	vadd.s32 v1, v19;
	_ =	sdelay $0x1  }
0x9f: {  	s22 =	simm.s32 $0x4880  }
0xa0: {  	[tilespmem:s22], [sflag:$0x1] =	stream.indirect_vreg.gather [hbm4b:s6+s11], $0x80, v20, vm0, $0xb8;
	[tilespmem:$0x1A080] =	vst v63  }
0xa1: {  	s23 =	simm.s32 $0x5480  }
0xa2: {  	[tilespmem:s23], [sflag:$0x1] =	stream.indirect_vreg.gather [hbm4b:s6+s11], $0x80, v19, vm0, $0xb8;
	[tilespmem:$0x1A080] =	vst v63  }
0xa3: {  	v19 =	vld [tilespmem:$0x40];
	_ =	sdelay $0x4  }
0xa4: {  	v20 =	vshll.u32 v19, $0x3  }
0xa5: {  	v19 =	vand.u32 $0x7, v19;
	v20 =	vand.u32 $0xFFFFFFC0, v20  }
0xa6: {  	v19 =	vor.u32 v19, v20  }
0xa7: {  	v20 =	vperm.xlane v19, v0;
	_ =	sdelay $0x1  }
0xa8: {  	v19 =	vperm.xlane v19, v2;
	v20 =	vadd.s32 v1, v20;
	_ =	sdelay $0x1  }
0xa9: {  	v19 =	vadd.s32 v1, v19;
	_ =	sdelay $0x1  }
0xaa: {  	s24 =	simm.s32 $0x6080  }
0xab: {  	[tilespmem:s24], [sflag:$0x1] =	stream.indirect_vreg.gather [hbm4b:s6+s11], $0x80, v20, vm0, $0xb8;
	[tilespmem:$0x1A080] =	vst v63  }
0xac: {  	s25 =	simm.s32 $0x6C80  }
0xad: {  	[tilespmem:s25], [sflag:$0x1] =	stream.indirect_vreg.gather [hbm4b:s6+s11], $0x80, v19, vm0, $0xb8;
	[tilespmem:$0x1A080] =	vst v63  }
0xae: {  	v19 =	vld [tilespmem:$0x50];
	_ =	sdelay $0x4  }
0xaf: {  	v20 =	vshll.u32 v19, $0x3  }
0xb0: {  	v19 =	vand.u32 $0x7, v19;
	v20 =	vand.u32 $0xFFFFFFC0, v20  }
0xb1: {  	v19 =	vor.u32 v19, v20  }
0xb2: {  	v20 =	vperm.xlane v19, v0;
	_ =	sdelay $0x1  }
0xb3: {  	v19 =	vperm.xlane v19, v2;
	v20 =	vadd.s32 v1, v20;
	_ =	sdelay $0x1  }
0xb4: {  	v19 =	vadd.s32 v1, v19;
	_ =	sdelay $0x1  }
0xb5: {  	s13 =	simm.s32 $0x7880  }
0xb6: {  	[tilespmem:s13], [sflag:$0x1] =	stream.indirect_vreg.gather [hbm4b:s6+s11], $0x80, v20, vm0, $0xb8;
	[tilespmem:$0x1A080] =	vst v63  }
0xb7: {  	s14 =	simm.s32 $0x8480  }
0xb8: {  	[tilespmem:s14], [sflag:$0x1] =	stream.indirect_vreg.gather [hbm4b:s6+s11], $0x80, v19, vm0, $0xb8;
	[tilespmem:$0x1A080] =	vst v63  }
0xb9: {  	v19 =	vld [tilespmem:$0x60];
	_ =	sdelay $0x4  }
0xba: {  	v20 =	vshll.u32 v19, $0x3  }
0xbb: {  	v19 =	vand.u32 $0x7, v19;
	v20 =	vand.u32 $0xFFFFFFC0, v20  }
0xbc: {  	v19 =	vor.u32 v19, v20  }
0xbd: {  	v20 =	vperm.xlane v19, v0;
	_ =	sdelay $0x1  }
0xbe: {  	v19 =	vperm.xlane v19, v2;
	v20 =	vadd.s32 v1, v20;
	_ =	sdelay $0x1  }
0xbf: {  	v19 =	vadd.s32 v1, v19;
	_ =	sdelay $0x1  }
0xc0: {  	s15 =	simm.s32 $0x9080  }
0xc1: {  	[tilespmem:s15], [sflag:$0x1] =	stream.indirect_vreg.gather [hbm4b:s6+s11], $0x80, v20, vm0, $0xb8;
	[tilespmem:$0x1A080] =	vst v63  }
0xc2: {  	s19 =	simm.s32 $0x9C80  }
0xc3: {  	[tilespmem:s19], [sflag:$0x1] =	stream.indirect_vreg.gather [hbm4b:s6+s11], $0x80, v19, vm0, $0xb8;
	[tilespmem:$0x1A080] =	vst v63  }
0xc4: {  	v19 =	vld [tilespmem:$0x70];
	_ =	sdelay $0x4  }
0xc5: {  	v20 =	vshll.u32 v19, $0x3  }
0xc6: {  	v19 =	vand.u32 $0x7, v19;
	v20 =	vand.u32 $0xFFFFFFC0, v20  }
0xc7: {  	v19 =	vor.u32 v19, v20  }
0xc8: {  	v20 =	vperm.xlane v19, v0;
	_ =	sdelay $0x1  }
0xc9: {  	v19 =	vperm.xlane v19, v2;
	v20 =	vadd.s32 v1, v20;
	_ =	sdelay $0x1  }
0xca: {  	v19 =	vadd.s32 v1, v19;
	_ =	sdelay $0x1  }
0xcb: {  	s20 =	simm.s32 $0xA880  }
0xcc: {  	[tilespmem:s20], [sflag:$0x1] =	stream.indirect_vreg.gather [hbm4b:s6+s11], $0x80, v20, vm0, $0xb8;
	[tilespmem:$0x1A080] =	vst v63  }
0xcd: {  	s21 =	simm.s32 $0xB480  }
0xce: {  	[tilespmem:s21], [sflag:$0x1] =	stream.indirect_vreg.gather [hbm4b:s6+s11], $0x80, v19, vm0, $0xb8;
	[tilespmem:$0x1A080] =	vst v63  }
0xcf: {  	_ =	swait.ge [sflag:s4], $0x8000  }
0xd0: {  	[sflag:s4] =	ssyncset.done $0x0  }
0xd1: {  	[sflag:s4] =	ssyncadd.s32 $0xFFFF8000  }
0xd2: {  	v19 =	vld [tilespmem:$0x0];
	_ =	sdelay $0x4  }
0xd3: {  	v20 =	vshll.u32 v19, $0x3  }
0xd4: {  	v19 =	vand.u32 $0x7, v19;
	v20 =	vand.u32 $0xFFFFFFC0, v20  }
0xd5: {  	v19 =	vor.u32 v19, v20  }
0xd6: {  	v20 =	vperm.xlane v19, v0;
	_ =	sdelay $0x1  }
0xd7: {  	v19 =	vperm.xlane v19, v2;
	v20 =	vadd.s32 v1, v20;
	_ =	sdelay $0x1  }
0xd8: {  	v19 =	vadd.s32 v1, v19;
	_ =	sdelay $0x2  }
0xd9: {  	[tilespmem:s0], [sflag:$0x2] =	stream.indirect_vreg.gather [hbm4b:s8+s11], $0x80, v20, vm0, $0xb8;
	[tilespmem:$0x1A080] =	vst v63  }
0xda: {  	s22 =	simm.s32 $0xCC80  }
0xdb: {  	[tilespmem:s22], [sflag:$0x2] =	stream.indirect_vreg.gather [hbm4b:s8+s11], $0x80, v19, vm0, $0xb8;
	[tilespmem:$0x1A080] =	vst v63  }
0xdc: {  	v19 =	vld [tilespmem:$0x10];
	_ =	sdelay $0x4  }
0xdd: {  	v20 =	vshll.u32 v19, $0x3  }
0xde: {  	v19 =	vand.u32 $0x7, v19;
	v20 =	vand.u32 $0xFFFFFFC0, v20  }
0xdf: {  	v19 =	vor.u32 v19, v20  }
0xe0: {  	v20 =	vperm.xlane v19, v0;
	_ =	sdelay $0x1  }
0xe1: {  	v19 =	vperm.xlane v19, v2;
	v20 =	vadd.s32 v1, v20;
	_ =	sdelay $0x1  }
0xe2: {  	v19 =	vadd.s32 v1, v19;
	_ =	sdelay $0x1  }
0xe3: {  	s23 =	simm.s32 $0xD880  }
0xe4: {  	[tilespmem:s23], [sflag:$0x2] =	stream.indirect_vreg.gather [hbm4b:s8+s11], $0x80, v20, vm0, $0xb8;
	[tilespmem:$0x1A080] =	vst v63  }
0xe5: {  	s24 =	simm.s32 $0xE480  }
0xe6: {  	[tilespmem:s24], [sflag:$0x2] =	stream.indirect_vreg.gather [hbm4b:s8+s11], $0x80, v19, vm0, $0xb8;
	[tilespmem:$0x1A080] =	vst v63  }
0xe7: {  	v19 =	vld [tilespmem:$0x20];
	_ =	sdelay $0x4  }
0xe8: {  	v20 =	vshll.u32 v19, $0x3  }
0xe9: {  	v19 =	vand.u32 $0x7, v19;
	v20 =	vand.u32 $0xFFFFFFC0, v20  }
0xea: {  	v19 =	vor.u32 v19, v20  }
0xeb: {  	v20 =	vperm.xlane v19, v0;
	_ =	sdelay $0x1  }
0xec: {  	v19 =	vperm.xlane v19, v2;
	v20 =	vadd.s32 v1, v20;
	_ =	sdelay $0x1  }
0xed: {  	v19 =	vadd.s32 v1, v19;
	_ =	sdelay $0x1  }
0xee: {  	s25 =	simm.s32 $0xF080  }
0xef: {  	[tilespmem:s25], [sflag:$0x2] =	stream.indirect_vreg.gather [hbm4b:s8+s11], $0x80, v20, vm0, $0xb8;
	[tilespmem:$0x1A080] =	vst v63  }
0xf0: {  	s13 =	simm.s32 $0xFC80  }
0xf1: {  	[tilespmem:s13], [sflag:$0x2] =	stream.indirect_vreg.gather [hbm4b:s8+s11], $0x80, v19, vm0, $0xb8;
	[tilespmem:$0x1A080] =	vst v63  }
0xf2: {  	v19 =	vld [tilespmem:$0x30];
	_ =	sdelay $0x4  }
0xf3: {  	v20 =	vshll.u32 v19, $0x3  }
0xf4: {  	v19 =	vand.u32 $0x7, v19;
	v20 =	vand.u32 $0xFFFFFFC0, v20  }
0xf5: {  	v19 =	vor.u32 v19, v20  }
0xf6: {  	v20 =	vperm.xlane v19, v0;
	_ =	sdelay $0x1  }
0xf7: {  	v19 =	vperm.xlane v19, v2;
	v20 =	vadd.s32 v1, v20;
	_ =	sdelay $0x1  }
0xf8: {  	v19 =	vadd.s32 v1, v19;
	_ =	sdelay $0x1  }
0xf9: {  	s14 =	simm.s32 $0x10880  }
0xfa: {  	[tilespmem:s14], [sflag:$0x2] =	stream.indirect_vreg.gather [hbm4b:s8+s11], $0x80, v20, vm0, $0xb8;
	[tilespmem:$0x1A080] =	vst v63  }
0xfb: {  	s15 =	simm.s32 $0x11480  }
0xfc: {  	[tilespmem:s15], [sflag:$0x2] =	stream.indirect_vreg.gather [hbm4b:s8+s11], $0x80, v19, vm0, $0xb8;
	[tilespmem:$0x1A080] =	vst v63  }
0xfd: {  	v19 =	vld [tilespmem:$0x40];
	_ =	sdelay $0x4  }
0xfe: {  	v20 =	vshll.u32 v19, $0x3  }
0xff: {  	v19 =	vand.u32 $0x7, v19;
	v20 =	vand.u32 $0xFFFFFFC0, v20  }
0x100: {  	v19 =	vor.u32 v19, v20  }
0x101: {  	v20 =	vperm.xlane v19, v0;
	_ =	sdelay $0x1  }
0x102: {  	v19 =	vperm.xlane v19, v2;
	v20 =	vadd.s32 v1, v20;
	_ =	sdelay $0x1  }
0x103: {  	v19 =	vadd.s32 v1, v19;
	_ =	sdelay $0x1  }
0x104: {  	s19 =	simm.s32 $0x12080  }
0x105: {  	[tilespmem:s19], [sflag:$0x2] =	stream.indirect_vreg.gather [hbm4b:s8+s11], $0x80, v20, vm0, $0xb8;
	[tilespmem:$0x1A080] =	vst v63  }
0x106: {  	s20 =	simm.s32 $0x12C80  }
0x107: {  	[tilespmem:s20], [sflag:$0x2] =	stream.indirect_vreg.gather [hbm4b:s8+s11], $0x80, v19, vm0, $0xb8;
	[tilespmem:$0x1A080] =	vst v63  }
0x108: {  	v19 =	vld [tilespmem:$0x50];
	_ =	sdelay $0x4  }
0x109: {  	v20 =	vshll.u32 v19, $0x3  }
0x10a: {  	v19 =	vand.u32 $0x7, v19;
	v20 =	vand.u32 $0xFFFFFFC0, v20  }
0x10b: {  	v19 =	vor.u32 v19, v20  }
0x10c: {  	v20 =	vperm.xlane v19, v0;
	_ =	sdelay $0x1  }
0x10d: {  	v19 =	vperm.xlane v19, v2;
	v20 =	vadd.s32 v1, v20;
	_ =	sdelay $0x1  }
0x10e: {  	v19 =	vadd.s32 v1, v19;
	_ =	sdelay $0x1  }
0x10f: {  	s21 =	simm.s32 $0x13880  }
0x110: {  	[tilespmem:s21], [sflag:$0x2] =	stream.indirect_vreg.gather [hbm4b:s8+s11], $0x80, v20, vm0, $0xb8;
	[tilespmem:$0x1A080] =	vst v63  }
0x111: {  	s22 =	simm.s32 $0x14480  }
0x112: {  	[tilespmem:s22], [sflag:$0x2] =	stream.indirect_vreg.gather [hbm4b:s8+s11], $0x80, v19, vm0, $0xb8;
	[tilespmem:$0x1A080] =	vst v63  }
0x113: {  	v19 =	vld [tilespmem:$0x60];
	_ =	sdelay $0x4  }
0x114: {  	v20 =	vshll.u32 v19, $0x3  }
0x115: {  	v19 =	vand.u32 $0x7, v19;
	v20 =	vand.u32 $0xFFFFFFC0, v20  }
0x116: {  	v19 =	vor.u32 v19, v20  }
0x117: {  	v20 =	vperm.xlane v19, v0;
	_ =	sdelay $0x1  }
0x118: {  	v19 =	vperm.xlane v19, v2;
	v20 =	vadd.s32 v1, v20;
	_ =	sdelay $0x1  }
0x119: {  	v19 =	vadd.s32 v1, v19;
	_ =	sdelay $0x1  }
0x11a: {  	s23 =	simm.s32 $0x15080  }
0x11b: {  	[tilespmem:s23], [sflag:$0x2] =	stream.indirect_vreg.gather [hbm4b:s8+s11], $0x80, v20, vm0, $0xb8;
	[tilespmem:$0x1A080] =	vst v63  }
0x11c: {  	s24 =	simm.s32 $0x15C80  }
0x11d: {  	[tilespmem:s24], [sflag:$0x2] =	stream.indirect_vreg.gather [hbm4b:s8+s11], $0x80, v19, vm0, $0xb8;
	[tilespmem:$0x1A080] =	vst v63  }
0x11e: {  	v19 =	vld [tilespmem:$0x70];
	_ =	sdelay $0x4  }
0x11f: {  	v20 =	vshll.u32 v19, $0x3  }
0x120: {  	v19 =	vand.u32 $0x7, v19;
	v20 =	vand.u32 $0xFFFFFFC0, v20  }
0x121: {  	v19 =	vor.u32 v19, v20  }
0x122: {  	v20 =	vperm.xlane v19, v0;
	_ =	sdelay $0x1  }
0x123: {  	v19 =	vperm.xlane v19, v2;
	v20 =	vadd.s32 v1, v20;
	_ =	sdelay $0x1  }
0x124: {  	v19 =	vadd.s32 v1, v19;
	_ =	sdelay $0x1  }
0x125: {  	s7 =	smul.u32 $0xFA000, s7;
	s25 =	rddreg [dreg:$0x6]  }
0x126: {  	[tilespmem:s26], [sflag:$0x2] =	stream.indirect_vreg.gather [hbm4b:s8+s11], $0x80, v20, vm0, $0xb8;
	[tilespmem:$0x1A080] =	vst v63  }
0x127: {  	s13 =	sor.u32 s25, s7;
	s14 =	simm.s32 $0x0  }
0x128: {  	[tilespmem:s28], [sflag:$0x2] =	stream.indirect_vreg.gather [hbm4b:s8+s11], $0x80, v19, vm0, $0xb8;
	[tilespmem:$0x1A080] =	vst v63  }
.LBB2_4:
0x129: {  	s9 =	sadd.s32 $0x0, s11  }
0x12a: {  	v19 =	vmov s9  }
0x12b: {  	v20 =	vshll.u32 v19, $0x3  }
0x12c: {  	v19 =	vand.u32 $0x7F, v19;
	v20 =	vand.u32 $0x400, v20  }
0x12d: {  	v24 =	vor.u32 v19, v20  }
0x12e: {  	v19 =	vadd.s32 v3, v24;
	_ =	sdelay $0x1  }
0x12f: {  	s21 =	sadd.s32 $0x1, s11  }
0x130: {  	v20 =	vmov s21  }
0x131: {  	v21 =	vshll.u32 v20, $0x3  }
0x132: {  	v20 =	vand.u32 $0x7F, v20;
	v21 =	vand.u32 $0x400, v21;
	v19 =	vld.idx.msk [tilespmem:v19+s18+$0x0], $0xffff  }
0x133: {  	v25 =	vor.u32 v20, v21;
	v20 =	vadd.s32 v4, v24  }
0x134: {  	v21 =	vadd.s32 v3, v25;
	_ =	sdelay $0x1  }
0x135: {  	s22 =	sadd.s32 $0x2, s11;
	s21 =	simm.s32 $0x180C0  }
0x136: {  	[tilespmem:s21+$0xFFFFFFC0] =	vst v19;
	v19 =	vmov s22  }
0x137: {  	v20 =	vld.idx.msk [tilespmem:v20+s18+$0x0], $0xffff;
	v22 =	vshll.u32 v19, $0x3  }
0x138: {  	v23 =	vld.idx.msk [tilespmem:v21+s18+$0x0], $0xffff;
	v19 =	vand.u32 $0x7F, v19;
	v21 =	vand.u32 $0x400, v22;
	v22 =	vadd.s32 v5, v24  }
0x139: {  	v21 =	vor.u32 v19, v21;
	v19 =	vadd.s32 v4, v25  }
0x13a: {  	v26 =	vadd.s32 v3, v21;
	_ =	sdelay $0x1  }
0x13b: {  	s20 =	simm.s32 $0x18140;
	s23 =	sadd.s32 $0x3, s11;
	[tilespmem:s21+$0xFFFFFFD0] =	vst v20  }
0x13c: {  	[tilespmem:s20+$0xFFFFFFC0] =	vst v23;
	v20 =	vld.idx.msk [tilespmem:v22+s18+$0x0], $0xffff;
	v22 =	vmov s23  }
0x13d: {  	v27 =	vadd.s32 v6, v24;
	v23 =	vld.idx.msk [tilespmem:v19+s18+$0x0], $0xffff;
	v19 =	vshll.u32 v22, $0x3  }
0x13e: {  	v28 =	vadd.s32 v5, v25;
	v22 =	vand.u32 $0x7F, v22;
	v26 =	vld.idx.msk [tilespmem:v26+s18+$0x0], $0xffff;
	v19 =	vand.u32 $0x400, v19  }
0x13f: {  	v19 =	vor.u32 v22, v19;
	v22 =	vadd.s32 v4, v21  }
0x140: {  	v29 =	vadd.s32 v3, v19  }
0x141: {  	[tilespmem:s21+$0xFFFFFFE0] =	vst v20  }
0x142: {  	s19 =	simm.s32 $0x181C0;
	s24 =	sadd.s32 $0x4, s11;
	[tilespmem:s20+$0xFFFFFFD0] =	vst v23;
	v23 =	vld.idx.msk [tilespmem:v27+s18+$0x0], $0xffff  }
0x143: {  	v20 =	vmov s24;
	v27 =	vadd.s32 v7, v24;
	[tilespmem:s19+$0xFFFFFFC0] =	vst v26;
	v26 =	vld.idx.msk [tilespmem:v28+s18+$0x0], $0xffff  }
0x144: {  	v30 =	vadd.s32 v6, v25;
	v28 =	vshll.u32 v20, $0x3;
	v22 =	vld.idx.msk [tilespmem:v22+s18+$0x0], $0xffff  }
0x145: {  	v31 =	vadd.s32 v5, v21;
	v20 =	vand.u32 $0x7F, v20;
	v28 =	vand.u32 $0x400, v28;
	v29 =	vld.idx.msk [tilespmem:v29+s18+$0x0], $0xffff  }
0x146: {  	v20 =	vor.u32 v20, v28;
	v28 =	vadd.s32 v4, v19  }
0x147: {  	v32 =	vadd.s32 v3, v20;
	[tilespmem:s21+$0xFFFFFFF0] =	vst v23  }
0x148: {  	[tilespmem:s20+$0xFFFFFFE0] =	vst v26;
	v23 =	vld.idx.msk [tilespmem:v27+s18+$0x0], $0xffff  }
0x149: {  	s15 =	simm.s32 $0x18240;
	s25 =	sadd.s32 $0x5, s11;
	v27 =	vadd.s32 v8, v24;
	[tilespmem:s19+$0xFFFFFFD0] =	vst v22;
	v26 =	vld.idx.msk [tilespmem:v30+s18+$0x0], $0xffff  }
0x14a: {  	v22 =	vmov s25;
	v30 =	vadd.s32 v7, v25;
	[tilespmem:s15+$0xFFFFFFC0] =	vst v29;
	v29 =	vld.idx.msk [tilespmem:v31+s18+$0x0], $0xffff  }
0x14b: {  	v33 =	vadd.s32 v6, v21;
	v31 =	vshll.u32 v22, $0x3;
	v28 =	vld.idx.msk [tilespmem:v28+s18+$0x0], $0xffff  }
0x14c: {  	v34 =	vadd.s32 v5, v19;
	v22 =	vand.u32 $0x7F, v22;
	v32 =	vld.idx.msk [tilespmem:v32+s18+$0x0], $0xffff;
	v31 =	vand.u32 $0x400, v31  }
0x14d: {  	v22 =	vor.u32 v22, v31;
	v31 =	vadd.s32 v4, v20;
	[tilespmem:s21+$0x0] =	vst v23  }
0x14e: {  	v23 =	vadd.s32 v3, v22;
	[tilespmem:s20+$0xFFFFFFF0] =	vst v26;
	v26 =	vld.idx.msk [tilespmem:v27+s18+$0x0], $0xffff  }
0x14f: {  	[tilespmem:s19+$0xFFFFFFE0] =	vst v29;
	v27 =	vld.idx.msk [tilespmem:v30+s18+$0x0], $0xffff;
	v29 =	vadd.s32 v9, v24  }
0x150: {  	s9 =	simm.s32 $0x182C0;
	v30 =	vadd.s32 v8, v25;
	[tilespmem:s15+$0xFFFFFFD0] =	vst v28;
	v28 =	vld.idx.msk [tilespmem:v33+s18+$0x0], $0xffff  }
0x151: {  	s22 =	sadd.s32 $0x6, s11;
	v57 =	vadd.s32 v7, v21;
	[tilespmem:s9+$0xFFFFFFC0] =	vst v32;
	v55 =	vld.idx.msk [tilespmem:v34+s18+$0x0], $0xffff  }
0x152: {  	v56 =	vmov s22;
	v36 =	vadd.s32 v6, v19;
	v31 =	vld.idx.msk [tilespmem:v31+s18+$0x0], $0xffff  }
0x153: {  	v35 =	vshll.u32 v56, $0x3;
	v59 =	vadd.s32 v5, v20;
	v37 =	vld.idx.msk [tilespmem:v23+s18+$0x0], $0xffff;
	[tilespmem:s21+$0x10] =	vst v26  }
0x154: {  	v58 =	vand.u32 $0x400, v35;
	v23 =	vand.u32 $0x7F, v56;
	v26 =	vadd.s32 v4, v22;
	[tilespmem:s20+$0x0] =	vst v27;
	v27 =	vld.idx.msk [tilespmem:v29+s18+$0x0], $0xffff  }
0x155: {  	v24 =	vadd.s32 v10, v24;
	v23 =	vor.u32 v23, v58;
	[tilespmem:s19+$0xFFFFFFF0] =	vst v28;
	v28 =	vld.idx.msk [tilespmem:v30+s18+$0x0], $0xffff  }
0x156: {  	v29 =	vadd.s32 v3, v23;
	[tilespmem:s15+$0xFFFFFFE0] =	vst v55;
	v30 =	vld.idx.msk [tilespmem:v57+s18+$0x0], $0xffff  }
0x157: {  	s22 =	simm.s32 $0x18340;
	[tilespmem:s9+$0xFFFFFFD0] =	vst v31;
	v31 =	vadd.s32 v9, v25;
	v60 =	vld.idx.msk [tilespmem:v36+s18+$0x0], $0xffff  }
0x158: {  	v61 =	vadd.s32 v8, v21;
	s23 =	sadd.s32 $0x7, s11;
	[tilespmem:s22+$0xFFFFFFC0] =	vst v37;
	v35 =	vld.idx.msk [tilespmem:v59+s18+$0x0], $0xffff  }
0x159: {  	v62 =	vld.idx.msk [tilespmem:v26+s18+$0x0], $0xffff;
	v26 =	vadd.s32 v7, v19;
	[tilespmem:s21+$0x20] =	vst v27;
	v27 =	vmov s23  }
0x15a: {  	v38 =	vadd.s32 v6, v20;
	[tilespmem:s20+$0x10] =	vst v28;
	v32 =	vld.idx.msk [tilespmem:v24+s18+$0x0], $0xffff;
	v24 =	vshll.u32 v27, $0x3  }
0x15b: {  	v39 =	vadd.s32 v5, v22;
	v63 =	vld.idx.msk [tilespmem:v29+s18+$0x0], $0xffff;
	v27 =	vand.u32 $0x7F, v27;
	[tilespmem:s19+$0x0] =	vst v30;
	v24 =	vand.u32 $0x400, v24  }
0x15c: {  	v34 =	vadd.s32 v4, v23;
	v31 =	vld.idx.msk [tilespmem:v31+s18+$0x0], $0xffff;
	[tilespmem:s15+$0xFFFFFFF0] =	vst v60;
	v24 =	vor.u32 v27, v24  }
0x15d: {  	v29 =	vld.idx.msk [tilespmem:v61+s18+$0x0], $0xffff;
	[tilespmem:s9+$0xFFFFFFE0] =	vst v35;
	v35 =	vadd.s32 v3, v24  }
0x15e: {  	v27 =	vadd.s32 v10, v25;
	v26 =	vld.idx.msk [tilespmem:v26+s18+$0x0], $0xffff  }
0x15f: {  	s23 =	simm.s32 $0x183C0;
	v30 =	vadd.s32 v9, v21;
	[tilespmem:s22+$0xFFFFFFD0] =	vst v62;
	v28 =	vld.idx.msk [tilespmem:v38+s18+$0x0], $0xffff  }
0x160: {  	s24 =	simm.s32 $0x9;
	s25 =	sadd.s32 $0x8, s11;
	v25 =	vadd.s32 v8, v19;
	[tilespmem:s23+$0xFFFFFFC0] =	vst v63;
	v33 =	vld.idx.msk [tilespmem:v39+s18+$0x0], $0xffff  }
.LBB2_5:
0x161: {  	p0 =	sne.s32 s24, $0x3F;
	v36 =	vmov s25;
	v37 =	vld.idx.msk [tilespmem:v34+s18+$0x0], $0xffff;
	v38 =	vadd.s32 v7, v20;
	[tilespmem:s21+$0x30] =	vst v32;
	s21 =	smov.u32 s20;
	s20 =	smov.u32 s19  }
0x162: {  	v40 =	vadd.s32 v6, v22;
	s19 =	smov.u32 s15;
	s15 =	smov.u32 s9;
	s9 =	smov.u32 s22;
	v32 =	vshll.u32 v36, $0x3;
	v39 =	vld.idx.msk [tilespmem:v35+s18+$0x0], $0xffff;
	[tilespmem:s21+$0x20] =	vst v31  }
0x163: {  	s22 =	smov.u32 s23;
	v31 =	vand.u32 $0x7F, v36;
	v36 =	vadd.s32 v5, v23;
	v34 =	vand.u32 $0x400, v32;
	[tilespmem:s20+$0x10] =	vst v29;
	v32 =	vld.idx.msk [tilespmem:v27+s18+$0x0], $0xffff  }
.Ltmp5:
0x164: {  	v41 =	vor.u32 v31, v34;
	v34 =	vadd.s32 v4, v24;
	[tilespmem:s19+$0x0] =	vst v26;
	v31 =	vld.idx.msk [tilespmem:v30+s18+$0x0], $0xffff;
	(pc) =	sbr.rel @p0 .LBB2_5-.Ltmp5, $4  }
0x165: {  	v35 =	vadd.s32 v3, v41;
	[tilespmem:s15+$0xFFFFFFF0] =	vst v28;
	v29 =	vld.idx.msk [tilespmem:v25+s18+$0x0], $0xffff  }
0x166: {  	v27 =	vadd.s32 v10, v21;
	v21 =	vmovc v19;
	v19 =	vmov v20;
	v20 =	vmov v22;
	[tilespmem:s9+$0xFFFFFFE0] =	vst v33;
	v26 =	vld.idx.msk [tilespmem:v38+s18+$0x0], $0xffff  }
0x167: {  	s23 =	sadd.s32 $0x80, s23;
	v22 =	vmovc v23;
	v23 =	vmov v24;
	v30 =	vadd.s32 v9, v21;
	v24 =	vmov v41;
	[tilespmem:s22+$0xFFFFFFD0] =	vst v37;
	v28 =	vld.idx.msk [tilespmem:v40+s18+$0x0], $0xffff  }
0x168: {  	s25 =	sadd.s32 s24, s11;
	s24 =	sadd.s32 $0x1, s24;
	v25 =	vadd.s32 v8, v19;
	[tilespmem:s23+$0xFFFFFFC0] =	vst v39;
	v33 =	vld.idx.msk [tilespmem:v36+s18+$0x0], $0xffff  }
0x169: {  	v36 =	vmov s25  }
0x16a: {  	v37 =	vshll.u32 v36, $0x3  }
0x16b: {  	v36 =	vand.u32 $0x7F, v36;
	v37 =	vand.u32 $0x400, v37  }
0x16c: {  	v36 =	vor.u32 v36, v37  }
0x16d: {  	v37 =	vadd.s32 v3, v36;
	_ =	sdelay $0x3  }
0x16e: {  	v35 =	vld.idx.msk [tilespmem:v35+s18+$0x0], $0xffff  }
0x16f: {  	v38 =	vadd.s32 v4, v24;
	v37 =	vld.idx.msk [tilespmem:v37+s18+$0x0], $0xffff  }
0x170: {  	v39 =	vadd.s32 v4, v36;
	_ =	sdelay $0x1  }
0x171: {  	s24 =	sadd.s32 $0x80, s23;
	v34 =	vld.idx.msk [tilespmem:v34+s18+$0x0], $0xffff  }
0x172: {  	v57 =	vadd.s32 v5, v23;
	s25 =	sadd.s32 $0x80, s24;
	[tilespmem:s24+$0xFFFFFFC0] =	vst v35  }
0x173: {  	v58 =	vld.idx.msk [tilespmem:v38+s18+$0x0], $0xffff;
	[tilespmem:s25+$0xFFFFFFC0] =	vst v37  }
0x174: {  	[tilespmem:s21+$0x30] =	vst v32;
	v59 =	vadd.s32 v5, v24;
	v60 =	vld.idx.msk [tilespmem:v39+s18+$0x0], $0xffff  }
0x175: {  	[tilespmem:s20+$0x20] =	vst v31;
	v61 =	vadd.s32 v5, v36  }
0x176: {  	[tilespmem:s23+$0xFFFFFFD0] =	vst v34  }
0x177: {  	v62 =	vadd.s32 v6, v22;
	[tilespmem:s19+$0x10] =	vst v29;
	v34 =	vld.idx.msk [tilespmem:v57+s18+$0x0], $0xffff  }
0x178: {  	v63 =	vadd.s32 v6, v23;
	[tilespmem:s24+$0xFFFFFFD0] =	vst v58  }
0x179: {  	v32 =	vld.idx.msk [tilespmem:v59+s18+$0x0], $0xffff;
	[tilespmem:s25+$0xFFFFFFD0] =	vst v60  }
0x17a: {  	[tilespmem:s15+$0x0] =	vst v26;
	v37 =	vadd.s32 v6, v24;
	v31 =	vld.idx.msk [tilespmem:v61+s18+$0x0], $0xffff  }
0x17b: {  	v27 =	vld.idx.msk [tilespmem:v27+s18+$0x0], $0xffff;
	[tilespmem:s22+$0xFFFFFFE0] =	vst v33;
	v38 =	vadd.s32 v6, v36  }
0x17c: {  	v29 =	vld.idx.msk [tilespmem:v62+s18+$0x0], $0xffff;
	[tilespmem:s23+$0xFFFFFFE0] =	vst v34  }
0x17d: {  	v40 =	vadd.s32 v7, v22;
	[tilespmem:s9+$0xFFFFFFF0] =	vst v28;
	v35 =	vld.idx.msk [tilespmem:v63+s18+$0x0], $0xffff  }
0x17e: {  	v41 =	vadd.s32 v7, v23;
	v30 =	vld.idx.msk [tilespmem:v30+s18+$0x0], $0xffff;
	[tilespmem:s24+$0xFFFFFFE0] =	vst v32  }
0x17f: {  	v39 =	vadd.s32 v7, v20;
	v26 =	vld.idx.msk [tilespmem:v37+s18+$0x0], $0xffff;
	[tilespmem:s25+$0xFFFFFFE0] =	vst v31  }
0x180: {  	v42 =	vadd.s32 v7, v24;
	[tilespmem:s20+$0x30] =	vst v27;
	v28 =	vld.idx.msk [tilespmem:v38+s18+$0x0], $0xffff  }
0x181: {  	v25 =	vld.idx.msk [tilespmem:v25+s18+$0x0], $0xffff;
	v43 =	vadd.s32 v7, v36;
	[tilespmem:s22+$0xFFFFFFF0] =	vst v29  }
0x182: {  	v21 =	vadd.s32 v10, v21;
	v46 =	vld.idx.msk [tilespmem:v40+s18+$0x0], $0xffff;
	[tilespmem:s23+$0xFFFFFFF0] =	vst v35  }
0x183: {  	v47 =	vadd.s32 v8, v22;
	[tilespmem:s19+$0x20] =	vst v30;
	v32 =	vld.idx.msk [tilespmem:v41+s18+$0x0], $0xffff  }
0x184: {  	v48 =	vadd.s32 v8, v23;
	v44 =	vld.idx.msk [tilespmem:v39+s18+$0x0], $0xffff;
	[tilespmem:s24+$0xFFFFFFF0] =	vst v26  }
0x185: {  	v45 =	vadd.s32 v8, v20;
	v27 =	vld.idx.msk [tilespmem:v42+s18+$0x0], $0xffff;
	[tilespmem:s25+$0xFFFFFFF0] =	vst v28  }
0x186: {  	v49 =	vadd.s32 v8, v24;
	[tilespmem:s15+$0x10] =	vst v25;
	v28 =	vld.idx.msk [tilespmem:v43+s18+$0x0], $0xffff  }
0x187: {  	v50 =	vadd.s32 v8, v36;
	v21 =	vld.idx.msk [tilespmem:v21+s18+$0x0], $0xffff;
	[tilespmem:s22+$0x0] =	vst v46  }
0x188: {  	v51 =	vadd.s32 v9, v19;
	v34 =	vld.idx.msk [tilespmem:v47+s18+$0x0], $0xffff;
	[tilespmem:s23+$0x0] =	vst v32  }
0x189: {  	v53 =	vadd.s32 v9, v22;
	v26 =	vld.idx.msk [tilespmem:v48+s18+$0x0], $0xffff;
	[tilespmem:s9+$0x0] =	vst v44  }
0x18a: {  	v54 =	vadd.s32 v9, v23;
	v29 =	vld.idx.msk [tilespmem:v45+s18+$0x0], $0xffff;
	[tilespmem:s24+$0x0] =	vst v27  }
0x18b: {  	v52 =	vadd.s32 v9, v20;
	v25 =	vld.idx.msk [tilespmem:v49+s18+$0x0], $0xffff;
	[tilespmem:s25+$0x0] =	vst v28  }
0x18c: {  	v55 =	vadd.s32 v9, v24;
	[tilespmem:s19+$0x30] =	vst v21;
	v28 =	vld.idx.msk [tilespmem:v50+s18+$0x0], $0xffff  }
0x18d: {  	v57 =	vadd.s32 v9, v36;
	v56 =	vld.idx.msk [tilespmem:v51+s18+$0x0], $0xffff;
	[tilespmem:s22+$0x10] =	vst v34  }
0x18e: {  	v19 =	vadd.s32 v10, v19;
	v32 =	vld.idx.msk [tilespmem:v53+s18+$0x0], $0xffff;
	[tilespmem:s23+$0x10] =	vst v26  }
0x18f: {  	v59 =	vadd.s32 v10, v22;
	v26 =	vld.idx.msk [tilespmem:v54+s18+$0x0], $0xffff;
	[tilespmem:s9+$0x10] =	vst v29  }
0x190: {  	v60 =	vadd.s32 v10, v23;
	v58 =	vld.idx.msk [tilespmem:v52+s18+$0x0], $0xffff;
	[tilespmem:s24+$0x10] =	vst v25  }
0x191: {  	v20 =	vadd.s32 v10, v20;
	v21 =	vld.idx.msk [tilespmem:v55+s18+$0x0], $0xffff;
	[tilespmem:s25+$0x10] =	vst v28  }
0x192: {  	[tilespmem:s15+$0x20] =	vst v56;
	v61 =	vadd.s32 v10, v24;
	v62 =	vld.idx.msk [tilespmem:v57+s18+$0x0], $0xffff  }
0x193: {  	v63 =	vadd.s32 v10, v36;
	v19 =	vld.idx.msk [tilespmem:v19+s18+$0x0], $0xffff;
	[tilespmem:s22+$0x20] =	vst v32  }
0x194: {  	v22 =	vld.idx.msk [tilespmem:v59+s18+$0x0], $0xffff;
	[tilespmem:s23+$0x20] =	vst v26  }
0x195: {  	v23 =	vld.idx.msk [tilespmem:v60+s18+$0x0], $0xffff;
	[tilespmem:s9+$0x20] =	vst v58  }
0x196: {  	v20 =	vld.idx.msk [tilespmem:v20+s18+$0x0], $0xffff;
	[tilespmem:s24+$0x20] =	vst v21  }
0x197: {  	v21 =	vld.idx.msk [tilespmem:v61+s18+$0x0], $0xffff;
	[tilespmem:s25+$0x20] =	vst v62  }
0x198: {  	[tilespmem:s15+$0x30] =	vst v19;
	v19 =	vld.idx.msk [tilespmem:v63+s18+$0x0], $0xffff  }
0x199: {  	[tilespmem:s22+$0x30] =	vst v22  }
0x19a: {  	s22 =	sshll.u32 s14, $0x10;
	[tilespmem:s23+$0x30] =	vst v23  }
0x19b: {  	s14 =	sadd.s32 $0x1, s14;
	[tilespmem:s9+$0x30] =	vst v20;
	s9 =	sadd.s32 s13, s22  }
0x19c: {  	p0 =	sne.s32 s14, $0x4;
	s9 =	sshrl.u32 s9, $0x3;
	[tilespmem:s24+$0x30] =	vst v21  }
.Ltmp6:
0x19d: {  	s9 =	sadd.s32 s2, s9;
	[tilespmem:s25+$0x30] =	vst v19;
	(pc) =	sbr.rel @p0 .LBB2_4-.Ltmp6, $4  }
0x19e: {  	[hbm4b:s9+s29] =	stream.strided.scatter [tilespmem:s31], [sflag:$0x4], $0x2000, s30, s29, $0x38;
	[tilespmem:$0x1A080] =	vst v63  }
0x19f: {  	_ =	swait.ge [sflag:s17], $0x2000  }
0x1a0: {  	[sflag:s17] =	ssyncset.done $0x0  }
0x1a1: {  	s11 =	sadd.s32 $0x40, s11;
	[sflag:s17] =	ssyncadd.s32 $0xFFFFE000  }
0x1a2: {  	_ =	swait.ge [sflag:s1], $0x8000  }
0x1a3: {  	[sflag:s1] =	ssyncset.done $0x0  }
0x1a4: {  	[sflag:s1] =	ssyncadd.s32 $0xFFFF8000  }
0x1a5: {  	v19 =	vld [tilespmem:$0x0];
	_ =	sdelay $0x4  }
0x1a6: {  	v20 =	vshll.u32 v19, $0x3  }
0x1a7: {  	v19 =	vand.u32 $0x7, v19;
	v20 =	vand.u32 $0xFFFFFFC0, v20  }
0x1a8: {  	v19 =	vor.u32 v19, v20  }
0x1a9: {  	v20 =	vperm.xlane v19, v0;
	_ =	sdelay $0x1  }
0x1aa: {  	v19 =	vperm.xlane v19, v2;
	v20 =	vadd.s32 v1, v20;
	_ =	sdelay $0x1  }
0x1ab: {  	v19 =	vadd.s32 v1, v19;
	_ =	sdelay $0x1  }
0x1ac: {  	s11 =	simm.s32 $0x0  }
0x1ad: {  	[tilespmem:s18], [sflag:$0x1] =	stream.indirect_vreg.gather [hbm4b:s10+s11], $0x80, v20, vm0, $0xb8;
	[tilespmem:$0x1A080] =	vst v63  }
0x1ae: {  	s9 =	simm.s32 $0xC80  }
0x1af: {  	[tilespmem:s9], [sflag:$0x1] =	stream.indirect_vreg.gather [hbm4b:s10+s11], $0x80, v19, vm0, $0xb8;
	[tilespmem:$0x1A080] =	vst v63  }
0x1b0: {  	v19 =	vld [tilespmem:$0x10];
	_ =	sdelay $0x4  }
0x1b1: {  	v20 =	vshll.u32 v19, $0x3  }
0x1b2: {  	v19 =	vand.u32 $0x7, v19;
	v20 =	vand.u32 $0xFFFFFFC0, v20  }
0x1b3: {  	v19 =	vor.u32 v19, v20  }
0x1b4: {  	v20 =	vperm.xlane v19, v0;
	_ =	sdelay $0x1  }
0x1b5: {  	v19 =	vperm.xlane v19, v2;
	v20 =	vadd.s32 v1, v20;
	_ =	sdelay $0x1  }
0x1b6: {  	v19 =	vadd.s32 v1, v19;
	_ =	sdelay $0x1  }
0x1b7: {  	s21 =	simm.s32 $0x1880  }
0x1b8: {  	[tilespmem:s21], [sflag:$0x1] =	stream.indirect_vreg.gather [hbm4b:s10+s11], $0x80, v20, vm0, $0xb8;
	[tilespmem:$0x1A080] =	vst v63  }
0x1b9: {  	s22 =	simm.s32 $0x2480  }
0x1ba: {  	[tilespmem:s22], [sflag:$0x1] =	stream.indirect_vreg.gather [hbm4b:s10+s11], $0x80, v19, vm0, $0xb8;
	[tilespmem:$0x1A080] =	vst v63  }
0x1bb: {  	v19 =	vld [tilespmem:$0x20];
	_ =	sdelay $0x4  }
0x1bc: {  	v20 =	vshll.u32 v19, $0x3  }
0x1bd: {  	v19 =	vand.u32 $0x7, v19;
	v20 =	vand.u32 $0xFFFFFFC0, v20  }
0x1be: {  	v19 =	vor.u32 v19, v20  }
0x1bf: {  	v20 =	vperm.xlane v19, v0;
	_ =	sdelay $0x1  }
0x1c0: {  	v19 =	vperm.xlane v19, v2;
	v20 =	vadd.s32 v1, v20;
	_ =	sdelay $0x1  }
0x1c1: {  	v19 =	vadd.s32 v1, v19;
	_ =	sdelay $0x1  }
0x1c2: {  	s23 =	simm.s32 $0x3080  }
0x1c3: {  	[tilespmem:s23], [sflag:$0x1] =	stream.indirect_vreg.gather [hbm4b:s10+s11], $0x80, v20, vm0, $0xb8;
	[tilespmem:$0x1A080] =	vst v63  }
0x1c4: {  	s24 =	simm.s32 $0x3C80  }
0x1c5: {  	[tilespmem:s24], [sflag:$0x1] =	stream.indirect_vreg.gather [hbm4b:s10+s11], $0x80, v19, vm0, $0xb8;
	[tilespmem:$0x1A080] =	vst v63  }
0x1c6: {  	v19 =	vld [tilespmem:$0x30];
	_ =	sdelay $0x4  }
0x1c7: {  	v20 =	vshll.u32 v19, $0x3  }
0x1c8: {  	v19 =	vand.u32 $0x7, v19;
	v20 =	vand.u32 $0xFFFFFFC0, v20  }
0x1c9: {  	v19 =	vor.u32 v19, v20  }
0x1ca: {  	v20 =	vperm.xlane v19, v0;
	_ =	sdelay $0x1  }
0x1cb: {  	v19 =	vperm.xlane v19, v2;
	v20 =	vadd.s32 v1, v20;
	_ =	sdelay $0x1  }
0x1cc: {  	v19 =	vadd.s32 v1, v19;
	_ =	sdelay $0x1  }
0x1cd: {  	s25 =	simm.s32 $0x4880  }
0x1ce: {  	[tilespmem:s25], [sflag:$0x1] =	stream.indirect_vreg.gather [hbm4b:s10+s11], $0x80, v20, vm0, $0xb8;
	[tilespmem:$0x1A080] =	vst v63  }
0x1cf: {  	s13 =	simm.s32 $0x5480  }
0x1d0: {  	[tilespmem:s13], [sflag:$0x1] =	stream.indirect_vreg.gather [hbm4b:s10+s11], $0x80, v19, vm0, $0xb8;
	[tilespmem:$0x1A080] =	vst v63  }
0x1d1: {  	v19 =	vld [tilespmem:$0x40];
	_ =	sdelay $0x4  }
0x1d2: {  	v20 =	vshll.u32 v19, $0x3  }
0x1d3: {  	v19 =	vand.u32 $0x7, v19;
	v20 =	vand.u32 $0xFFFFFFC0, v20  }
0x1d4: {  	v19 =	vor.u32 v19, v20  }
0x1d5: {  	v20 =	vperm.xlane v19, v0;
	_ =	sdelay $0x1  }
0x1d6: {  	v19 =	vperm.xlane v19, v2;
	v20 =	vadd.s32 v1, v20;
	_ =	sdelay $0x1  }
0x1d7: {  	v19 =	vadd.s32 v1, v19;
	_ =	sdelay $0x1  }
0x1d8: {  	s14 =	simm.s32 $0x6080  }
0x1d9: {  	[tilespmem:s14], [sflag:$0x1] =	stream.indirect_vreg.gather [hbm4b:s10+s11], $0x80, v20, vm0, $0xb8;
	[tilespmem:$0x1A080] =	vst v63  }
0x1da: {  	s15 =	simm.s32 $0x6C80  }
0x1db: {  	[tilespmem:s15], [sflag:$0x1] =	stream.indirect_vreg.gather [hbm4b:s10+s11], $0x80, v19, vm0, $0xb8;
	[tilespmem:$0x1A080] =	vst v63  }
0x1dc: {  	v19 =	vld [tilespmem:$0x50];
	_ =	sdelay $0x4  }
0x1dd: {  	v20 =	vshll.u32 v19, $0x3  }
0x1de: {  	v19 =	vand.u32 $0x7, v19;
	v20 =	vand.u32 $0xFFFFFFC0, v20  }
0x1df: {  	v19 =	vor.u32 v19, v20  }
0x1e0: {  	v20 =	vperm.xlane v19, v0;
	_ =	sdelay $0x1  }
0x1e1: {  	v19 =	vperm.xlane v19, v2;
	v20 =	vadd.s32 v1, v20;
	_ =	sdelay $0x1  }
0x1e2: {  	v19 =	vadd.s32 v1, v19;
	_ =	sdelay $0x1  }
0x1e3: {  	s19 =	simm.s32 $0x7880  }
0x1e4: {  	[tilespmem:s19], [sflag:$0x1] =	stream.indirect_vreg.gather [hbm4b:s10+s11], $0x80, v20, vm0, $0xb8;
	[tilespmem:$0x1A080] =	vst v63  }
0x1e5: {  	s20 =	simm.s32 $0x8480  }
0x1e6: {  	[tilespmem:s20], [sflag:$0x1] =	stream.indirect_vreg.gather [hbm4b:s10+s11], $0x80, v19, vm0, $0xb8;
	[tilespmem:$0x1A080] =	vst v63  }
0x1e7: {  	v19 =	vld [tilespmem:$0x60];
	_ =	sdelay $0x4  }
0x1e8: {  	v20 =	vshll.u32 v19, $0x3  }
0x1e9: {  	v19 =	vand.u32 $0x7, v19;
	v20 =	vand.u32 $0xFFFFFFC0, v20  }
0x1ea: {  	v19 =	vor.u32 v19, v20  }
0x1eb: {  	v20 =	vperm.xlane v19, v0;
	_ =	sdelay $0x1  }
0x1ec: {  	v19 =	vperm.xlane v19, v2;
	v20 =	vadd.s32 v1, v20;
	_ =	sdelay $0x1  }
0x1ed: {  	v19 =	vadd.s32 v1, v19;
	_ =	sdelay $0x1  }
0x1ee: {  	s21 =	simm.s32 $0x9080  }
0x1ef: {  	[tilespmem:s21], [sflag:$0x1] =	stream.indirect_vreg.gather [hbm4b:s10+s11], $0x80, v20, vm0, $0xb8;
	[tilespmem:$0x1A080] =	vst v63  }
0x1f0: {  	s22 =	simm.s32 $0x9C80  }
0x1f1: {  	[tilespmem:s22], [sflag:$0x1] =	stream.indirect_vreg.gather [hbm4b:s10+s11], $0x80, v19, vm0, $0xb8;
	[tilespmem:$0x1A080] =	vst v63  }
0x1f2: {  	v19 =	vld [tilespmem:$0x70];
	_ =	sdelay $0x4  }
0x1f3: {  	v20 =	vshll.u32 v19, $0x3  }
0x1f4: {  	v19 =	vand.u32 $0x7, v19;
	v20 =	vand.u32 $0xFFFFFFC0, v20  }
0x1f5: {  	v19 =	vor.u32 v19, v20  }
0x1f6: {  	v20 =	vperm.xlane v19, v0;
	_ =	sdelay $0x1  }
0x1f7: {  	v19 =	vperm.xlane v19, v2;
	v20 =	vadd.s32 v1, v20;
	_ =	sdelay $0x1  }
0x1f8: {  	v19 =	vadd.s32 v1, v19;
	_ =	sdelay $0x1  }
0x1f9: {  	s23 =	simm.s32 $0xA880;
	s25 =	rddreg [dreg:$0x7]  }
0x1fa: {  	[tilespmem:s23], [sflag:$0x1] =	stream.indirect_vreg.gather [hbm4b:s10+s11], $0x80, v20, vm0, $0xb8;
	[tilespmem:$0x1A080] =	vst v63  }
0x1fb: {  	s24 =	simm.s32 $0xB480;
	s13 =	sadd.s32 s7, s25;
	s14 =	simm.s32 $0x0  }
0x1fc: {  	[tilespmem:s24], [sflag:$0x1] =	stream.indirect_vreg.gather [hbm4b:s10+s11], $0x80, v19, vm0, $0xb8;
	[tilespmem:$0x1A080] =	vst v63  }
.LBB2_8:
0x1fd: {  	s9 =	sadd.s32 $0x0, s11  }
0x1fe: {  	v19 =	vmov s9  }
0x1ff: {  	v20 =	vshll.u32 v19, $0x3  }
0x200: {  	v19 =	vand.u32 $0x7F, v19;
	v20 =	vand.u32 $0x400, v20  }
0x201: {  	v24 =	vor.u32 v19, v20  }
0x202: {  	v19 =	vadd.s32 v3, v24;
	_ =	sdelay $0x1  }
0x203: {  	s21 =	sadd.s32 $0x1, s11  }
0x204: {  	v20 =	vmov s21  }
0x205: {  	v21 =	vshll.u32 v20, $0x3  }
0x206: {  	v20 =	vand.u32 $0x7F, v20;
	v21 =	vand.u32 $0x400, v21;
	v19 =	vld.idx.msk [tilespmem:v19+s0+$0x0], $0xffff  }
0x207: {  	v25 =	vor.u32 v20, v21;
	v20 =	vadd.s32 v4, v24  }
0x208: {  	v21 =	vadd.s32 v3, v25;
	_ =	sdelay $0x1  }
0x209: {  	s22 =	sadd.s32 $0x2, s11;
	s21 =	simm.s32 $0x180C0  }
0x20a: {  	[tilespmem:s21+$0xFFFFFFC0] =	vst v19;
	v19 =	vmov s22  }
0x20b: {  	v20 =	vld.idx.msk [tilespmem:v20+s0+$0x0], $0xffff;
	v22 =	vshll.u32 v19, $0x3  }
0x20c: {  	v23 =	vld.idx.msk [tilespmem:v21+s0+$0x0], $0xffff;
	v19 =	vand.u32 $0x7F, v19;
	v21 =	vand.u32 $0x400, v22;
	v22 =	vadd.s32 v5, v24  }
0x20d: {  	v21 =	vor.u32 v19, v21;
	v19 =	vadd.s32 v4, v25  }
0x20e: {  	v26 =	vadd.s32 v3, v21;
	_ =	sdelay $0x1  }
0x20f: {  	s20 =	simm.s32 $0x18140;
	s23 =	sadd.s32 $0x3, s11;
	[tilespmem:s21+$0xFFFFFFD0] =	vst v20  }
0x210: {  	[tilespmem:s20+$0xFFFFFFC0] =	vst v23;
	v20 =	vld.idx.msk [tilespmem:v22+s0+$0x0], $0xffff;
	v22 =	vmov s23  }
0x211: {  	v27 =	vadd.s32 v6, v24;
	v23 =	vld.idx.msk [tilespmem:v19+s0+$0x0], $0xffff;
	v19 =	vshll.u32 v22, $0x3  }
0x212: {  	v28 =	vadd.s32 v5, v25;
	v22 =	vand.u32 $0x7F, v22;
	v26 =	vld.idx.msk [tilespmem:v26+s0+$0x0], $0xffff;
	v19 =	vand.u32 $0x400, v19  }
0x213: {  	v19 =	vor.u32 v22, v19;
	v22 =	vadd.s32 v4, v21  }
0x214: {  	v29 =	vadd.s32 v3, v19  }
0x215: {  	[tilespmem:s21+$0xFFFFFFE0] =	vst v20  }
0x216: {  	s19 =	simm.s32 $0x181C0;
	s24 =	sadd.s32 $0x4, s11;
	[tilespmem:s20+$0xFFFFFFD0] =	vst v23;
	v23 =	vld.idx.msk [tilespmem:v27+s0+$0x0], $0xffff  }
0x217: {  	v20 =	vmov s24;
	v27 =	vadd.s32 v7, v24;
	[tilespmem:s19+$0xFFFFFFC0] =	vst v26;
	v26 =	vld.idx.msk [tilespmem:v28+s0+$0x0], $0xffff  }
0x218: {  	v30 =	vadd.s32 v6, v25;
	v28 =	vshll.u32 v20, $0x3;
	v22 =	vld.idx.msk [tilespmem:v22+s0+$0x0], $0xffff  }
0x219: {  	v31 =	vadd.s32 v5, v21;
	v20 =	vand.u32 $0x7F, v20;
	v28 =	vand.u32 $0x400, v28;
	v29 =	vld.idx.msk [tilespmem:v29+s0+$0x0], $0xffff  }
0x21a: {  	v20 =	vor.u32 v20, v28;
	v28 =	vadd.s32 v4, v19  }
0x21b: {  	v32 =	vadd.s32 v3, v20;
	[tilespmem:s21+$0xFFFFFFF0] =	vst v23  }
0x21c: {  	[tilespmem:s20+$0xFFFFFFE0] =	vst v26;
	v23 =	vld.idx.msk [tilespmem:v27+s0+$0x0], $0xffff  }
0x21d: {  	s15 =	simm.s32 $0x18240;
	s25 =	sadd.s32 $0x5, s11;
	v27 =	vadd.s32 v8, v24;
	[tilespmem:s19+$0xFFFFFFD0] =	vst v22;
	v26 =	vld.idx.msk [tilespmem:v30+s0+$0x0], $0xffff  }
0x21e: {  	v22 =	vmov s25;
	v30 =	vadd.s32 v7, v25;
	[tilespmem:s15+$0xFFFFFFC0] =	vst v29;
	v29 =	vld.idx.msk [tilespmem:v31+s0+$0x0], $0xffff  }
0x21f: {  	v33 =	vadd.s32 v6, v21;
	v31 =	vshll.u32 v22, $0x3;
	v28 =	vld.idx.msk [tilespmem:v28+s0+$0x0], $0xffff  }
0x220: {  	v34 =	vadd.s32 v5, v19;
	v22 =	vand.u32 $0x7F, v22;
	v32 =	vld.idx.msk [tilespmem:v32+s0+$0x0], $0xffff;
	v31 =	vand.u32 $0x400, v31  }
0x221: {  	v22 =	vor.u32 v22, v31;
	v31 =	vadd.s32 v4, v20;
	[tilespmem:s21+$0x0] =	vst v23  }
0x222: {  	v23 =	vadd.s32 v3, v22;
	[tilespmem:s20+$0xFFFFFFF0] =	vst v26;
	v26 =	vld.idx.msk [tilespmem:v27+s0+$0x0], $0xffff  }
0x223: {  	[tilespmem:s19+$0xFFFFFFE0] =	vst v29;
	v27 =	vld.idx.msk [tilespmem:v30+s0+$0x0], $0xffff;
	v29 =	vadd.s32 v9, v24  }
0x224: {  	s9 =	simm.s32 $0x182C0;
	v30 =	vadd.s32 v8, v25;
	[tilespmem:s15+$0xFFFFFFD0] =	vst v28;
	v28 =	vld.idx.msk [tilespmem:v33+s0+$0x0], $0xffff  }
0x225: {  	s22 =	sadd.s32 $0x6, s11;
	v57 =	vadd.s32 v7, v21;
	[tilespmem:s9+$0xFFFFFFC0] =	vst v32;
	v55 =	vld.idx.msk [tilespmem:v34+s0+$0x0], $0xffff  }
0x226: {  	v56 =	vmov s22;
	v36 =	vadd.s32 v6, v19;
	v31 =	vld.idx.msk [tilespmem:v31+s0+$0x0], $0xffff  }
0x227: {  	v35 =	vshll.u32 v56, $0x3;
	v59 =	vadd.s32 v5, v20;
	v37 =	vld.idx.msk [tilespmem:v23+s0+$0x0], $0xffff;
	[tilespmem:s21+$0x10] =	vst v26  }
0x228: {  	v58 =	vand.u32 $0x400, v35;
	v23 =	vand.u32 $0x7F, v56;
	v26 =	vadd.s32 v4, v22;
	[tilespmem:s20+$0x0] =	vst v27;
	v27 =	vld.idx.msk [tilespmem:v29+s0+$0x0], $0xffff  }
0x229: {  	v24 =	vadd.s32 v10, v24;
	v23 =	vor.u32 v23, v58;
	[tilespmem:s19+$0xFFFFFFF0] =	vst v28;
	v28 =	vld.idx.msk [tilespmem:v30+s0+$0x0], $0xffff  }
0x22a: {  	v29 =	vadd.s32 v3, v23;
	[tilespmem:s15+$0xFFFFFFE0] =	vst v55;
	v30 =	vld.idx.msk [tilespmem:v57+s0+$0x0], $0xffff  }
0x22b: {  	s22 =	simm.s32 $0x18340;
	[tilespmem:s9+$0xFFFFFFD0] =	vst v31;
	v31 =	vadd.s32 v9, v25;
	v60 =	vld.idx.msk [tilespmem:v36+s0+$0x0], $0xffff  }
0x22c: {  	v61 =	vadd.s32 v8, v21;
	s23 =	sadd.s32 $0x7, s11;
	[tilespmem:s22+$0xFFFFFFC0] =	vst v37;
	v35 =	vld.idx.msk [tilespmem:v59+s0+$0x0], $0xffff  }
0x22d: {  	v62 =	vld.idx.msk [tilespmem:v26+s0+$0x0], $0xffff;
	v26 =	vadd.s32 v7, v19;
	[tilespmem:s21+$0x20] =	vst v27;
	v27 =	vmov s23  }
0x22e: {  	v38 =	vadd.s32 v6, v20;
	[tilespmem:s20+$0x10] =	vst v28;
	v32 =	vld.idx.msk [tilespmem:v24+s0+$0x0], $0xffff;
	v24 =	vshll.u32 v27, $0x3  }
0x22f: {  	v39 =	vadd.s32 v5, v22;
	v63 =	vld.idx.msk [tilespmem:v29+s0+$0x0], $0xffff;
	v27 =	vand.u32 $0x7F, v27;
	[tilespmem:s19+$0x0] =	vst v30;
	v24 =	vand.u32 $0x400, v24  }
0x230: {  	v34 =	vadd.s32 v4, v23;
	v31 =	vld.idx.msk [tilespmem:v31+s0+$0x0], $0xffff;
	[tilespmem:s15+$0xFFFFFFF0] =	vst v60;
	v24 =	vor.u32 v27, v24  }
0x231: {  	v29 =	vld.idx.msk [tilespmem:v61+s0+$0x0], $0xffff;
	[tilespmem:s9+$0xFFFFFFE0] =	vst v35;
	v35 =	vadd.s32 v3, v24  }
0x232: {  	v27 =	vadd.s32 v10, v25;
	v26 =	vld.idx.msk [tilespmem:v26+s0+$0x0], $0xffff  }
0x233: {  	s23 =	simm.s32 $0x183C0;
	v30 =	vadd.s32 v9, v21;
	[tilespmem:s22+$0xFFFFFFD0] =	vst v62;
	v28 =	vld.idx.msk [tilespmem:v38+s0+$0x0], $0xffff  }
0x234: {  	s24 =	simm.s32 $0x9;
	s25 =	sadd.s32 $0x8, s11;
	v25 =	vadd.s32 v8, v19;
	[tilespmem:s23+$0xFFFFFFC0] =	vst v63;
	v33 =	vld.idx.msk [tilespmem:v39+s0+$0x0], $0xffff  }
.LBB2_9:
0x235: {  	p0 =	sne.s32 s24, $0x3F;
	v36 =	vmov s25;
	v37 =	vld.idx.msk [tilespmem:v34+s0+$0x0], $0xffff;
	v38 =	vadd.s32 v7, v20;
	[tilespmem:s21+$0x30] =	vst v32;
	s21 =	smov.u32 s20;
	s20 =	smov.u32 s19  }
0x236: {  	v40 =	vadd.s32 v6, v22;
	s19 =	smov.u32 s15;
	s15 =	smov.u32 s9;
	s9 =	smov.u32 s22;
	v32 =	vshll.u32 v36, $0x3;
	v39 =	vld.idx.msk [tilespmem:v35+s0+$0x0], $0xffff;
	[tilespmem:s21+$0x20] =	vst v31  }
0x237: {  	s22 =	smov.u32 s23;
	v31 =	vand.u32 $0x7F, v36;
	v36 =	vadd.s32 v5, v23;
	v34 =	vand.u32 $0x400, v32;
	[tilespmem:s20+$0x10] =	vst v29;
	v32 =	vld.idx.msk [tilespmem:v27+s0+$0x0], $0xffff  }
.Ltmp7:
0x238: {  	v41 =	vor.u32 v31, v34;
	v34 =	vadd.s32 v4, v24;
	[tilespmem:s19+$0x0] =	vst v26;
	v31 =	vld.idx.msk [tilespmem:v30+s0+$0x0], $0xffff;
	(pc) =	sbr.rel @p0 .LBB2_9-.Ltmp7, $4  }
0x239: {  	v35 =	vadd.s32 v3, v41;
	[tilespmem:s15+$0xFFFFFFF0] =	vst v28;
	v29 =	vld.idx.msk [tilespmem:v25+s0+$0x0], $0xffff  }
0x23a: {  	v27 =	vadd.s32 v10, v21;
	v21 =	vmovc v19;
	v19 =	vmov v20;
	v20 =	vmov v22;
	[tilespmem:s9+$0xFFFFFFE0] =	vst v33;
	v26 =	vld.idx.msk [tilespmem:v38+s0+$0x0], $0xffff  }
0x23b: {  	s23 =	sadd.s32 $0x80, s23;
	v22 =	vmovc v23;
	v23 =	vmov v24;
	v30 =	vadd.s32 v9, v21;
	v24 =	vmov v41;
	[tilespmem:s22+$0xFFFFFFD0] =	vst v37;
	v28 =	vld.idx.msk [tilespmem:v40+s0+$0x0], $0xffff  }
0x23c: {  	s25 =	sadd.s32 s24, s11;
	s24 =	sadd.s32 $0x1, s24;
	v25 =	vadd.s32 v8, v19;
	[tilespmem:s23+$0xFFFFFFC0] =	vst v39;
	v33 =	vld.idx.msk [tilespmem:v36+s0+$0x0], $0xffff  }
0x23d: {  	v36 =	vmov s25  }
0x23e: {  	v37 =	vshll.u32 v36, $0x3  }
0x23f: {  	v36 =	vand.u32 $0x7F, v36;
	v37 =	vand.u32 $0x400, v37  }
0x240: {  	v36 =	vor.u32 v36, v37  }
0x241: {  	v37 =	vadd.s32 v3, v36;
	_ =	sdelay $0x3  }
0x242: {  	v35 =	vld.idx.msk [tilespmem:v35+s0+$0x0], $0xffff  }
0x243: {  	v38 =	vadd.s32 v4, v24;
	v37 =	vld.idx.msk [tilespmem:v37+s0+$0x0], $0xffff  }
0x244: {  	v39 =	vadd.s32 v4, v36;
	_ =	sdelay $0x1  }
0x245: {  	s24 =	sadd.s32 $0x80, s23;
	v34 =	vld.idx.msk [tilespmem:v34+s0+$0x0], $0xffff  }
0x246: {  	v57 =	vadd.s32 v5, v23;
	s25 =	sadd.s32 $0x80, s24;
	[tilespmem:s24+$0xFFFFFFC0] =	vst v35  }
0x247: {  	v58 =	vld.idx.msk [tilespmem:v38+s0+$0x0], $0xffff;
	[tilespmem:s25+$0xFFFFFFC0] =	vst v37  }
0x248: {  	[tilespmem:s21+$0x30] =	vst v32;
	v59 =	vadd.s32 v5, v24;
	v60 =	vld.idx.msk [tilespmem:v39+s0+$0x0], $0xffff  }
0x249: {  	[tilespmem:s20+$0x20] =	vst v31;
	v61 =	vadd.s32 v5, v36  }
0x24a: {  	[tilespmem:s23+$0xFFFFFFD0] =	vst v34  }
0x24b: {  	v62 =	vadd.s32 v6, v22;
	[tilespmem:s19+$0x10] =	vst v29;
	v34 =	vld.idx.msk [tilespmem:v57+s0+$0x0], $0xffff  }
0x24c: {  	v63 =	vadd.s32 v6, v23;
	[tilespmem:s24+$0xFFFFFFD0] =	vst v58  }
0x24d: {  	v32 =	vld.idx.msk [tilespmem:v59+s0+$0x0], $0xffff;
	[tilespmem:s25+$0xFFFFFFD0] =	vst v60  }
0x24e: {  	[tilespmem:s15+$0x0] =	vst v26;
	v37 =	vadd.s32 v6, v24;
	v31 =	vld.idx.msk [tilespmem:v61+s0+$0x0], $0xffff  }
0x24f: {  	v27 =	vld.idx.msk [tilespmem:v27+s0+$0x0], $0xffff;
	[tilespmem:s22+$0xFFFFFFE0] =	vst v33;
	v38 =	vadd.s32 v6, v36  }
0x250: {  	v29 =	vld.idx.msk [tilespmem:v62+s0+$0x0], $0xffff;
	[tilespmem:s23+$0xFFFFFFE0] =	vst v34  }
0x251: {  	v40 =	vadd.s32 v7, v22;
	[tilespmem:s9+$0xFFFFFFF0] =	vst v28;
	v35 =	vld.idx.msk [tilespmem:v63+s0+$0x0], $0xffff  }
0x252: {  	v41 =	vadd.s32 v7, v23;
	v30 =	vld.idx.msk [tilespmem:v30+s0+$0x0], $0xffff;
	[tilespmem:s24+$0xFFFFFFE0] =	vst v32  }
0x253: {  	v39 =	vadd.s32 v7, v20;
	v26 =	vld.idx.msk [tilespmem:v37+s0+$0x0], $0xffff;
	[tilespmem:s25+$0xFFFFFFE0] =	vst v31  }
0x254: {  	v42 =	vadd.s32 v7, v24;
	[tilespmem:s20+$0x30] =	vst v27;
	v28 =	vld.idx.msk [tilespmem:v38+s0+$0x0], $0xffff  }
0x255: {  	v25 =	vld.idx.msk [tilespmem:v25+s0+$0x0], $0xffff;
	v43 =	vadd.s32 v7, v36;
	[tilespmem:s22+$0xFFFFFFF0] =	vst v29  }
0x256: {  	v21 =	vadd.s32 v10, v21;
	v46 =	vld.idx.msk [tilespmem:v40+s0+$0x0], $0xffff;
	[tilespmem:s23+$0xFFFFFFF0] =	vst v35  }
0x257: {  	v47 =	vadd.s32 v8, v22;
	[tilespmem:s19+$0x20] =	vst v30;
	v32 =	vld.idx.msk [tilespmem:v41+s0+$0x0], $0xffff  }
0x258: {  	v48 =	vadd.s32 v8, v23;
	v44 =	vld.idx.msk [tilespmem:v39+s0+$0x0], $0xffff;
	[tilespmem:s24+$0xFFFFFFF0] =	vst v26  }
0x259: {  	v45 =	vadd.s32 v8, v20;
	v27 =	vld.idx.msk [tilespmem:v42+s0+$0x0], $0xffff;
	[tilespmem:s25+$0xFFFFFFF0] =	vst v28  }
0x25a: {  	v49 =	vadd.s32 v8, v24;
	[tilespmem:s15+$0x10] =	vst v25;
	v28 =	vld.idx.msk [tilespmem:v43+s0+$0x0], $0xffff  }
0x25b: {  	v50 =	vadd.s32 v8, v36;
	v21 =	vld.idx.msk [tilespmem:v21+s0+$0x0], $0xffff;
	[tilespmem:s22+$0x0] =	vst v46  }
0x25c: {  	v51 =	vadd.s32 v9, v19;
	v34 =	vld.idx.msk [tilespmem:v47+s0+$0x0], $0xffff;
	[tilespmem:s23+$0x0] =	vst v32  }
0x25d: {  	v53 =	vadd.s32 v9, v22;
	v26 =	vld.idx.msk [tilespmem:v48+s0+$0x0], $0xffff;
	[tilespmem:s9+$0x0] =	vst v44  }
0x25e: {  	v54 =	vadd.s32 v9, v23;
	v29 =	vld.idx.msk [tilespmem:v45+s0+$0x0], $0xffff;
	[tilespmem:s24+$0x0] =	vst v27  }
0x25f: {  	v52 =	vadd.s32 v9, v20;
	v25 =	vld.idx.msk [tilespmem:v49+s0+$0x0], $0xffff;
	[tilespmem:s25+$0x0] =	vst v28  }
0x260: {  	v55 =	vadd.s32 v9, v24;
	[tilespmem:s19+$0x30] =	vst v21;
	v28 =	vld.idx.msk [tilespmem:v50+s0+$0x0], $0xffff  }
0x261: {  	v57 =	vadd.s32 v9, v36;
	v56 =	vld.idx.msk [tilespmem:v51+s0+$0x0], $0xffff;
	[tilespmem:s22+$0x10] =	vst v34  }
0x262: {  	v19 =	vadd.s32 v10, v19;
	v32 =	vld.idx.msk [tilespmem:v53+s0+$0x0], $0xffff;
	[tilespmem:s23+$0x10] =	vst v26  }
0x263: {  	v59 =	vadd.s32 v10, v22;
	v26 =	vld.idx.msk [tilespmem:v54+s0+$0x0], $0xffff;
	[tilespmem:s9+$0x10] =	vst v29  }
0x264: {  	v60 =	vadd.s32 v10, v23;
	v58 =	vld.idx.msk [tilespmem:v52+s0+$0x0], $0xffff;
	[tilespmem:s24+$0x10] =	vst v25  }
0x265: {  	v20 =	vadd.s32 v10, v20;
	v21 =	vld.idx.msk [tilespmem:v55+s0+$0x0], $0xffff;
	[tilespmem:s25+$0x10] =	vst v28  }
0x266: {  	[tilespmem:s15+$0x20] =	vst v56;
	v61 =	vadd.s32 v10, v24;
	v62 =	vld.idx.msk [tilespmem:v57+s0+$0x0], $0xffff  }
0x267: {  	v63 =	vadd.s32 v10, v36;
	v19 =	vld.idx.msk [tilespmem:v19+s0+$0x0], $0xffff;
	[tilespmem:s22+$0x20] =	vst v32  }
0x268: {  	v22 =	vld.idx.msk [tilespmem:v59+s0+$0x0], $0xffff;
	[tilespmem:s23+$0x20] =	vst v26  }
0x269: {  	v23 =	vld.idx.msk [tilespmem:v60+s0+$0x0], $0xffff;
	[tilespmem:s9+$0x20] =	vst v58  }
0x26a: {  	v20 =	vld.idx.msk [tilespmem:v20+s0+$0x0], $0xffff;
	[tilespmem:s24+$0x20] =	vst v21  }
0x26b: {  	v21 =	vld.idx.msk [tilespmem:v61+s0+$0x0], $0xffff;
	[tilespmem:s25+$0x20] =	vst v62  }
0x26c: {  	[tilespmem:s15+$0x30] =	vst v19;
	v19 =	vld.idx.msk [tilespmem:v63+s0+$0x0], $0xffff  }
0x26d: {  	[tilespmem:s22+$0x30] =	vst v22  }
0x26e: {  	s22 =	sshll.u32 s14, $0x10;
	[tilespmem:s23+$0x30] =	vst v23  }
0x26f: {  	s14 =	sadd.s32 $0x1, s14;
	[tilespmem:s9+$0x30] =	vst v20;
	s9 =	sadd.s32 s22, s13  }
0x270: {  	p0 =	sne.s32 s14, $0x4;
	s9 =	sshrl.u32 s9, $0x3;
	[tilespmem:s24+$0x30] =	vst v21  }
.Ltmp8:
0x271: {  	s9 =	sadd.s32 s2, s9;
	[tilespmem:s25+$0x30] =	vst v19;
	(pc) =	sbr.rel @p0 .LBB2_8-.Ltmp8, $4  }
0x272: {  	[hbm4b:s9+s29] =	stream.strided.scatter [tilespmem:s31], [sflag:$0x4], $0x2000, s30, s29, $0x38;
	[tilespmem:$0x1A080] =	vst v63  }
0x273: {  	_ =	swait.ge [sflag:s17], $0x2000  }
0x274: {  	[sflag:s17] =	ssyncset.done $0x0  }
0x275: {  	s11 =	sadd.s32 $0x40, s11;
	[sflag:s17] =	ssyncadd.s32 $0xFFFFE000  }
0x276: {  	_ =	swait.ge [sflag:s4], $0x8000  }
0x277: {  	[sflag:s4] =	ssyncset.done $0x0  }
0x278: {  	[sflag:s4] =	ssyncadd.s32 $0xFFFF8000  }
0x279: {  	v19 =	vld [tilespmem:$0x0];
	_ =	sdelay $0x4  }
0x27a: {  	v20 =	vshll.u32 v19, $0x3  }
0x27b: {  	v19 =	vand.u32 $0x7, v19;
	v20 =	vand.u32 $0xFFFFFFC0, v20  }
0x27c: {  	v19 =	vor.u32 v19, v20  }
0x27d: {  	v20 =	vperm.xlane v19, v0;
	_ =	sdelay $0x1  }
0x27e: {  	v19 =	vperm.xlane v19, v2;
	v20 =	vadd.s32 v1, v20;
	_ =	sdelay $0x1  }
0x27f: {  	v19 =	vadd.s32 v1, v19;
	_ =	sdelay $0x1  }
0x280: {  	s11 =	simm.s32 $0x0  }
0x281: {  	[tilespmem:s0], [sflag:$0x2] =	stream.indirect_vreg.gather [hbm4b:s12+s11], $0x80, v20, vm0, $0xb8;
	[tilespmem:$0x1A080] =	vst v63  }
0x282: {  	s9 =	simm.s32 $0xCC80  }
0x283: {  	[tilespmem:s9], [sflag:$0x2] =	stream.indirect_vreg.gather [hbm4b:s12+s11], $0x80, v19, vm0, $0xb8;
	[tilespmem:$0x1A080] =	vst v63  }
0x284: {  	v19 =	vld [tilespmem:$0x10];
	_ =	sdelay $0x4  }
0x285: {  	v20 =	vshll.u32 v19, $0x3  }
0x286: {  	v19 =	vand.u32 $0x7, v19;
	v20 =	vand.u32 $0xFFFFFFC0, v20  }
0x287: {  	v19 =	vor.u32 v19, v20  }
0x288: {  	v20 =	vperm.xlane v19, v0;
	_ =	sdelay $0x1  }
0x289: {  	v19 =	vperm.xlane v19, v2;
	v20 =	vadd.s32 v1, v20;
	_ =	sdelay $0x1  }
0x28a: {  	v19 =	vadd.s32 v1, v19;
	_ =	sdelay $0x1  }
0x28b: {  	s23 =	simm.s32 $0xD880  }
0x28c: {  	[tilespmem:s23], [sflag:$0x2] =	stream.indirect_vreg.gather [hbm4b:s12+s11], $0x80, v20, vm0, $0xb8;
	[tilespmem:$0x1A080] =	vst v63  }
0x28d: {  	s24 =	simm.s32 $0xE480  }
0x28e: {  	[tilespmem:s24], [sflag:$0x2] =	stream.indirect_vreg.gather [hbm4b:s12+s11], $0x80, v19, vm0, $0xb8;
	[tilespmem:$0x1A080] =	vst v63  }
0x28f: {  	v19 =	vld [tilespmem:$0x20];
	_ =	sdelay $0x4  }
0x290: {  	v20 =	vshll.u32 v19, $0x3  }
0x291: {  	v19 =	vand.u32 $0x7, v19;
	v20 =	vand.u32 $0xFFFFFFC0, v20  }
0x292: {  	v19 =	vor.u32 v19, v20  }
0x293: {  	v20 =	vperm.xlane v19, v0;
	_ =	sdelay $0x1  }
0x294: {  	v19 =	vperm.xlane v19, v2;
	v20 =	vadd.s32 v1, v20;
	_ =	sdelay $0x1  }
0x295: {  	v19 =	vadd.s32 v1, v19;
	_ =	sdelay $0x1  }
0x296: {  	s25 =	simm.s32 $0xF080  }
0x297: {  	[tilespmem:s25], [sflag:$0x2] =	stream.indirect_vreg.gather [hbm4b:s12+s11], $0x80, v20, vm0, $0xb8;
	[tilespmem:$0x1A080] =	vst v63  }
0x298: {  	s13 =	simm.s32 $0xFC80  }
0x299: {  	[tilespmem:s13], [sflag:$0x2] =	stream.indirect_vreg.gather [hbm4b:s12+s11], $0x80, v19, vm0, $0xb8;
	[tilespmem:$0x1A080] =	vst v63  }
0x29a: {  	v19 =	vld [tilespmem:$0x30];
	_ =	sdelay $0x4  }
0x29b: {  	v20 =	vshll.u32 v19, $0x3  }
0x29c: {  	v19 =	vand.u32 $0x7, v19;
	v20 =	vand.u32 $0xFFFFFFC0, v20  }
0x29d: {  	v19 =	vor.u32 v19, v20  }
0x29e: {  	v20 =	vperm.xlane v19, v0;
	_ =	sdelay $0x1  }
0x29f: {  	v19 =	vperm.xlane v19, v2;
	v20 =	vadd.s32 v1, v20;
	_ =	sdelay $0x1  }
0x2a0: {  	v19 =	vadd.s32 v1, v19;
	_ =	sdelay $0x1  }
0x2a1: {  	s14 =	simm.s32 $0x10880  }
0x2a2: {  	[tilespmem:s14], [sflag:$0x2] =	stream.indirect_vreg.gather [hbm4b:s12+s11], $0x80, v20, vm0, $0xb8;
	[tilespmem:$0x1A080] =	vst v63  }
0x2a3: {  	s15 =	simm.s32 $0x11480  }
0x2a4: {  	[tilespmem:s15], [sflag:$0x2] =	stream.indirect_vreg.gather [hbm4b:s12+s11], $0x80, v19, vm0, $0xb8;
	[tilespmem:$0x1A080] =	vst v63  }
0x2a5: {  	v19 =	vld [tilespmem:$0x40];
	_ =	sdelay $0x4  }
0x2a6: {  	v20 =	vshll.u32 v19, $0x3  }
0x2a7: {  	v19 =	vand.u32 $0x7, v19;
	v20 =	vand.u32 $0xFFFFFFC0, v20  }
0x2a8: {  	v19 =	vor.u32 v19, v20  }
0x2a9: {  	v20 =	vperm.xlane v19, v0;
	_ =	sdelay $0x1  }
0x2aa: {  	v19 =	vperm.xlane v19, v2;
	v20 =	vadd.s32 v1, v20;
	_ =	sdelay $0x1  }
0x2ab: {  	v19 =	vadd.s32 v1, v19;
	_ =	sdelay $0x1  }
0x2ac: {  	s19 =	simm.s32 $0x12080  }
0x2ad: {  	[tilespmem:s19], [sflag:$0x2] =	stream.indirect_vreg.gather [hbm4b:s12+s11], $0x80, v20, vm0, $0xb8;
	[tilespmem:$0x1A080] =	vst v63  }
0x2ae: {  	s20 =	simm.s32 $0x12C80  }
0x2af: {  	[tilespmem:s20], [sflag:$0x2] =	stream.indirect_vreg.gather [hbm4b:s12+s11], $0x80, v19, vm0, $0xb8;
	[tilespmem:$0x1A080] =	vst v63  }
0x2b0: {  	v19 =	vld [tilespmem:$0x50];
	_ =	sdelay $0x4  }
0x2b1: {  	v20 =	vshll.u32 v19, $0x3  }
0x2b2: {  	v19 =	vand.u32 $0x7, v19;
	v20 =	vand.u32 $0xFFFFFFC0, v20  }
0x2b3: {  	v19 =	vor.u32 v19, v20  }
0x2b4: {  	v20 =	vperm.xlane v19, v0;
	_ =	sdelay $0x1  }
0x2b5: {  	v19 =	vperm.xlane v19, v2;
	v20 =	vadd.s32 v1, v20;
	_ =	sdelay $0x1  }
0x2b6: {  	v19 =	vadd.s32 v1, v19;
	_ =	sdelay $0x1  }
0x2b7: {  	s21 =	simm.s32 $0x13880  }
0x2b8: {  	[tilespmem:s21], [sflag:$0x2] =	stream.indirect_vreg.gather [hbm4b:s12+s11], $0x80, v20, vm0, $0xb8;
	[tilespmem:$0x1A080] =	vst v63  }
0x2b9: {  	s22 =	simm.s32 $0x14480  }
0x2ba: {  	[tilespmem:s22], [sflag:$0x2] =	stream.indirect_vreg.gather [hbm4b:s12+s11], $0x80, v19, vm0, $0xb8;
	[tilespmem:$0x1A080] =	vst v63  }
0x2bb: {  	v19 =	vld [tilespmem:$0x60];
	_ =	sdelay $0x4  }
0x2bc: {  	v20 =	vshll.u32 v19, $0x3  }
0x2bd: {  	v19 =	vand.u32 $0x7, v19;
	v20 =	vand.u32 $0xFFFFFFC0, v20  }
0x2be: {  	v19 =	vor.u32 v19, v20  }
0x2bf: {  	v20 =	vperm.xlane v19, v0;
	_ =	sdelay $0x1  }
0x2c0: {  	v19 =	vperm.xlane v19, v2;
	v20 =	vadd.s32 v1, v20;
	_ =	sdelay $0x1  }
0x2c1: {  	v19 =	vadd.s32 v1, v19;
	_ =	sdelay $0x1  }
0x2c2: {  	s23 =	simm.s32 $0x15080  }
0x2c3: {  	[tilespmem:s23], [sflag:$0x2] =	stream.indirect_vreg.gather [hbm4b:s12+s11], $0x80, v20, vm0, $0xb8;
	[tilespmem:$0x1A080] =	vst v63  }
0x2c4: {  	s24 =	simm.s32 $0x15C80  }
0x2c5: {  	[tilespmem:s24], [sflag:$0x2] =	stream.indirect_vreg.gather [hbm4b:s12+s11], $0x80, v19, vm0, $0xb8;
	[tilespmem:$0x1A080] =	vst v63  }
0x2c6: {  	v19 =	vld [tilespmem:$0x70];
	_ =	sdelay $0x4  }
0x2c7: {  	v20 =	vshll.u32 v19, $0x3  }
0x2c8: {  	v19 =	vand.u32 $0x7, v19;
	v20 =	vand.u32 $0xFFFFFFC0, v20  }
0x2c9: {  	v19 =	vor.u32 v19, v20  }
0x2ca: {  	v20 =	vperm.xlane v19, v0;
	_ =	sdelay $0x1  }
0x2cb: {  	v19 =	vperm.xlane v19, v2;
	v20 =	vadd.s32 v1, v20;
	_ =	sdelay $0x1  }
0x2cc: {  	v19 =	vadd.s32 v1, v19;
	_ =	sdelay $0x1  }
0x2cd: {  	s25 =	rddreg [dreg:$0x8]  }
0x2ce: {  	[tilespmem:s26], [sflag:$0x2] =	stream.indirect_vreg.gather [hbm4b:s12+s11], $0x80, v20, vm0, $0xb8;
	[tilespmem:$0x1A080] =	vst v63  }
0x2cf: {  	s13 =	sadd.s32 s7, s25;
	s14 =	simm.s32 $0x0  }
0x2d0: {  	[tilespmem:s28], [sflag:$0x2] =	stream.indirect_vreg.gather [hbm4b:s12+s11], $0x80, v19, vm0, $0xb8;
	[tilespmem:$0x1A080] =	vst v63  }
.LBB2_12:
0x2d1: {  	s9 =	sadd.s32 $0x0, s11  }
0x2d2: {  	v19 =	vmov s9  }
0x2d3: {  	v20 =	vshll.u32 v19, $0x3  }
0x2d4: {  	v19 =	vand.u32 $0x7F, v19;
	v20 =	vand.u32 $0x400, v20  }
0x2d5: {  	v24 =	vor.u32 v19, v20  }
0x2d6: {  	v19 =	vadd.s32 v3, v24;
	_ =	sdelay $0x1  }
0x2d7: {  	s21 =	sadd.s32 $0x1, s11  }
0x2d8: {  	v20 =	vmov s21  }
0x2d9: {  	v21 =	vshll.u32 v20, $0x3  }
0x2da: {  	v20 =	vand.u32 $0x7F, v20;
	v21 =	vand.u32 $0x400, v21;
	v19 =	vld.idx.msk [tilespmem:v19+s18+$0x0], $0xffff  }
0x2db: {  	v25 =	vor.u32 v20, v21;
	v20 =	vadd.s32 v4, v24  }
0x2dc: {  	v21 =	vadd.s32 v3, v25;
	_ =	sdelay $0x1  }
0x2dd: {  	s22 =	sadd.s32 $0x2, s11;
	s21 =	simm.s32 $0x180C0  }
0x2de: {  	[tilespmem:s21+$0xFFFFFFC0] =	vst v19;
	v19 =	vmov s22  }
0x2df: {  	v20 =	vld.idx.msk [tilespmem:v20+s18+$0x0], $0xffff;
	v22 =	vshll.u32 v19, $0x3  }
0x2e0: {  	v23 =	vld.idx.msk [tilespmem:v21+s18+$0x0], $0xffff;
	v19 =	vand.u32 $0x7F, v19;
	v21 =	vand.u32 $0x400, v22;
	v22 =	vadd.s32 v5, v24  }
0x2e1: {  	v21 =	vor.u32 v19, v21;
	v19 =	vadd.s32 v4, v25  }
0x2e2: {  	v26 =	vadd.s32 v3, v21;
	_ =	sdelay $0x1  }
0x2e3: {  	s20 =	simm.s32 $0x18140;
	s23 =	sadd.s32 $0x3, s11;
	[tilespmem:s21+$0xFFFFFFD0] =	vst v20  }
0x2e4: {  	[tilespmem:s20+$0xFFFFFFC0] =	vst v23;
	v20 =	vld.idx.msk [tilespmem:v22+s18+$0x0], $0xffff;
	v22 =	vmov s23  }
0x2e5: {  	v27 =	vadd.s32 v6, v24;
	v23 =	vld.idx.msk [tilespmem:v19+s18+$0x0], $0xffff;
	v19 =	vshll.u32 v22, $0x3  }
0x2e6: {  	v28 =	vadd.s32 v5, v25;
	v22 =	vand.u32 $0x7F, v22;
	v26 =	vld.idx.msk [tilespmem:v26+s18+$0x0], $0xffff;
	v19 =	vand.u32 $0x400, v19  }
0x2e7: {  	v19 =	vor.u32 v22, v19;
	v22 =	vadd.s32 v4, v21  }
0x2e8: {  	v29 =	vadd.s32 v3, v19  }
0x2e9: {  	[tilespmem:s21+$0xFFFFFFE0] =	vst v20  }
0x2ea: {  	s19 =	simm.s32 $0x181C0;
	s24 =	sadd.s32 $0x4, s11;
	[tilespmem:s20+$0xFFFFFFD0] =	vst v23;
	v23 =	vld.idx.msk [tilespmem:v27+s18+$0x0], $0xffff  }
0x2eb: {  	v20 =	vmov s24;
	v27 =	vadd.s32 v7, v24;
	[tilespmem:s19+$0xFFFFFFC0] =	vst v26;
	v26 =	vld.idx.msk [tilespmem:v28+s18+$0x0], $0xffff  }
0x2ec: {  	v30 =	vadd.s32 v6, v25;
	v28 =	vshll.u32 v20, $0x3;
	v22 =	vld.idx.msk [tilespmem:v22+s18+$0x0], $0xffff  }
0x2ed: {  	v31 =	vadd.s32 v5, v21;
	v20 =	vand.u32 $0x7F, v20;
	v28 =	vand.u32 $0x400, v28;
	v29 =	vld.idx.msk [tilespmem:v29+s18+$0x0], $0xffff  }
0x2ee: {  	v20 =	vor.u32 v20, v28;
	v28 =	vadd.s32 v4, v19  }
0x2ef: {  	v32 =	vadd.s32 v3, v20;
	[tilespmem:s21+$0xFFFFFFF0] =	vst v23  }
0x2f0: {  	[tilespmem:s20+$0xFFFFFFE0] =	vst v26;
	v23 =	vld.idx.msk [tilespmem:v27+s18+$0x0], $0xffff  }
0x2f1: {  	s15 =	simm.s32 $0x18240;
	s25 =	sadd.s32 $0x5, s11;
	v27 =	vadd.s32 v8, v24;
	[tilespmem:s19+$0xFFFFFFD0] =	vst v22;
	v26 =	vld.idx.msk [tilespmem:v30+s18+$0x0], $0xffff  }
0x2f2: {  	v22 =	vmov s25;
	v30 =	vadd.s32 v7, v25;
	[tilespmem:s15+$0xFFFFFFC0] =	vst v29;
	v29 =	vld.idx.msk [tilespmem:v31+s18+$0x0], $0xffff  }
0x2f3: {  	v33 =	vadd.s32 v6, v21;
	v31 =	vshll.u32 v22, $0x3;
	v28 =	vld.idx.msk [tilespmem:v28+s18+$0x0], $0xffff  }
0x2f4: {  	v34 =	vadd.s32 v5, v19;
	v22 =	vand.u32 $0x7F, v22;
	v32 =	vld.idx.msk [tilespmem:v32+s18+$0x0], $0xffff;
	v31 =	vand.u32 $0x400, v31  }
0x2f5: {  	v22 =	vor.u32 v22, v31;
	v31 =	vadd.s32 v4, v20;
	[tilespmem:s21+$0x0] =	vst v23  }
0x2f6: {  	v23 =	vadd.s32 v3, v22;
	[tilespmem:s20+$0xFFFFFFF0] =	vst v26;
	v26 =	vld.idx.msk [tilespmem:v27+s18+$0x0], $0xffff  }
0x2f7: {  	[tilespmem:s19+$0xFFFFFFE0] =	vst v29;
	v27 =	vld.idx.msk [tilespmem:v30+s18+$0x0], $0xffff;
	v29 =	vadd.s32 v9, v24  }
0x2f8: {  	s9 =	simm.s32 $0x182C0;
	v30 =	vadd.s32 v8, v25;
	[tilespmem:s15+$0xFFFFFFD0] =	vst v28;
	v28 =	vld.idx.msk [tilespmem:v33+s18+$0x0], $0xffff  }
0x2f9: {  	s22 =	sadd.s32 $0x6, s11;
	v57 =	vadd.s32 v7, v21;
	[tilespmem:s9+$0xFFFFFFC0] =	vst v32;
	v55 =	vld.idx.msk [tilespmem:v34+s18+$0x0], $0xffff  }
0x2fa: {  	v56 =	vmov s22;
	v36 =	vadd.s32 v6, v19;
	v31 =	vld.idx.msk [tilespmem:v31+s18+$0x0], $0xffff  }
0x2fb: {  	v35 =	vshll.u32 v56, $0x3;
	v59 =	vadd.s32 v5, v20;
	v37 =	vld.idx.msk [tilespmem:v23+s18+$0x0], $0xffff;
	[tilespmem:s21+$0x10] =	vst v26  }
0x2fc: {  	v58 =	vand.u32 $0x400, v35;
	v23 =	vand.u32 $0x7F, v56;
	v26 =	vadd.s32 v4, v22;
	[tilespmem:s20+$0x0] =	vst v27;
	v27 =	vld.idx.msk [tilespmem:v29+s18+$0x0], $0xffff  }
0x2fd: {  	v24 =	vadd.s32 v10, v24;
	v23 =	vor.u32 v23, v58;
	[tilespmem:s19+$0xFFFFFFF0] =	vst v28;
	v28 =	vld.idx.msk [tilespmem:v30+s18+$0x0], $0xffff  }
0x2fe: {  	v29 =	vadd.s32 v3, v23;
	[tilespmem:s15+$0xFFFFFFE0] =	vst v55;
	v30 =	vld.idx.msk [tilespmem:v57+s18+$0x0], $0xffff  }
0x2ff: {  	s22 =	simm.s32 $0x18340;
	[tilespmem:s9+$0xFFFFFFD0] =	vst v31;
	v31 =	vadd.s32 v9, v25;
	v60 =	vld.idx.msk [tilespmem:v36+s18+$0x0], $0xffff  }
0x300: {  	v61 =	vadd.s32 v8, v21;
	s23 =	sadd.s32 $0x7, s11;
	[tilespmem:s22+$0xFFFFFFC0] =	vst v37;
	v35 =	vld.idx.msk [tilespmem:v59+s18+$0x0], $0xffff  }
0x301: {  	v62 =	vld.idx.msk [tilespmem:v26+s18+$0x0], $0xffff;
	v26 =	vadd.s32 v7, v19;
	[tilespmem:s21+$0x20] =	vst v27;
	v27 =	vmov s23  }
0x302: {  	v38 =	vadd.s32 v6, v20;
	[tilespmem:s20+$0x10] =	vst v28;
	v32 =	vld.idx.msk [tilespmem:v24+s18+$0x0], $0xffff;
	v24 =	vshll.u32 v27, $0x3  }
0x303: {  	v39 =	vadd.s32 v5, v22;
	v63 =	vld.idx.msk [tilespmem:v29+s18+$0x0], $0xffff;
	v27 =	vand.u32 $0x7F, v27;
	[tilespmem:s19+$0x0] =	vst v30;
	v24 =	vand.u32 $0x400, v24  }
0x304: {  	v34 =	vadd.s32 v4, v23;
	v31 =	vld.idx.msk [tilespmem:v31+s18+$0x0], $0xffff;
	[tilespmem:s15+$0xFFFFFFF0] =	vst v60;
	v24 =	vor.u32 v27, v24  }
0x305: {  	v29 =	vld.idx.msk [tilespmem:v61+s18+$0x0], $0xffff;
	[tilespmem:s9+$0xFFFFFFE0] =	vst v35;
	v35 =	vadd.s32 v3, v24  }
0x306: {  	v27 =	vadd.s32 v10, v25;
	v26 =	vld.idx.msk [tilespmem:v26+s18+$0x0], $0xffff  }
0x307: {  	s23 =	simm.s32 $0x183C0;
	v30 =	vadd.s32 v9, v21;
	[tilespmem:s22+$0xFFFFFFD0] =	vst v62;
	v28 =	vld.idx.msk [tilespmem:v38+s18+$0x0], $0xffff  }
0x308: {  	s24 =	simm.s32 $0x9;
	s25 =	sadd.s32 $0x8, s11;
	v25 =	vadd.s32 v8, v19;
	[tilespmem:s23+$0xFFFFFFC0] =	vst v63;
	v33 =	vld.idx.msk [tilespmem:v39+s18+$0x0], $0xffff  }
.LBB2_13:
0x309: {  	p0 =	sne.s32 s24, $0x3F;
	v36 =	vmov s25;
	v37 =	vld.idx.msk [tilespmem:v34+s18+$0x0], $0xffff;
	v38 =	vadd.s32 v7, v20;
	[tilespmem:s21+$0x30] =	vst v32;
	s21 =	smov.u32 s20;
	s20 =	smov.u32 s19  }
0x30a: {  	v40 =	vadd.s32 v6, v22;
	s19 =	smov.u32 s15;
	s15 =	smov.u32 s9;
	s9 =	smov.u32 s22;
	v32 =	vshll.u32 v36, $0x3;
	v39 =	vld.idx.msk [tilespmem:v35+s18+$0x0], $0xffff;
	[tilespmem:s21+$0x20] =	vst v31  }
0x30b: {  	s22 =	smov.u32 s23;
	v31 =	vand.u32 $0x7F, v36;
	v36 =	vadd.s32 v5, v23;
	v34 =	vand.u32 $0x400, v32;
	[tilespmem:s20+$0x10] =	vst v29;
	v32 =	vld.idx.msk [tilespmem:v27+s18+$0x0], $0xffff  }
.Ltmp9:
0x30c: {  	v41 =	vor.u32 v31, v34;
	v34 =	vadd.s32 v4, v24;
	[tilespmem:s19+$0x0] =	vst v26;
	v31 =	vld.idx.msk [tilespmem:v30+s18+$0x0], $0xffff;
	(pc) =	sbr.rel @p0 .LBB2_13-.Ltmp9, $4  }
0x30d: {  	v35 =	vadd.s32 v3, v41;
	[tilespmem:s15+$0xFFFFFFF0] =	vst v28;
	v29 =	vld.idx.msk [tilespmem:v25+s18+$0x0], $0xffff  }
0x30e: {  	v27 =	vadd.s32 v10, v21;
	v21 =	vmovc v19;
	v19 =	vmov v20;
	v20 =	vmov v22;
	[tilespmem:s9+$0xFFFFFFE0] =	vst v33;
	v26 =	vld.idx.msk [tilespmem:v38+s18+$0x0], $0xffff  }
0x30f: {  	s23 =	sadd.s32 $0x80, s23;
	v22 =	vmovc v23;
	v23 =	vmov v24;
	v30 =	vadd.s32 v9, v21;
	v24 =	vmov v41;
	[tilespmem:s22+$0xFFFFFFD0] =	vst v37;
	v28 =	vld.idx.msk [tilespmem:v40+s18+$0x0], $0xffff  }
0x310: {  	s25 =	sadd.s32 s24, s11;
	s24 =	sadd.s32 $0x1, s24;
	v25 =	vadd.s32 v8, v19;
	[tilespmem:s23+$0xFFFFFFC0] =	vst v39;
	v33 =	vld.idx.msk [tilespmem:v36+s18+$0x0], $0xffff  }
0x311: {  	v36 =	vmov s25  }
0x312: {  	v37 =	vshll.u32 v36, $0x3  }
0x313: {  	v36 =	vand.u32 $0x7F, v36;
	v37 =	vand.u32 $0x400, v37  }
0x314: {  	v36 =	vor.u32 v36, v37  }
0x315: {  	v37 =	vadd.s32 v3, v36;
	_ =	sdelay $0x3  }
0x316: {  	v35 =	vld.idx.msk [tilespmem:v35+s18+$0x0], $0xffff  }
0x317: {  	v38 =	vadd.s32 v4, v24;
	v37 =	vld.idx.msk [tilespmem:v37+s18+$0x0], $0xffff  }
0x318: {  	v39 =	vadd.s32 v4, v36;
	_ =	sdelay $0x1  }
0x319: {  	s24 =	sadd.s32 $0x80, s23;
	v34 =	vld.idx.msk [tilespmem:v34+s18+$0x0], $0xffff  }
0x31a: {  	v57 =	vadd.s32 v5, v23;
	s25 =	sadd.s32 $0x80, s24;
	[tilespmem:s24+$0xFFFFFFC0] =	vst v35  }
0x31b: {  	v58 =	vld.idx.msk [tilespmem:v38+s18+$0x0], $0xffff;
	[tilespmem:s25+$0xFFFFFFC0] =	vst v37  }
0x31c: {  	[tilespmem:s21+$0x30] =	vst v32;
	v59 =	vadd.s32 v5, v24;
	v60 =	vld.idx.msk [tilespmem:v39+s18+$0x0], $0xffff  }
0x31d: {  	[tilespmem:s20+$0x20] =	vst v31;
	v61 =	vadd.s32 v5, v36  }
0x31e: {  	[tilespmem:s23+$0xFFFFFFD0] =	vst v34  }
0x31f: {  	v62 =	vadd.s32 v6, v22;
	[tilespmem:s19+$0x10] =	vst v29;
	v34 =	vld.idx.msk [tilespmem:v57+s18+$0x0], $0xffff  }
0x320: {  	v63 =	vadd.s32 v6, v23;
	[tilespmem:s24+$0xFFFFFFD0] =	vst v58  }
0x321: {  	v32 =	vld.idx.msk [tilespmem:v59+s18+$0x0], $0xffff;
	[tilespmem:s25+$0xFFFFFFD0] =	vst v60  }
0x322: {  	[tilespmem:s15+$0x0] =	vst v26;
	v37 =	vadd.s32 v6, v24;
	v31 =	vld.idx.msk [tilespmem:v61+s18+$0x0], $0xffff  }
0x323: {  	v27 =	vld.idx.msk [tilespmem:v27+s18+$0x0], $0xffff;
	[tilespmem:s22+$0xFFFFFFE0] =	vst v33;
	v38 =	vadd.s32 v6, v36  }
0x324: {  	v29 =	vld.idx.msk [tilespmem:v62+s18+$0x0], $0xffff;
	[tilespmem:s23+$0xFFFFFFE0] =	vst v34  }
0x325: {  	v40 =	vadd.s32 v7, v22;
	[tilespmem:s9+$0xFFFFFFF0] =	vst v28;
	v35 =	vld.idx.msk [tilespmem:v63+s18+$0x0], $0xffff  }
0x326: {  	v41 =	vadd.s32 v7, v23;
	v30 =	vld.idx.msk [tilespmem:v30+s18+$0x0], $0xffff;
	[tilespmem:s24+$0xFFFFFFE0] =	vst v32  }
0x327: {  	v39 =	vadd.s32 v7, v20;
	v26 =	vld.idx.msk [tilespmem:v37+s18+$0x0], $0xffff;
	[tilespmem:s25+$0xFFFFFFE0] =	vst v31  }
0x328: {  	v42 =	vadd.s32 v7, v24;
	[tilespmem:s20+$0x30] =	vst v27;
	v28 =	vld.idx.msk [tilespmem:v38+s18+$0x0], $0xffff  }
0x329: {  	v25 =	vld.idx.msk [tilespmem:v25+s18+$0x0], $0xffff;
	v43 =	vadd.s32 v7, v36;
	[tilespmem:s22+$0xFFFFFFF0] =	vst v29  }
0x32a: {  	v21 =	vadd.s32 v10, v21;
	v46 =	vld.idx.msk [tilespmem:v40+s18+$0x0], $0xffff;
	[tilespmem:s23+$0xFFFFFFF0] =	vst v35  }
0x32b: {  	v47 =	vadd.s32 v8, v22;
	[tilespmem:s19+$0x20] =	vst v30;
	v32 =	vld.idx.msk [tilespmem:v41+s18+$0x0], $0xffff  }
0x32c: {  	v48 =	vadd.s32 v8, v23;
	v44 =	vld.idx.msk [tilespmem:v39+s18+$0x0], $0xffff;
	[tilespmem:s24+$0xFFFFFFF0] =	vst v26  }
0x32d: {  	v45 =	vadd.s32 v8, v20;
	v27 =	vld.idx.msk [tilespmem:v42+s18+$0x0], $0xffff;
	[tilespmem:s25+$0xFFFFFFF0] =	vst v28  }
0x32e: {  	v49 =	vadd.s32 v8, v24;
	[tilespmem:s15+$0x10] =	vst v25;
	v28 =	vld.idx.msk [tilespmem:v43+s18+$0x0], $0xffff  }
0x32f: {  	v50 =	vadd.s32 v8, v36;
	v21 =	vld.idx.msk [tilespmem:v21+s18+$0x0], $0xffff;
	[tilespmem:s22+$0x0] =	vst v46  }
0x330: {  	v51 =	vadd.s32 v9, v19;
	v34 =	vld.idx.msk [tilespmem:v47+s18+$0x0], $0xffff;
	[tilespmem:s23+$0x0] =	vst v32  }
0x331: {  	v53 =	vadd.s32 v9, v22;
	v26 =	vld.idx.msk [tilespmem:v48+s18+$0x0], $0xffff;
	[tilespmem:s9+$0x0] =	vst v44  }
0x332: {  	v54 =	vadd.s32 v9, v23;
	v29 =	vld.idx.msk [tilespmem:v45+s18+$0x0], $0xffff;
	[tilespmem:s24+$0x0] =	vst v27  }
0x333: {  	v52 =	vadd.s32 v9, v20;
	v25 =	vld.idx.msk [tilespmem:v49+s18+$0x0], $0xffff;
	[tilespmem:s25+$0x0] =	vst v28  }
0x334: {  	v55 =	vadd.s32 v9, v24;
	[tilespmem:s19+$0x30] =	vst v21;
	v28 =	vld.idx.msk [tilespmem:v50+s18+$0x0], $0xffff  }
0x335: {  	v57 =	vadd.s32 v9, v36;
	v56 =	vld.idx.msk [tilespmem:v51+s18+$0x0], $0xffff;
	[tilespmem:s22+$0x10] =	vst v34  }
0x336: {  	v19 =	vadd.s32 v10, v19;
	v32 =	vld.idx.msk [tilespmem:v53+s18+$0x0], $0xffff;
	[tilespmem:s23+$0x10] =	vst v26  }
0x337: {  	v59 =	vadd.s32 v10, v22;
	v26 =	vld.idx.msk [tilespmem:v54+s18+$0x0], $0xffff;
	[tilespmem:s9+$0x10] =	vst v29  }
0x338: {  	v60 =	vadd.s32 v10, v23;
	v58 =	vld.idx.msk [tilespmem:v52+s18+$0x0], $0xffff;
	[tilespmem:s24+$0x10] =	vst v25  }
0x339: {  	v20 =	vadd.s32 v10, v20;
	v21 =	vld.idx.msk [tilespmem:v55+s18+$0x0], $0xffff;
	[tilespmem:s25+$0x10] =	vst v28  }
0x33a: {  	[tilespmem:s15+$0x20] =	vst v56;
	v61 =	vadd.s32 v10, v24;
	v62 =	vld.idx.msk [tilespmem:v57+s18+$0x0], $0xffff  }
0x33b: {  	v63 =	vadd.s32 v10, v36;
	v19 =	vld.idx.msk [tilespmem:v19+s18+$0x0], $0xffff;
	[tilespmem:s22+$0x20] =	vst v32  }
0x33c: {  	v22 =	vld.idx.msk [tilespmem:v59+s18+$0x0], $0xffff;
	[tilespmem:s23+$0x20] =	vst v26  }
0x33d: {  	v23 =	vld.idx.msk [tilespmem:v60+s18+$0x0], $0xffff;
	[tilespmem:s9+$0x20] =	vst v58  }
0x33e: {  	v20 =	vld.idx.msk [tilespmem:v20+s18+$0x0], $0xffff;
	[tilespmem:s24+$0x20] =	vst v21  }
0x33f: {  	v21 =	vld.idx.msk [tilespmem:v61+s18+$0x0], $0xffff;
	[tilespmem:s25+$0x20] =	vst v62  }
0x340: {  	[tilespmem:s15+$0x30] =	vst v19;
	v19 =	vld.idx.msk [tilespmem:v63+s18+$0x0], $0xffff  }
0x341: {  	[tilespmem:s22+$0x30] =	vst v22  }
0x342: {  	s22 =	sshll.u32 s14, $0x10;
	[tilespmem:s23+$0x30] =	vst v23  }
0x343: {  	s14 =	sadd.s32 $0x1, s14;
	[tilespmem:s9+$0x30] =	vst v20;
	s9 =	sadd.s32 s22, s13  }
0x344: {  	p0 =	sne.s32 s14, $0x4;
	s9 =	sshrl.u32 s9, $0x3;
	[tilespmem:s24+$0x30] =	vst v21  }
.Ltmp10:
0x345: {  	s9 =	sadd.s32 s2, s9;
	[tilespmem:s25+$0x30] =	vst v19;
	(pc) =	sbr.rel @p0 .LBB2_12-.Ltmp10, $4  }
0x346: {  	[hbm4b:s9+s29] =	stream.strided.scatter [tilespmem:s31], [sflag:$0x4], $0x2000, s30, s29, $0x38;
	[tilespmem:$0x1A080] =	vst v63  }
0x347: {  	_ =	swait.ge [sflag:s17], $0x2000  }
0x348: {  	[sflag:s17] =	ssyncset.done $0x0  }
0x349: {  	s11 =	sadd.s32 $0x40, s11;
	[sflag:s17] =	ssyncadd.s32 $0xFFFFE000  }
0x34a: {  	_ =	swait.ge [sflag:s1], $0x8000  }
0x34b: {  	s13 =	simm.s32 $0x0;
	[sflag:s1] =	ssyncset.done $0x0;
	s9 =	rddreg [dreg:$0x9]  }
0x34c: {  	s14 =	simm.s32 $0x0;
	[sflag:s1] =	ssyncadd.s32 $0xFFFF8000;
	s11 =	sadd.s32 s7, s9  }
.LBB2_16:
0x34d: {  	s9 =	sadd.s32 $0x0, s13  }
0x34e: {  	v19 =	vmov s9  }
0x34f: {  	v20 =	vshll.u32 v19, $0x3  }
0x350: {  	v19 =	vand.u32 $0x7F, v19;
	v20 =	vand.u32 $0x400, v20  }
0x351: {  	v24 =	vor.u32 v19, v20  }
0x352: {  	v19 =	vadd.s32 v3, v24;
	_ =	sdelay $0x1  }
0x353: {  	s21 =	sadd.s32 $0x1, s13  }
0x354: {  	v20 =	vmov s21  }
0x355: {  	v21 =	vshll.u32 v20, $0x3  }
0x356: {  	v20 =	vand.u32 $0x7F, v20;
	v21 =	vand.u32 $0x400, v21;
	v19 =	vld.idx.msk [tilespmem:v19+s0+$0x0], $0xffff  }
0x357: {  	v25 =	vor.u32 v20, v21;
	v20 =	vadd.s32 v4, v24  }
0x358: {  	v21 =	vadd.s32 v3, v25;
	_ =	sdelay $0x1  }
0x359: {  	s22 =	sadd.s32 $0x2, s13;
	s21 =	simm.s32 $0x180C0  }
0x35a: {  	[tilespmem:s21+$0xFFFFFFC0] =	vst v19;
	v19 =	vmov s22  }
0x35b: {  	v20 =	vld.idx.msk [tilespmem:v20+s0+$0x0], $0xffff;
	v22 =	vshll.u32 v19, $0x3  }
0x35c: {  	v23 =	vld.idx.msk [tilespmem:v21+s0+$0x0], $0xffff;
	v19 =	vand.u32 $0x7F, v19;
	v21 =	vand.u32 $0x400, v22;
	v22 =	vadd.s32 v5, v24  }
0x35d: {  	v21 =	vor.u32 v19, v21;
	v19 =	vadd.s32 v4, v25  }
0x35e: {  	v26 =	vadd.s32 v3, v21;
	_ =	sdelay $0x1  }
0x35f: {  	s20 =	simm.s32 $0x18140;
	s23 =	sadd.s32 $0x3, s13;
	[tilespmem:s21+$0xFFFFFFD0] =	vst v20  }
0x360: {  	[tilespmem:s20+$0xFFFFFFC0] =	vst v23;
	v20 =	vld.idx.msk [tilespmem:v22+s0+$0x0], $0xffff;
	v22 =	vmov s23  }
0x361: {  	v27 =	vadd.s32 v6, v24;
	v23 =	vld.idx.msk [tilespmem:v19+s0+$0x0], $0xffff;
	v19 =	vshll.u32 v22, $0x3  }
0x362: {  	v28 =	vadd.s32 v5, v25;
	v22 =	vand.u32 $0x7F, v22;
	v26 =	vld.idx.msk [tilespmem:v26+s0+$0x0], $0xffff;
	v19 =	vand.u32 $0x400, v19  }
0x363: {  	v19 =	vor.u32 v22, v19;
	v22 =	vadd.s32 v4, v21  }
0x364: {  	v29 =	vadd.s32 v3, v19  }
0x365: {  	[tilespmem:s21+$0xFFFFFFE0] =	vst v20  }
0x366: {  	s19 =	simm.s32 $0x181C0;
	s24 =	sadd.s32 $0x4, s13;
	[tilespmem:s20+$0xFFFFFFD0] =	vst v23;
	v23 =	vld.idx.msk [tilespmem:v27+s0+$0x0], $0xffff  }
0x367: {  	v20 =	vmov s24;
	v27 =	vadd.s32 v7, v24;
	[tilespmem:s19+$0xFFFFFFC0] =	vst v26;
	v26 =	vld.idx.msk [tilespmem:v28+s0+$0x0], $0xffff  }
0x368: {  	v30 =	vadd.s32 v6, v25;
	v28 =	vshll.u32 v20, $0x3;
	v22 =	vld.idx.msk [tilespmem:v22+s0+$0x0], $0xffff  }
0x369: {  	v31 =	vadd.s32 v5, v21;
	v20 =	vand.u32 $0x7F, v20;
	v28 =	vand.u32 $0x400, v28;
	v29 =	vld.idx.msk [tilespmem:v29+s0+$0x0], $0xffff  }
0x36a: {  	v20 =	vor.u32 v20, v28;
	v28 =	vadd.s32 v4, v19  }
0x36b: {  	v32 =	vadd.s32 v3, v20;
	[tilespmem:s21+$0xFFFFFFF0] =	vst v23  }
0x36c: {  	[tilespmem:s20+$0xFFFFFFE0] =	vst v26;
	v23 =	vld.idx.msk [tilespmem:v27+s0+$0x0], $0xffff  }
0x36d: {  	s15 =	simm.s32 $0x18240;
	s25 =	sadd.s32 $0x5, s13;
	v27 =	vadd.s32 v8, v24;
	[tilespmem:s19+$0xFFFFFFD0] =	vst v22;
	v26 =	vld.idx.msk [tilespmem:v30+s0+$0x0], $0xffff  }
0x36e: {  	v22 =	vmov s25;
	v30 =	vadd.s32 v7, v25;
	[tilespmem:s15+$0xFFFFFFC0] =	vst v29;
	v29 =	vld.idx.msk [tilespmem:v31+s0+$0x0], $0xffff  }
0x36f: {  	v33 =	vadd.s32 v6, v21;
	v31 =	vshll.u32 v22, $0x3;
	v28 =	vld.idx.msk [tilespmem:v28+s0+$0x0], $0xffff  }
0x370: {  	v34 =	vadd.s32 v5, v19;
	v22 =	vand.u32 $0x7F, v22;
	v32 =	vld.idx.msk [tilespmem:v32+s0+$0x0], $0xffff;
	v31 =	vand.u32 $0x400, v31  }
0x371: {  	v22 =	vor.u32 v22, v31;
	v31 =	vadd.s32 v4, v20;
	[tilespmem:s21+$0x0] =	vst v23  }
0x372: {  	v23 =	vadd.s32 v3, v22;
	[tilespmem:s20+$0xFFFFFFF0] =	vst v26;
	v26 =	vld.idx.msk [tilespmem:v27+s0+$0x0], $0xffff  }
0x373: {  	[tilespmem:s19+$0xFFFFFFE0] =	vst v29;
	v27 =	vld.idx.msk [tilespmem:v30+s0+$0x0], $0xffff;
	v29 =	vadd.s32 v9, v24  }
0x374: {  	s9 =	simm.s32 $0x182C0;
	v30 =	vadd.s32 v8, v25;
	[tilespmem:s15+$0xFFFFFFD0] =	vst v28;
	v28 =	vld.idx.msk [tilespmem:v33+s0+$0x0], $0xffff  }
0x375: {  	s22 =	sadd.s32 $0x6, s13;
	v57 =	vadd.s32 v7, v21;
	[tilespmem:s9+$0xFFFFFFC0] =	vst v32;
	v55 =	vld.idx.msk [tilespmem:v34+s0+$0x0], $0xffff  }
0x376: {  	v56 =	vmov s22;
	v36 =	vadd.s32 v6, v19;
	v31 =	vld.idx.msk [tilespmem:v31+s0+$0x0], $0xffff  }
0x377: {  	v35 =	vshll.u32 v56, $0x3;
	v59 =	vadd.s32 v5, v20;
	v37 =	vld.idx.msk [tilespmem:v23+s0+$0x0], $0xffff;
	[tilespmem:s21+$0x10] =	vst v26  }
0x378: {  	v58 =	vand.u32 $0x400, v35;
	v23 =	vand.u32 $0x7F, v56;
	v26 =	vadd.s32 v4, v22;
	[tilespmem:s20+$0x0] =	vst v27;
	v27 =	vld.idx.msk [tilespmem:v29+s0+$0x0], $0xffff  }
0x379: {  	v24 =	vadd.s32 v10, v24;
	v23 =	vor.u32 v23, v58;
	[tilespmem:s19+$0xFFFFFFF0] =	vst v28;
	v28 =	vld.idx.msk [tilespmem:v30+s0+$0x0], $0xffff  }
0x37a: {  	v29 =	vadd.s32 v3, v23;
	[tilespmem:s15+$0xFFFFFFE0] =	vst v55;
	v30 =	vld.idx.msk [tilespmem:v57+s0+$0x0], $0xffff  }
0x37b: {  	s22 =	simm.s32 $0x18340;
	[tilespmem:s9+$0xFFFFFFD0] =	vst v31;
	v31 =	vadd.s32 v9, v25;
	v60 =	vld.idx.msk [tilespmem:v36+s0+$0x0], $0xffff  }
0x37c: {  	v61 =	vadd.s32 v8, v21;
	s23 =	sadd.s32 $0x7, s13;
	[tilespmem:s22+$0xFFFFFFC0] =	vst v37;
	v35 =	vld.idx.msk [tilespmem:v59+s0+$0x0], $0xffff  }
0x37d: {  	v62 =	vld.idx.msk [tilespmem:v26+s0+$0x0], $0xffff;
	v26 =	vadd.s32 v7, v19;
	[tilespmem:s21+$0x20] =	vst v27;
	v27 =	vmov s23  }
0x37e: {  	v38 =	vadd.s32 v6, v20;
	[tilespmem:s20+$0x10] =	vst v28;
	v32 =	vld.idx.msk [tilespmem:v24+s0+$0x0], $0xffff;
	v24 =	vshll.u32 v27, $0x3  }
0x37f: {  	v39 =	vadd.s32 v5, v22;
	v63 =	vld.idx.msk [tilespmem:v29+s0+$0x0], $0xffff;
	v27 =	vand.u32 $0x7F, v27;
	[tilespmem:s19+$0x0] =	vst v30;
	v24 =	vand.u32 $0x400, v24  }
0x380: {  	v34 =	vadd.s32 v4, v23;
	v31 =	vld.idx.msk [tilespmem:v31+s0+$0x0], $0xffff;
	[tilespmem:s15+$0xFFFFFFF0] =	vst v60;
	v24 =	vor.u32 v27, v24  }
0x381: {  	v29 =	vld.idx.msk [tilespmem:v61+s0+$0x0], $0xffff;
	[tilespmem:s9+$0xFFFFFFE0] =	vst v35;
	v35 =	vadd.s32 v3, v24  }
0x382: {  	v27 =	vadd.s32 v10, v25;
	v26 =	vld.idx.msk [tilespmem:v26+s0+$0x0], $0xffff  }
0x383: {  	s23 =	simm.s32 $0x183C0;
	v30 =	vadd.s32 v9, v21;
	[tilespmem:s22+$0xFFFFFFD0] =	vst v62;
	v28 =	vld.idx.msk [tilespmem:v38+s0+$0x0], $0xffff  }
0x384: {  	s24 =	simm.s32 $0x9;
	s25 =	sadd.s32 $0x8, s13;
	v25 =	vadd.s32 v8, v19;
	[tilespmem:s23+$0xFFFFFFC0] =	vst v63;
	v33 =	vld.idx.msk [tilespmem:v39+s0+$0x0], $0xffff  }
.LBB2_17:
0x385: {  	p0 =	sne.s32 s24, $0x3F;
	v36 =	vmov s25;
	v37 =	vld.idx.msk [tilespmem:v34+s0+$0x0], $0xffff;
	v38 =	vadd.s32 v7, v20;
	[tilespmem:s21+$0x30] =	vst v32;
	s21 =	smov.u32 s20;
	s20 =	smov.u32 s19  }
0x386: {  	v40 =	vadd.s32 v6, v22;
	s19 =	smov.u32 s15;
	s15 =	smov.u32 s9;
	s9 =	smov.u32 s22;
	v32 =	vshll.u32 v36, $0x3;
	v39 =	vld.idx.msk [tilespmem:v35+s0+$0x0], $0xffff;
	[tilespmem:s21+$0x20] =	vst v31  }
0x387: {  	s22 =	smov.u32 s23;
	v31 =	vand.u32 $0x7F, v36;
	v36 =	vadd.s32 v5, v23;
	v34 =	vand.u32 $0x400, v32;
	[tilespmem:s20+$0x10] =	vst v29;
	v32 =	vld.idx.msk [tilespmem:v27+s0+$0x0], $0xffff  }
.Ltmp11:
0x388: {  	v41 =	vor.u32 v31, v34;
	v34 =	vadd.s32 v4, v24;
	[tilespmem:s19+$0x0] =	vst v26;
	v31 =	vld.idx.msk [tilespmem:v30+s0+$0x0], $0xffff;
	(pc) =	sbr.rel @p0 .LBB2_17-.Ltmp11, $4  }
0x389: {  	v35 =	vadd.s32 v3, v41;
	[tilespmem:s15+$0xFFFFFFF0] =	vst v28;
	v29 =	vld.idx.msk [tilespmem:v25+s0+$0x0], $0xffff  }
0x38a: {  	v27 =	vadd.s32 v10, v21;
	v21 =	vmovc v19;
	v19 =	vmov v20;
	v20 =	vmov v22;
	[tilespmem:s9+$0xFFFFFFE0] =	vst v33;
	v26 =	vld.idx.msk [tilespmem:v38+s0+$0x0], $0xffff  }
0x38b: {  	s23 =	sadd.s32 $0x80, s23;
	v22 =	vmovc v23;
	v23 =	vmov v24;
	v30 =	vadd.s32 v9, v21;
	v24 =	vmov v41;
	[tilespmem:s22+$0xFFFFFFD0] =	vst v37;
	v28 =	vld.idx.msk [tilespmem:v40+s0+$0x0], $0xffff  }
0x38c: {  	s25 =	sadd.s32 s24, s13;
	s24 =	sadd.s32 $0x1, s24;
	v25 =	vadd.s32 v8, v19;
	[tilespmem:s23+$0xFFFFFFC0] =	vst v39;
	v33 =	vld.idx.msk [tilespmem:v36+s0+$0x0], $0xffff  }
0x38d: {  	v36 =	vmov s25  }
0x38e: {  	v37 =	vshll.u32 v36, $0x3  }
0x38f: {  	v36 =	vand.u32 $0x7F, v36;
	v37 =	vand.u32 $0x400, v37  }
0x390: {  	v36 =	vor.u32 v36, v37  }
0x391: {  	v37 =	vadd.s32 v3, v36;
	_ =	sdelay $0x3  }
0x392: {  	v35 =	vld.idx.msk [tilespmem:v35+s0+$0x0], $0xffff  }
0x393: {  	v38 =	vadd.s32 v4, v24;
	v37 =	vld.idx.msk [tilespmem:v37+s0+$0x0], $0xffff  }
0x394: {  	v39 =	vadd.s32 v4, v36;
	_ =	sdelay $0x1  }
0x395: {  	s24 =	sadd.s32 $0x80, s23;
	v34 =	vld.idx.msk [tilespmem:v34+s0+$0x0], $0xffff  }
0x396: {  	v57 =	vadd.s32 v5, v23;
	s25 =	sadd.s32 $0x80, s24;
	[tilespmem:s24+$0xFFFFFFC0] =	vst v35  }
0x397: {  	v58 =	vld.idx.msk [tilespmem:v38+s0+$0x0], $0xffff;
	[tilespmem:s25+$0xFFFFFFC0] =	vst v37  }
0x398: {  	[tilespmem:s21+$0x30] =	vst v32;
	v59 =	vadd.s32 v5, v24;
	v60 =	vld.idx.msk [tilespmem:v39+s0+$0x0], $0xffff  }
0x399: {  	[tilespmem:s20+$0x20] =	vst v31;
	v61 =	vadd.s32 v5, v36  }
0x39a: {  	[tilespmem:s23+$0xFFFFFFD0] =	vst v34  }
0x39b: {  	v62 =	vadd.s32 v6, v22;
	[tilespmem:s19+$0x10] =	vst v29;
	v34 =	vld.idx.msk [tilespmem:v57+s0+$0x0], $0xffff  }
0x39c: {  	v63 =	vadd.s32 v6, v23;
	[tilespmem:s24+$0xFFFFFFD0] =	vst v58  }
0x39d: {  	v32 =	vld.idx.msk [tilespmem:v59+s0+$0x0], $0xffff;
	[tilespmem:s25+$0xFFFFFFD0] =	vst v60  }
0x39e: {  	[tilespmem:s15+$0x0] =	vst v26;
	v37 =	vadd.s32 v6, v24;
	v31 =	vld.idx.msk [tilespmem:v61+s0+$0x0], $0xffff  }
0x39f: {  	v27 =	vld.idx.msk [tilespmem:v27+s0+$0x0], $0xffff;
	[tilespmem:s22+$0xFFFFFFE0] =	vst v33;
	v38 =	vadd.s32 v6, v36  }
0x3a0: {  	v29 =	vld.idx.msk [tilespmem:v62+s0+$0x0], $0xffff;
	[tilespmem:s23+$0xFFFFFFE0] =	vst v34  }
0x3a1: {  	v40 =	vadd.s32 v7, v22;
	[tilespmem:s9+$0xFFFFFFF0] =	vst v28;
	v35 =	vld.idx.msk [tilespmem:v63+s0+$0x0], $0xffff  }
0x3a2: {  	v41 =	vadd.s32 v7, v23;
	v30 =	vld.idx.msk [tilespmem:v30+s0+$0x0], $0xffff;
	[tilespmem:s24+$0xFFFFFFE0] =	vst v32  }
0x3a3: {  	v39 =	vadd.s32 v7, v20;
	v26 =	vld.idx.msk [tilespmem:v37+s0+$0x0], $0xffff;
	[tilespmem:s25+$0xFFFFFFE0] =	vst v31  }
0x3a4: {  	v42 =	vadd.s32 v7, v24;
	[tilespmem:s20+$0x30] =	vst v27;
	v28 =	vld.idx.msk [tilespmem:v38+s0+$0x0], $0xffff  }
0x3a5: {  	v25 =	vld.idx.msk [tilespmem:v25+s0+$0x0], $0xffff;
	v43 =	vadd.s32 v7, v36;
	[tilespmem:s22+$0xFFFFFFF0] =	vst v29  }
0x3a6: {  	v21 =	vadd.s32 v10, v21;
	v46 =	vld.idx.msk [tilespmem:v40+s0+$0x0], $0xffff;
	[tilespmem:s23+$0xFFFFFFF0] =	vst v35  }
0x3a7: {  	v47 =	vadd.s32 v8, v22;
	[tilespmem:s19+$0x20] =	vst v30;
	v32 =	vld.idx.msk [tilespmem:v41+s0+$0x0], $0xffff  }
0x3a8: {  	v48 =	vadd.s32 v8, v23;
	v44 =	vld.idx.msk [tilespmem:v39+s0+$0x0], $0xffff;
	[tilespmem:s24+$0xFFFFFFF0] =	vst v26  }
0x3a9: {  	v45 =	vadd.s32 v8, v20;
	v27 =	vld.idx.msk [tilespmem:v42+s0+$0x0], $0xffff;
	[tilespmem:s25+$0xFFFFFFF0] =	vst v28  }
0x3aa: {  	v49 =	vadd.s32 v8, v24;
	[tilespmem:s15+$0x10] =	vst v25;
	v28 =	vld.idx.msk [tilespmem:v43+s0+$0x0], $0xffff  }
0x3ab: {  	v50 =	vadd.s32 v8, v36;
	v21 =	vld.idx.msk [tilespmem:v21+s0+$0x0], $0xffff;
	[tilespmem:s22+$0x0] =	vst v46  }
0x3ac: {  	v51 =	vadd.s32 v9, v19;
	v34 =	vld.idx.msk [tilespmem:v47+s0+$0x0], $0xffff;
	[tilespmem:s23+$0x0] =	vst v32  }
0x3ad: {  	v53 =	vadd.s32 v9, v22;
	v26 =	vld.idx.msk [tilespmem:v48+s0+$0x0], $0xffff;
	[tilespmem:s9+$0x0] =	vst v44  }
0x3ae: {  	v54 =	vadd.s32 v9, v23;
	v29 =	vld.idx.msk [tilespmem:v45+s0+$0x0], $0xffff;
	[tilespmem:s24+$0x0] =	vst v27  }
0x3af: {  	v52 =	vadd.s32 v9, v20;
	v25 =	vld.idx.msk [tilespmem:v49+s0+$0x0], $0xffff;
	[tilespmem:s25+$0x0] =	vst v28  }
0x3b0: {  	v55 =	vadd.s32 v9, v24;
	[tilespmem:s19+$0x30] =	vst v21;
	v28 =	vld.idx.msk [tilespmem:v50+s0+$0x0], $0xffff  }
0x3b1: {  	v57 =	vadd.s32 v9, v36;
	v56 =	vld.idx.msk [tilespmem:v51+s0+$0x0], $0xffff;
	[tilespmem:s22+$0x10] =	vst v34  }
0x3b2: {  	v19 =	vadd.s32 v10, v19;
	v32 =	vld.idx.msk [tilespmem:v53+s0+$0x0], $0xffff;
	[tilespmem:s23+$0x10] =	vst v26  }
0x3b3: {  	v59 =	vadd.s32 v10, v22;
	v26 =	vld.idx.msk [tilespmem:v54+s0+$0x0], $0xffff;
	[tilespmem:s9+$0x10] =	vst v29  }
0x3b4: {  	v60 =	vadd.s32 v10, v23;
	v58 =	vld.idx.msk [tilespmem:v52+s0+$0x0], $0xffff;
	[tilespmem:s24+$0x10] =	vst v25  }
0x3b5: {  	v20 =	vadd.s32 v10, v20;
	v21 =	vld.idx.msk [tilespmem:v55+s0+$0x0], $0xffff;
	[tilespmem:s25+$0x10] =	vst v28  }
0x3b6: {  	[tilespmem:s15+$0x20] =	vst v56;
	v61 =	vadd.s32 v10, v24;
	v62 =	vld.idx.msk [tilespmem:v57+s0+$0x0], $0xffff  }
0x3b7: {  	v63 =	vadd.s32 v10, v36;
	v19 =	vld.idx.msk [tilespmem:v19+s0+$0x0], $0xffff;
	[tilespmem:s22+$0x20] =	vst v32  }
0x3b8: {  	v22 =	vld.idx.msk [tilespmem:v59+s0+$0x0], $0xffff;
	[tilespmem:s23+$0x20] =	vst v26  }
0x3b9: {  	v23 =	vld.idx.msk [tilespmem:v60+s0+$0x0], $0xffff;
	[tilespmem:s9+$0x20] =	vst v58  }
0x3ba: {  	v20 =	vld.idx.msk [tilespmem:v20+s0+$0x0], $0xffff;
	[tilespmem:s24+$0x20] =	vst v21  }
0x3bb: {  	v21 =	vld.idx.msk [tilespmem:v61+s0+$0x0], $0xffff;
	[tilespmem:s25+$0x20] =	vst v62  }
0x3bc: {  	[tilespmem:s15+$0x30] =	vst v19;
	v19 =	vld.idx.msk [tilespmem:v63+s0+$0x0], $0xffff  }
0x3bd: {  	[tilespmem:s22+$0x30] =	vst v22  }
0x3be: {  	s22 =	sshll.u32 s14, $0x10;
	[tilespmem:s23+$0x30] =	vst v23  }
0x3bf: {  	s14 =	sadd.s32 $0x1, s14;
	[tilespmem:s9+$0x30] =	vst v20;
	s9 =	sadd.s32 s22, s11  }
0x3c0: {  	p0 =	sne.s32 s14, $0x3;
	s9 =	sshrl.u32 s9, $0x3;
	[tilespmem:s24+$0x30] =	vst v21  }
.Ltmp12:
0x3c1: {  	s9 =	sadd.s32 s2, s9;
	[tilespmem:s25+$0x30] =	vst v19;
	(pc) =	sbr.rel @p0 .LBB2_16-.Ltmp12, $4  }
0x3c2: {  	[hbm4b:s9+s29] =	stream.strided.scatter [tilespmem:s31], [sflag:$0x4], $0x2000, s30, s29, $0x38;
	[tilespmem:$0x1A080] =	vst v63  }
0x3c3: {  	_ =	swait.ge [sflag:s17], $0x2000  }
0x3c4: {  	[sflag:s17] =	ssyncset.done $0x0  }
0x3c5: {  	s13 =	sadd.s32 $0x40, s13;
	[sflag:s17] =	ssyncadd.s32 $0xFFFFE000  }
0x3c6: {  	s9 =	simm.s32 $0xC0  }
0x3c7: {  	v19 =	vmov s9  }
0x3c8: {  	v19 =	vand.u32 $0x7F, v19  }
0x3c9: {  	v28 =	vbroadcast v19, $0x0;
	_ =	sdelay $0x1  }
0x3ca: {  	v19 =	vor.u32 v11, v28;
	_ =	sdelay $0x1  }
0x3cb: {  	s24 =	simm.s32 $0xC1  }
0x3cc: {  	v20 =	vmov s24  }
0x3cd: {  	v20 =	vand.u32 $0x7F, v20  }
0x3ce: {  	v21 =	vbroadcast v20, $0x0;
	v19 =	vld.idx.msk [tilespmem:v19+s0+$0x0], $0xffff  }
0x3cf: {  	v20 =	vor.u32 v12, v28  }
0x3d0: {  	v22 =	vor.u32 v11, v21;
	_ =	sdelay $0x1  }
0x3d1: {  	s19 =	simm.s32 $0x180C0;
	s25 =	simm.s32 $0xC2  }
0x3d2: {  	[tilespmem:s19+$0xFFFFFFC0] =	vst v19;
	v19 =	vmov s25  }
0x3d3: {  	v20 =	vld.idx.msk [tilespmem:v20+s0+$0x0], $0xffff;
	v19 =	vand.u32 $0x7F, v19  }
0x3d4: {  	v23 =	vor.u32 v13, v28;
	v22 =	vld.idx.msk [tilespmem:v22+s0+$0x0], $0xffff;
	v19 =	vbroadcast v19, $0x0  }
0x3d5: {  	v24 =	vor.u32 v12, v21  }
0x3d6: {  	v25 =	vor.u32 v11, v19;
	_ =	sdelay $0x1  }
0x3d7: {  	s11 =	simm.s32 $0xC3;
	s9 =	simm.s32 $0x18140;
	[tilespmem:s19+$0xFFFFFFD0] =	vst v20  }
0x3d8: {  	[tilespmem:s9+$0xFFFFFFC0] =	vst v22;
	v20 =	vmov s11;
	v22 =	vld.idx.msk [tilespmem:v23+s0+$0x0], $0xffff  }
0x3d9: {  	v23 =	vld.idx.msk [tilespmem:v24+s0+$0x0], $0xffff;
	v20 =	vand.u32 $0x7F, v20;
	v24 =	vor.u32 v14, v28  }
0x3da: {  	v26 =	vor.u32 v13, v21;
	v20 =	vbroadcast v20, $0x0;
	v25 =	vld.idx.msk [tilespmem:v25+s0+$0x0], $0xffff  }
0x3db: {  	v27 =	vor.u32 v12, v19  }
0x3dc: {  	v29 =	vor.u32 v11, v20  }
0x3dd: {  	[tilespmem:s19+$0xFFFFFFE0] =	vst v22  }
0x3de: {  	s13 =	simm.s32 $0xC4;
	s11 =	simm.s32 $0x181C0;
	[tilespmem:s9+$0xFFFFFFD0] =	vst v23;
	v23 =	vld.idx.msk [tilespmem:v24+s0+$0x0], $0xffff  }
0x3df: {  	v22 =	vmov s13;
	v24 =	vld.idx.msk [tilespmem:v26+s0+$0x0], $0xffff;
	[tilespmem:s11+$0xFFFFFFC0] =	vst v25;
	v25 =	vor.u32 v15, v28  }
0x3e0: {  	v22 =	vand.u32 $0x7F, v22;
	v26 =	vld.idx.msk [tilespmem:v27+s0+$0x0], $0xffff;
	v27 =	vor.u32 v14, v21  }
0x3e1: {  	v30 =	vor.u32 v13, v19;
	v22 =	vbroadcast v22, $0x0;
	v29 =	vld.idx.msk [tilespmem:v29+s0+$0x0], $0xffff  }
0x3e2: {  	v31 =	vor.u32 v12, v20  }
0x3e3: {  	v32 =	vor.u32 v11, v22;
	[tilespmem:s19+$0xFFFFFFF0] =	vst v23  }
0x3e4: {  	[tilespmem:s9+$0xFFFFFFE0] =	vst v24;
	v24 =	vld.idx.msk [tilespmem:v25+s0+$0x0], $0xffff  }
0x3e5: {  	s14 =	simm.s32 $0xC5;
	s13 =	simm.s32 $0x18240;
	[tilespmem:s11+$0xFFFFFFD0] =	vst v26;
	v25 =	vld.idx.msk [tilespmem:v27+s0+$0x0], $0xffff;
	v26 =	vor.u32 v16, v28  }
0x3e6: {  	v23 =	vmov s14;
	[tilespmem:s13+$0xFFFFFFC0] =	vst v29;
	v29 =	vor.u32 v15, v21;
	v27 =	vld.idx.msk [tilespmem:v30+s0+$0x0], $0xffff  }
0x3e7: {  	v23 =	vand.u32 $0x7F, v23;
	v30 =	vld.idx.msk [tilespmem:v31+s0+$0x0], $0xffff;
	v31 =	vor.u32 v14, v19  }
0x3e8: {  	v33 =	vor.u32 v13, v20;
	v23 =	vbroadcast v23, $0x0;
	v32 =	vld.idx.msk [tilespmem:v32+s0+$0x0], $0xffff  }
0x3e9: {  	v34 =	vor.u32 v12, v22;
	[tilespmem:s19+$0x0] =	vst v24  }
0x3ea: {  	v24 =	vor.u32 v11, v23;
	[tilespmem:s9+$0xFFFFFFF0] =	vst v25;
	v25 =	vld.idx.msk [tilespmem:v26+s0+$0x0], $0xffff  }
0x3eb: {  	[tilespmem:s11+$0xFFFFFFE0] =	vst v27;
	v26 =	vld.idx.msk [tilespmem:v29+s0+$0x0], $0xffff  }
0x3ec: {  	s14 =	simm.s32 $0x182C0;
	v27 =	vor.u32 v17, v28;
	[tilespmem:s13+$0xFFFFFFD0] =	vst v30;
	v29 =	vld.idx.msk [tilespmem:v31+s0+$0x0], $0xffff  }
0x3ed: {  	s15 =	simm.s32 $0xC6;
	v30 =	vor.u32 v16, v21;
	[tilespmem:s14+$0xFFFFFFC0] =	vst v32;
	v31 =	vld.idx.msk [tilespmem:v33+s0+$0x0], $0xffff  }
0x3ee: {  	v63 =	vmov s15;
	v62 =	vor.u32 v15, v19;
	v34 =	vld.idx.msk [tilespmem:v34+s0+$0x0], $0xffff  }
0x3ef: {  	v36 =	vor.u32 v14, v20;
	v37 =	vld.idx.msk [tilespmem:v24+s0+$0x0], $0xffff;
	v24 =	vand.u32 $0x7F, v63;
	[tilespmem:s19+$0x10] =	vst v25  }
0x3f0: {  	v38 =	vor.u32 v13, v22;
	v24 =	vbroadcast v24, $0x0;
	[tilespmem:s9+$0x0] =	vst v26  }
0x3f1: {  	v39 =	vor.u32 v12, v23;
	v32 =	vld.idx.msk [tilespmem:v27+s0+$0x0], $0xffff;
	[tilespmem:s11+$0xFFFFFFF0] =	vst v29  }
0x3f2: {  	v27 =	vld.idx.msk [tilespmem:v30+s0+$0x0], $0xffff;
	[tilespmem:s13+$0xFFFFFFE0] =	vst v31;
	v35 =	vor.u32 v11, v24  }
0x3f3: {  	[tilespmem:s14+$0xFFFFFFD0] =	vst v34;
	v34 =	vor.u32 v18, v28;
	v26 =	vld.idx.msk [tilespmem:v62+s0+$0x0], $0xffff  }
0x3f4: {  	s15 =	simm.s32 $0x18340;
	v30 =	vor.u32 v17, v21;
	v25 =	vld.idx.msk [tilespmem:v36+s0+$0x0], $0xffff  }
0x3f5: {  	s20 =	simm.s32 $0xC7;
	v28 =	vor.u32 v16, v19;
	v31 =	vld.idx.msk [tilespmem:v38+s0+$0x0], $0xffff;
	[tilespmem:s15+$0xFFFFFFC0] =	vst v37  }
0x3f6: {  	v29 =	vor.u32 v15, v20;
	v36 =	vmov s20;
	s20 =	simm.s32 $0xC8;
	v33 =	vld.idx.msk [tilespmem:v39+s0+$0x0], $0xffff  }
.LBB2_20:
0x3f7: {  	p0 =	sne.s32 s20, $0xE7;
	v36 =	vand.u32 $0x7F, v36;
	v37 =	vld.idx.msk [tilespmem:v35+s0+$0x0], $0xffff;
	v38 =	vor.u32 v14, v22;
	[tilespmem:s19+$0x20] =	vst v32;
	s21 =	smov.u32 s11;
	s11 =	smov.u32 s13  }
0x3f8: {  	v39 =	vor.u32 v13, v23;
	s13 =	smov.u32 s14;
	s14 =	smov.u32 s15;
	v36 =	vbroadcast v36, $0x0;
	[tilespmem:s9+$0x10] =	vst v27;
	v40 =	vld.idx.msk [tilespmem:v34+s0+$0x0], $0xffff  }
0x3f9: {  	v41 =	vor.u32 v12, v24;
	[tilespmem:s21+$0x0] =	vst v26;
	v32 =	vld.idx.msk [tilespmem:v30+s0+$0x0], $0xffff  }
.Ltmp13:
0x3fa: {  	v35 =	vor.u32 v11, v36;
	[tilespmem:s11+$0xFFFFFFF0] =	vst v25;
	v27 =	vld.idx.msk [tilespmem:v28+s0+$0x0], $0xffff;
	(pc) =	sbr.rel @p0 .LBB2_20-.Ltmp13, $4  }
0x3fb: {  	v34 =	vor.u32 v18, v21;
	v21 =	vmovc v19;
	v19 =	vmov v20;
	v20 =	vmov v22;
	[tilespmem:s13+$0xFFFFFFE0] =	vst v31;
	v26 =	vld.idx.msk [tilespmem:v29+s0+$0x0], $0xffff  }
0x3fc: {  	s15 =	sadd.s32 $0x80, s15;
	v22 =	vmovc v23;
	v23 =	vmov v24;
	v30 =	vor.u32 v17, v21;
	v24 =	vmov v36;
	[tilespmem:s14+$0xFFFFFFD0] =	vst v33;
	v25 =	vld.idx.msk [tilespmem:v38+s0+$0x0], $0xffff  }
0x3fd: {  	v28 =	vor.u32 v16, v19;
	[tilespmem:s15+$0xFFFFFFC0] =	vst v37;
	v31 =	vld.idx.msk [tilespmem:v39+s0+$0x0], $0xffff  }
0x3fe: {  	v36 =	vmov s20;
	s20 =	sadd.s32 $0x1, s20;
	v29 =	vor.u32 v15, v20;
	v33 =	vld.idx.msk [tilespmem:v41+s0+$0x0], $0xffff;
	[tilespmem:s19+$0x30] =	vst v40;
	s19 =	smov.u32 s9;
	s9 =	smov.u32 s21  }
0x3ff: {  	v36 =	vand.u32 $0x7F, v36  }
0x400: {  	v36 =	vbroadcast v36, $0x0;
	_ =	sdelay $0x1  }
0x401: {  	v37 =	vor.u32 v11, v36;
	_ =	sdelay $0x3  }
0x402: {  	v35 =	vld.idx.msk [tilespmem:v35+s0+$0x0], $0xffff  }
0x403: {  	v38 =	vor.u32 v12, v24;
	v37 =	vld.idx.msk [tilespmem:v37+s0+$0x0], $0xffff  }
0x404: {  	v39 =	vor.u32 v12, v36;
	_ =	sdelay $0x1  }
0x405: {  	[tilespmem:s19+$0x20] =	vst v32;
	s21 =	sadd.s32 $0x80, s15;
	v56 =	vor.u32 v13, v23  }
0x406: {  	s20 =	sadd.s32 $0x80, s21;
	[tilespmem:s21+$0xFFFFFFC0] =	vst v35  }
0x407: {  	v35 =	vld.idx.msk [tilespmem:v38+s0+$0x0], $0xffff;
	[tilespmem:s20+$0xFFFFFFC0] =	vst v37  }
0x408: {  	v57 =	vor.u32 v13, v24;
	[tilespmem:s9+$0x10] =	vst v27;
	v58 =	vld.idx.msk [tilespmem:v39+s0+$0x0], $0xffff  }
0x409: {  	v59 =	vor.u32 v13, v36;
	[tilespmem:s15+$0xFFFFFFD0] =	vst v33  }
0x40a: {  	v60 =	vor.u32 v14, v22;
	[tilespmem:s11+$0x0] =	vst v26;
	v33 =	vld.idx.msk [tilespmem:v56+s0+$0x0], $0xffff  }
0x40b: {  	v61 =	vor.u32 v14, v23;
	v32 =	vld.idx.msk [tilespmem:v34+s0+$0x0], $0xffff;
	[tilespmem:s13+$0xFFFFFFF0] =	vst v25  }
0x40c: {  	v30 =	vld.idx.msk [tilespmem:v30+s0+$0x0], $0xffff;
	[tilespmem:s21+$0xFFFFFFD0] =	vst v35  }
0x40d: {  	v35 =	vld.idx.msk [tilespmem:v57+s0+$0x0], $0xffff;
	[tilespmem:s20+$0xFFFFFFD0] =	vst v58  }
0x40e: {  	v62 =	vor.u32 v14, v24;
	[tilespmem:s14+$0xFFFFFFE0] =	vst v31;
	v63 =	vld.idx.msk [tilespmem:v59+s0+$0x0], $0xffff  }
0x40f: {  	v40 =	vor.u32 v14, v36;
	v31 =	vld.idx.msk [tilespmem:v60+s0+$0x0], $0xffff;
	[tilespmem:s15+$0xFFFFFFE0] =	vst v33  }
0x410: {  	v41 =	vor.u32 v15, v22;
	[tilespmem:s19+$0x30] =	vst v32;
	v33 =	vld.idx.msk [tilespmem:v61+s0+$0x0], $0xffff  }
0x411: {  	v42 =	vor.u32 v15, v23;
	v28 =	vld.idx.msk [tilespmem:v28+s0+$0x0], $0xffff;
	[tilespmem:s9+$0x20] =	vst v30  }
0x412: {  	v21 =	vor.u32 v18, v21;
	v29 =	vld.idx.msk [tilespmem:v29+s0+$0x0], $0xffff;
	[tilespmem:s21+$0xFFFFFFE0] =	vst v35  }
0x413: {  	v45 =	vor.u32 v16, v20;
	v27 =	vld.idx.msk [tilespmem:v62+s0+$0x0], $0xffff;
	[tilespmem:s20+$0xFFFFFFE0] =	vst v63  }
0x414: {  	v43 =	vor.u32 v15, v24;
	[tilespmem:s14+$0xFFFFFFF0] =	vst v31;
	v26 =	vld.idx.msk [tilespmem:v40+s0+$0x0], $0xffff  }
0x415: {  	v44 =	vor.u32 v15, v36;
	v32 =	vld.idx.msk [tilespmem:v41+s0+$0x0], $0xffff;
	[tilespmem:s15+$0xFFFFFFF0] =	vst v33  }
0x416: {  	v46 =	vor.u32 v16, v22;
	[tilespmem:s11+$0x10] =	vst v28;
	v34 =	vld.idx.msk [tilespmem:v42+s0+$0x0], $0xffff  }
0x417: {  	v47 =	vor.u32 v16, v23;
	v21 =	vld.idx.msk [tilespmem:v21+s0+$0x0], $0xffff;
	[tilespmem:s13+$0x0] =	vst v29  }
0x418: {  	v51 =	vor.u32 v17, v19;
	v31 =	vld.idx.msk [tilespmem:v45+s0+$0x0], $0xffff;
	[tilespmem:s21+$0xFFFFFFF0] =	vst v27  }
0x419: {  	v52 =	vor.u32 v17, v20;
	v25 =	vld.idx.msk [tilespmem:v43+s0+$0x0], $0xffff;
	[tilespmem:s20+$0xFFFFFFF0] =	vst v26  }
0x41a: {  	v48 =	vor.u32 v16, v24;
	[tilespmem:s14+$0x0] =	vst v32;
	v49 =	vld.idx.msk [tilespmem:v44+s0+$0x0], $0xffff  }
0x41b: {  	v50 =	vor.u32 v16, v36;
	v33 =	vld.idx.msk [tilespmem:v46+s0+$0x0], $0xffff;
	[tilespmem:s15+$0x0] =	vst v34  }
0x41c: {  	v53 =	vor.u32 v17, v22;
	[tilespmem:s9+$0x30] =	vst v21;
	v27 =	vld.idx.msk [tilespmem:v47+s0+$0x0], $0xffff  }
0x41d: {  	v54 =	vor.u32 v17, v23;
	v56 =	vld.idx.msk [tilespmem:v51+s0+$0x0], $0xffff;
	[tilespmem:s13+$0x10] =	vst v31  }
0x41e: {  	v19 =	vor.u32 v18, v19;
	v31 =	vld.idx.msk [tilespmem:v52+s0+$0x0], $0xffff;
	[tilespmem:s21+$0x0] =	vst v25  }
0x41f: {  	v20 =	vor.u32 v18, v20;
	v26 =	vld.idx.msk [tilespmem:v48+s0+$0x0], $0xffff;
	[tilespmem:s20+$0x0] =	vst v49  }
0x420: {  	v55 =	vor.u32 v17, v24;
	[tilespmem:s14+$0x10] =	vst v33;
	v28 =	vld.idx.msk [tilespmem:v50+s0+$0x0], $0xffff  }
0x421: {  	v57 =	vor.u32 v17, v36;
	v58 =	vld.idx.msk [tilespmem:v53+s0+$0x0], $0xffff;
	[tilespmem:s15+$0x10] =	vst v27  }
0x422: {  	[tilespmem:s11+$0x20] =	vst v56;
	v59 =	vor.u32 v18, v22;
	v25 =	vld.idx.msk [tilespmem:v54+s0+$0x0], $0xffff  }
0x423: {  	v60 =	vor.u32 v18, v23;
	v19 =	vld.idx.msk [tilespmem:v19+s0+$0x0], $0xffff;
	[tilespmem:s13+$0x20] =	vst v31  }
0x424: {  	v20 =	vld.idx.msk [tilespmem:v20+s0+$0x0], $0xffff;
	[tilespmem:s21+$0x10] =	vst v26  }
0x425: {  	v21 =	vld.idx.msk [tilespmem:v55+s0+$0x0], $0xffff;
	[tilespmem:s20+$0x10] =	vst v28  }
0x426: {  	v61 =	vor.u32 v18, v24;
	[tilespmem:s14+$0x20] =	vst v58;
	v62 =	vld.idx.msk [tilespmem:v57+s0+$0x0], $0xffff  }
0x427: {  	v63 =	vor.u32 v18, v36;
	v22 =	vld.idx.msk [tilespmem:v59+s0+$0x0], $0xffff;
	[tilespmem:s15+$0x20] =	vst v25  }
0x428: {  	[tilespmem:s11+$0x30] =	vst v19;
	v23 =	vld.idx.msk [tilespmem:v60+s0+$0x0], $0xffff  }
0x429: {  	[tilespmem:s13+$0x30] =	vst v20  }
0x42a: {  	[tilespmem:s21+$0x20] =	vst v21  }
0x42b: {  	v21 =	vld.idx.msk [tilespmem:v61+s0+$0x0], $0xffff;
	[tilespmem:s20+$0x20] =	vst v62  }
0x42c: {  	[tilespmem:s14+$0x30] =	vst v22;
	v19 =	vld.idx.msk [tilespmem:v63+s0+$0x0], $0xffff  }
0x42d: {  	[tilespmem:s15+$0x30] =	vst v23  }
0x42e: {  	s9 =	rddreg [dreg:$0xa]  }
0x42f: {  	s7 =	sadd.s32 s7, s9  }
0x430: {  	[tilespmem:s21+$0x30] =	vst v21;
	s7 =	sshrl.u32 s7, $0x3  }
.Ltmp14:
0x431: {  	s7 =	sadd.s32 s2, s7;
	[tilespmem:s20+$0x30] =	vst v19;
	(pc) =	sbr.rel .LBB2_22-.Ltmp14, $4  }
0x432: {  	[hbm4b:s7+s29] =	stream.strided.scatter [tilespmem:s31], [sflag:$0x3], $0x1400, s30, s29, $0x38;
	[tilespmem:$0x1A080] =	vst v63  }
0x433: {  	_ =	swait.ge [sflag:s3], $0x1400  }
0x434: {  	[sflag:s3] =	ssyncset.done $0x0  }
0x435: {  	[sflag:s3] =	ssyncadd.s32 $0xFFFFEC00  }
.LBB2_24:
0x436: {  	_ =	sfence.sel $0x180000  }
0x437: {  	[bflag:$0x0] =	sbarrier.arrive $0xFFFF  }
0x438: {  	_ =	strace $0x90000047  }
0x439: {  	s0 =	stileid.u32;
	[bflag:$0x2] =	sbarrier.arrive $0xFFFF  }
0x43a: {  	p0 =	sne.s32 s0, $0x0;
	s0 =	rddreg [dreg:$0x3]  }
0x43b: {  	s0 =	sadd.s32 @!p0 $0x100000, s0  }
0x43c: {  	[sflag:s0] =	ssyncadd.tile.s32 @!p0 $0x1;
	_ =	shalt  }
.Lfunc_end2:
_tile_overlayer_lowered:
.L_overlay_start_2:
0x43d: {  	(tag) =	ssettag $0x2  }
0x43e: {  	s0 =	rddreg [dreg:$0x0];
	s2 =	stileid.u32  }
0x43f: {  	s1 =	rddreg [dreg:$0x1];
	p0 =	sne.s32 s2, $0x0  }
0x440: {  	s3 =	rddreg [dreg:$0x2];
	[bflag:$0x3] =	sbarrier.arrive $0xFFFF;
	s2 =	simm.s32 @!p0 $0x1C03  }
0x441: {  	[timem:s3], [sflag:s2] =	dma.local @!p0 [hbm:s0], s1  }
0x442: {  	s0 =	simm.s32 @!p0 $0x3  }
0x443: {  	_ =	swait.ge @!p0 [sflag:s0], s1  }
0x444: {  	s1 =	ssub.s32 @!p0 $0x0, s1;
	[sflag:s0] =	ssyncset.done @!p0 $0x0  }
0x445: {  	[sflag:s0] =	ssyncadd.s32 @!p0 s1  }
0x446: {  	[bflag:$0x3] =	sbarrier.arrive $0xFFFF  }
0x447: {  	_ =	shalt  }

</sc_bundles>
